<compile_context>
chip_gen: v7x
topology: tpu7x:2x2x1
jax: 0.10.2.dev20260603
libtpu: 0.0.44.dev20260713+nightly
codegen_flags: <defaults>
</compile_context>

<pallas_src>
import functools

import jax
import jax.numpy as jnp
from jax import lax
from jax.experimental import pallas as pl
from jax.experimental.pallas import tpu as pltpu
from jax.experimental.pallas import tpu_sc as plsc

_LANES = 16
_G = 32
_IMAX = 2**31 - 1


def _bcast_max(v):
    pre = plsc.cummax(v)
    suf = jnp.flip(plsc.cummax(jnp.flip(v, 0)), 0)
    return jnp.maximum(pre, suf)


def _bcast_min_i32(v):
    return -_bcast_max(-v)


def _fps_body(N, K, NG, NC, pts_hbm, oidx_hbm, ctr_hbm, rad_hbm, first_hbm,
              out_hbm, xv, yv, zv, dv, ov, cxv, cyv, czv, rv, wv, gmv, glm,
              actv, fv, ob):
    c = lax.axis_index("c")
    s = lax.axis_index("s")
    b = s * NC + c

    pltpu.sync_copy(pts_hbm.at[0, b], xv)
    pltpu.sync_copy(pts_hbm.at[1, b], yv)
    pltpu.sync_copy(pts_hbm.at[2, b], zv)
    pltpu.sync_copy(oidx_hbm.at[b], ov)
    pltpu.sync_copy(ctr_hbm.at[0, b], cxv)
    pltpu.sync_copy(ctr_hbm.at[1, b], cyv)
    pltpu.sync_copy(ctr_hbm.at[2, b], czv)
    pltpu.sync_copy(rad_hbm.at[b], rv)
    pltpu.sync_copy(first_hbm, fv)

    lane = lax.broadcasted_iota(jnp.int32, (_LANES,), 0)
    out_mask = lane < 3
    lane0 = lane == 0

    def init_d(i, carry):
        dv[pl.ds(i * _LANES, _LANES)] = jnp.full((_LANES,), 1e10, jnp.float32)
        return carry

    lax.fori_loop(0, N // _LANES, init_d, 0, unroll=8)

    def init_g(i, carry):
        gmv[pl.ds(i * _LANES, _LANES)] = jnp.full((_LANES,), 1e10, jnp.float32)
        wv[pl.ds(i * _LANES, _LANES)] = jnp.full((_LANES,), 3e38, jnp.float32)
        actv[pl.ds(i * _LANES, _LANES)] = jnp.zeros((_LANES,), jnp.int32)
        return carry

    lax.fori_loop(0, NG // _LANES, init_g, 0, unroll=4)
    actv[pl.ds(NG, _LANES)] = jnp.zeros((_LANES,), jnp.int32)

    def init_glm(i, carry):
        glm[pl.ds(i * _LANES, _LANES)] = jnp.full((_LANES,), 1e10, jnp.float32)
        return carry

    lax.fori_loop(0, NG, init_glm, 0, unroll=8)

    bvec = jnp.full((_LANES,), b, dtype=jnp.int32)
    fvec = plsc.load_gather(fv, [bvec])
    lx = plsc.load_gather(xv, [fvec])
    ly = plsc.load_gather(yv, [fvec])
    lz = plsc.load_gather(zv, [fvec])
    out0 = jnp.where(lane == 0, lx, jnp.where(lane == 1, ly, lz))
    plsc.store_scatter(ob, [lane], out0, mask=out_mask)

    def step(t, carry):
        clx, cly, clz = carry

        def ph1(i, offv):
            gbase = i * _LANES
            cx = cxv[pl.ds(gbase, _LANES)]
            cy = cyv[pl.ds(gbase, _LANES)]
            cz = czv[pl.ds(gbase, _LANES)]
            w = wv[pl.ds(gbase, _LANES)]
            dcx = cx - clx
            dcy = cy - cly
            dcz = cz - clz
            dc = (dcx * dcx + dcz * dcz) + dcy * dcy
            act = dc < w
            pos = offv + plsc.cumsum(jnp.where(act, 1, 0)) - 1
            plsc.store_scatter(actv, [pos], gbase + lane, mask=act)
            return offv + plsc.all_reduce_population_count(act)

        offv = plsc.parallel_loop(
            0, NG // _LANES, 1, unroll=4,
            carry=jnp.zeros((_LANES,), jnp.int32))(ph1)
        na = jnp.max(offv)

        def ph2a(j):
            gidv = plsc.load_gather(actv, [jnp.full((_LANES,), j, jnp.int32)])
            basev = gidv * _G + lane
            gm = jnp.full((_LANES,), -1.0, jnp.float32)
            for u in range(_G // _LANES):
                idxv = basev + u * _LANES
                dx = plsc.load_gather(xv, [idxv]) - clx
                dy = plsc.load_gather(yv, [idxv]) - cly
                dz = plsc.load_gather(zv, [idxv]) - clz
                dist = (dx * dx + dz * dz) + dy * dy
                d = jnp.minimum(plsc.load_gather(dv, [idxv]), dist)
                plsc.store_scatter(dv, [idxv], d)
                gm = jnp.maximum(gm, d)
            plsc.store_scatter(glm, [gidv * _LANES + lane], gm)

        plsc.parallel_loop(0, na, 1, unroll=2)(ph2a)

        def ph2b(j):
            gidv = plsc.load_gather(actv, [j * _LANES + lane])
            gb = gidv * _LANES
            gm = plsc.load_gather(glm, [gb])
            for l in range(1, _LANES):
                gm = jnp.maximum(gm, plsc.load_gather(glm, [gb + l]))
            yi = jnp.int32(0x5F3759DF) - (plsc.bitcast(gm, jnp.int32) >> 1)
            y0 = plsc.bitcast(yi, jnp.float32)
            y1 = y0 * (1.5 - 0.5 * gm * y0 * y0)
            y2 = y1 * (1.5 - 0.5 * gm * y1 * y1)
            sq = jnp.maximum(gm * y2 * 1.0001, 1.2e-19)
            rg = plsc.load_gather(rv, [gidv])
            w = (rg + sq) * (rg + sq) * 1.0001
            plsc.store_scatter(gmv, [gidv], gm)
            plsc.store_scatter(wv, [gidv], w)

        plsc.parallel_loop(0, (na + _LANES - 1) // _LANES, 1)(ph2b)

        def ph3(i, rm):
            return jnp.maximum(rm, gmv[pl.ds(i * _LANES, _LANES)])

        rm = lax.fori_loop(0, NG // _LANES, ph3,
                           jnp.full((_LANES,), -1.0, jnp.float32), unroll=4)
        mv = _bcast_max(rm)

        def ph3b(i, offv):
            gbase = i * _LANES
            cand = gmv[pl.ds(gbase, _LANES)] == mv
            pos = offv + plsc.cumsum(jnp.where(cand, 1, 0)) - 1
            plsc.store_scatter(actv, [pos], gbase + lane, mask=cand)
            return offv + plsc.all_reduce_population_count(cand)

        offv = lax.fori_loop(0, NG // _LANES, ph3b,
                             jnp.zeros((_LANES,), jnp.int32))
        nc = jnp.max(offv)

        def ph3c(j, best):
            bo, bp = best
            gidv = plsc.load_gather(actv, [jnp.full((_LANES,), j, jnp.int32)])
            basev = gidv * _G + lane
            o_lane = jnp.full((_LANES,), _IMAX, jnp.int32)
            p_lane = jnp.full((_LANES,), _IMAX, jnp.int32)
            for u in range(_G // _LANES):
                idxv = basev + u * _LANES
                hit = plsc.load_gather(dv, [idxv]) == mv
                oo = jnp.where(hit, plsc.load_gather(ov, [idxv]), _IMAX)
                take = oo < o_lane
                o_lane = jnp.where(take, oo, o_lane)
                p_lane = jnp.where(take, idxv, p_lane)
            obst = _bcast_min_i32(o_lane)
            pbst = _bcast_min_i32(jnp.where(o_lane == obst, p_lane, _IMAX))
            take = obst < bo
            return (jnp.where(take, obst, bo), jnp.where(take, pbst, bp))

        _, bestp = lax.fori_loop(
            0, nc, ph3c,
            (jnp.full((_LANES,), _IMAX, jnp.int32), jnp.full((_LANES,), _IMAX, jnp.int32)))

        nlx = plsc.load_gather(xv, [bestp])
        nly = plsc.load_gather(yv, [bestp])
        nlz = plsc.load_gather(zv, [bestp])
        outv = jnp.where(lane == 0, nlx, jnp.where(lane == 1, nly, nlz))
        plsc.store_scatter(ob, [3 * (t + 1) + lane], outv, mask=out_mask)
        return nlx, nly, nlz

    lax.fori_loop(0, K - 1, step, (lx, ly, lz))
    pltpu.sync_copy(ob, out_hbm.at[b])


def _morton(q):
    def spread(x):
        x = (x | (x << 16)) & 0x030000FF
        x = (x | (x << 8)) & 0x0300F00F
        x = (x | (x << 4)) & 0x030C30C3
        x = (x | (x << 2)) & 0x09249249
        return x

    return (spread(q[..., 0]) << 2) | (spread(q[..., 1]) << 1) | spread(q[..., 2])


def kernel(points):
    B, N, D = points.shape
    K = min(1024, N)
    NG = N // _G
    assert D == 3, "kernel specialized to 3-D points"

    info = plsc.get_sparse_core_info()
    NC, NS = info.num_cores, info.num_subcores
    assert NC * NS == B, (NC, NS, B)

    lo = jnp.min(points, axis=1, keepdims=True)
    hi = jnp.max(points, axis=1, keepdims=True)
    q = jnp.clip(((points - lo) / (hi - lo + 1e-30) * 1024).astype(jnp.int32),
                 0, 1023)
    perm = jnp.argsort(_morton(q), axis=-1).astype(jnp.int32)
    pts_t = jnp.take_along_axis(jnp.transpose(points, (2, 0, 1)),
                                perm[None, :, :], axis=2)

    grp_t = pts_t.reshape(3, B, NG, _G)
    ctr = grp_t.mean(axis=3)
    diff = grp_t - ctr[..., None]
    rad = jnp.sqrt((diff * diff).sum(axis=0).max(axis=-1))
    rad = rad * 1.001 + 1e-30

    first = jax.random.randint(jax.random.key(1), (B,), 0, N).astype(jnp.int32)
    first_p = jnp.argmax(perm == first[:, None], axis=-1).astype(jnp.int32)

    mesh = plsc.VectorSubcoreMesh(core_axis_name="c", subcore_axis_name="s")
    fps = pl.kernel(
        functools.partial(_fps_body, N, K, NG, NC),
        mesh=mesh,
        compiler_params=pltpu.CompilerParams(needs_layout_passes=False),
        out_type=jax.ShapeDtypeStruct((B, K * 3), jnp.float32),
        scratch_types=[
            pltpu.VMEM((N,), jnp.float32),
            pltpu.VMEM((N,), jnp.float32),
            pltpu.VMEM((N,), jnp.float32),
            pltpu.VMEM((N,), jnp.float32),
            pltpu.VMEM((N,), jnp.int32),
            pltpu.VMEM((NG,), jnp.float32),
            pltpu.VMEM((NG,), jnp.float32),
            pltpu.VMEM((NG,), jnp.float32),
            pltpu.VMEM((NG,), jnp.float32),
            pltpu.VMEM((NG,), jnp.float32),
            pltpu.VMEM((NG,), jnp.float32),
            pltpu.VMEM((NG * _LANES,), jnp.float32),
            pltpu.VMEM((NG + _LANES,), jnp.int32),
            pltpu.VMEM((B,), jnp.int32),
            pltpu.VMEM((K * 3,), jnp.float32),
        ],
    )
    out = fps(pts_t, perm, ctr, rad, first_p)
    return out.reshape(B, K, 3)

# --- scband reference (transcript-rebuilt; emitter-appended) ---
"""Pipeline reference for scband-farthest-point-sampling-26980984553513 (READ-ONLY COPY).

The authoritative reference and input builder live on the scoring server;
editing this copy changes nothing except your own understanding.
"""

import jax, jax.numpy as jnp
import numpy as np

NUM_POINTS = 1024


def setup_inputs(seed: int = 0) -> dict:
    key = jax.random.key(seed)
    points = jax.random.normal(key, (32, 8192, 3), dtype=jnp.float32)
    return {"points": points}


def reference(points):
    B, N, D = points.shape
    K = min(NUM_POINTS, N)
    pts3 = points[:, :, :3]
    # first centroid: random index per batch (fixed key for determinism,
    # mirrors torch.randint(0, N, (B,)))
    first = jax.random.randint(jax.random.key(1), (B,), 0, N)
    init_dist = jnp.full((B, N), 1e10, dtype=points.dtype)
    barange = jnp.arange(B)

    def step(carry, _):
        distances, last = carry
        last_point = pts3[barange, last][:, None, :]  # (B, 1, 3)
        dist = jnp.sum((pts3 - last_point) ** 2, axis=-1)  # (B, N)
        distances = jnp.minimum(distances, dist)
        nxt = jnp.argmax(distances, axis=-1)  # (B,)
        return (distances, nxt), nxt

    (_, _), rest = jax.lax.scan(step, (init_dist, first), None, length=K - 1)
    centroids = jnp.concatenate([first[:, None], rest.T], axis=1)  # (B, K)
    batch_idx = jnp.arange(B)[:, None]
    return points[batch_idx, centroids]

if __name__ == "__main__":
    import jax
    _d = setup_inputs()
    print(jax.jit(kernel)(*tuple(_d.values())))

</pallas_src>

<mosaic_0001>
#map = affine_map<(d0, d1) -> (0, 0, 0)>
#map1 = affine_map<(d0, d1) -> (0, 0)>
#map2 = affine_map<(d0, d1) -> (0)>
module attributes {stable_mosaic.version = 14 : i64} {
  func.func @_fps_body(%arg0: i32, %arg1: i32, %arg2: memref<3x32x8192xf32, #tpu.memory_space<hbm>>, %arg3: memref<32x8192xi32, #tpu.memory_space<hbm>>, %arg4: memref<3x32x256xf32, #tpu.memory_space<hbm>>, %arg5: memref<32x256xf32, #tpu.memory_space<hbm>>, %arg6: memref<32xi32, #tpu.memory_space<hbm>>, %arg7: memref<32x3072xf32, #tpu.memory_space<hbm>>, %arg8: memref<8192xf32, #tpu.memory_space<vmem>>, %arg9: memref<8192xf32, #tpu.memory_space<vmem>>, %arg10: memref<8192xf32, #tpu.memory_space<vmem>>, %arg11: memref<8192xf32, #tpu.memory_space<vmem>>, %arg12: memref<8192xi32, #tpu.memory_space<vmem>>, %arg13: memref<256xf32, #tpu.memory_space<vmem>>, %arg14: memref<256xf32, #tpu.memory_space<vmem>>, %arg15: memref<256xf32, #tpu.memory_space<vmem>>, %arg16: memref<256xf32, #tpu.memory_space<vmem>>, %arg17: memref<256xf32, #tpu.memory_space<vmem>>, %arg18: memref<256xf32, #tpu.memory_space<vmem>>, %arg19: memref<4096xf32, #tpu.memory_space<vmem>>, %arg20: memref<272xi32, #tpu.memory_space<vmem>>, %arg21: memref<32xi32, #tpu.memory_space<vmem>>, %arg22: memref<3072xf32, #tpu.memory_space<vmem>>) attributes {dimension_semantics = [#tpu.dimension_semantics<core_parallel>, #tpu.dimension_semantics<subcore_parallel>], iteration_bounds = array<i64: 2, 16>, scalar_prefetch = 0 : i64, scratch_operands = 15 : i64, tpu.core_type = #tpu.core_type<sc_vector_subcore>, window_params = [{transform_indices = #map}, {transform_indices = #map1}, {transform_indices = #map}, {transform_indices = #map1}, {transform_indices = #map2}, {transform_indices = #map1}]} {
    %mul3A = arith.constant 2 : i32
    %mul3A_0 = arith.muli %arg1, %mul3A : i32
    %add3A = arith.addi %mul3A_0, %arg0 : i32
    %run_scoped3A = arith.constant 0 : i32
    "tpu.region"() ({
      %run_scoped3A_46 = tpu.sem_alloc : memref<!tpu.dma_semaphore, #tpu.memory_space<semaphore_mem>>
      %dma_start3A = arith.constant 0 : i32
      %dma_start3A_47 = tpu.memref_slice %arg2[%run_scoped3A, %add3A, %dma_start3A] : memref<3x32x8192xf32, #tpu.memory_space<hbm>> -> memref<1x1x8192xf32, #tpu.memory_space<hbm>>
      %dma_start3A_48 = tpu.memref_squeeze %dma_start3A_47 : memref<1x1x8192xf32, #tpu.memory_space<hbm>> -> memref<8192xf32, #tpu.memory_space<hbm>>
      %dma_start3A_49 = arith.constant 0 : i32
      %dma_start3A_50 = tpu.memref_slice %arg2[%run_scoped3A, %add3A, %dma_start3A_49] : memref<3x32x8192xf32, #tpu.memory_space<hbm>> -> memref<1x1x8192xf32, #tpu.memory_space<hbm>>
      %dma_start3A_51 = tpu.memref_squeeze %dma_start3A_50 : memref<1x1x8192xf32, #tpu.memory_space<hbm>> -> memref<8192xf32, #tpu.memory_space<hbm>>
      tpu.enqueue_dma source(%dma_start3A_51 : memref<8192xf32, #tpu.memory_space<hbm>>) target(%arg8 : memref<8192xf32, #tpu.memory_space<vmem>>) target_semaphore(%run_scoped3A_46 : memref<!tpu.dma_semaphore, #tpu.memory_space<semaphore_mem>>)
      %dma_wait3A = arith.constant 0 : i32
      %dma_wait3A_52 = tpu.memref_slice %arg2[%run_scoped3A, %add3A, %dma_wait3A] : memref<3x32x8192xf32, #tpu.memory_space<hbm>> -> memref<1x1x8192xf32, #tpu.memory_space<hbm>>
      %dma_wait3A_53 = tpu.memref_squeeze %dma_wait3A_52 : memref<1x1x8192xf32, #tpu.memory_space<hbm>> -> memref<8192xf32, #tpu.memory_space<hbm>>
      %dma_wait3A_54 = arith.constant 0 : i32
      %dma_wait3A_55 = tpu.memref_slice %arg2[%run_scoped3A, %add3A, %dma_wait3A_54] : memref<3x32x8192xf32, #tpu.memory_space<hbm>> -> memref<1x1x8192xf32, #tpu.memory_space<hbm>>
      %dma_wait3A_56 = tpu.memref_squeeze %dma_wait3A_55 : memref<1x1x8192xf32, #tpu.memory_space<hbm>> -> memref<8192xf32, #tpu.memory_space<hbm>>
      tpu.wait_dma2 semaphore(%run_scoped3A_46 : memref<!tpu.dma_semaphore, #tpu.memory_space<semaphore_mem>>) src(%dma_wait3A_56 : memref<8192xf32, #tpu.memory_space<hbm>>) dst(%arg8 : memref<8192xf32, #tpu.memory_space<vmem>>)
      tpu.yield
    }) : () -> ()
    %run_scoped3A_1 = arith.constant 1 : i32
    "tpu.region"() ({
      %run_scoped3A_46 = tpu.sem_alloc : memref<!tpu.dma_semaphore, #tpu.memory_space<semaphore_mem>>
      %dma_start3A = arith.constant 0 : i32
      %dma_start3A_47 = tpu.memref_slice %arg2[%run_scoped3A_1, %add3A, %dma_start3A] : memref<3x32x8192xf32, #tpu.memory_space<hbm>> -> memref<1x1x8192xf32, #tpu.memory_space<hbm>>
      %dma_start3A_48 = tpu.memref_squeeze %dma_start3A_47 : memref<1x1x8192xf32, #tpu.memory_space<hbm>> -> memref<8192xf32, #tpu.memory_space<hbm>>
      %dma_start3A_49 = arith.constant 0 : i32
      %dma_start3A_50 = tpu.memref_slice %arg2[%run_scoped3A_1, %add3A, %dma_start3A_49] : memref<3x32x8192xf32, #tpu.memory_space<hbm>> -> memref<1x1x8192xf32, #tpu.memory_space<hbm>>
      %dma_start3A_51 = tpu.memref_squeeze %dma_start3A_50 : memref<1x1x8192xf32, #tpu.memory_space<hbm>> -> memref<8192xf32, #tpu.memory_space<hbm>>
      tpu.enqueue_dma source(%dma_start3A_51 : memref<8192xf32, #tpu.memory_space<hbm>>) target(%arg9 : memref<8192xf32, #tpu.memory_space<vmem>>) target_semaphore(%run_scoped3A_46 : memref<!tpu.dma_semaphore, #tpu.memory_space<semaphore_mem>>)
      %dma_wait3A = arith.constant 0 : i32
      %dma_wait3A_52 = tpu.memref_slice %arg2[%run_scoped3A_1, %add3A, %dma_wait3A] : memref<3x32x8192xf32, #tpu.memory_space<hbm>> -> memref<1x1x8192xf32, #tpu.memory_space<hbm>>
      %dma_wait3A_53 = tpu.memref_squeeze %dma_wait3A_52 : memref<1x1x8192xf32, #tpu.memory_space<hbm>> -> memref<8192xf32, #tpu.memory_space<hbm>>
      %dma_wait3A_54 = arith.constant 0 : i32
      %dma_wait3A_55 = tpu.memref_slice %arg2[%run_scoped3A_1, %add3A, %dma_wait3A_54] : memref<3x32x8192xf32, #tpu.memory_space<hbm>> -> memref<1x1x8192xf32, #tpu.memory_space<hbm>>
      %dma_wait3A_56 = tpu.memref_squeeze %dma_wait3A_55 : memref<1x1x8192xf32, #tpu.memory_space<hbm>> -> memref<8192xf32, #tpu.memory_space<hbm>>
      tpu.wait_dma2 semaphore(%run_scoped3A_46 : memref<!tpu.dma_semaphore, #tpu.memory_space<semaphore_mem>>) src(%dma_wait3A_56 : memref<8192xf32, #tpu.memory_space<hbm>>) dst(%arg9 : memref<8192xf32, #tpu.memory_space<vmem>>)
      tpu.yield
    }) : () -> ()
    %run_scoped3A_2 = arith.constant 2 : i32
    "tpu.region"() ({
      %run_scoped3A_46 = tpu.sem_alloc : memref<!tpu.dma_semaphore, #tpu.memory_space<semaphore_mem>>
      %dma_start3A = arith.constant 0 : i32
      %dma_start3A_47 = tpu.memref_slice %arg2[%run_scoped3A_2, %add3A, %dma_start3A] : memref<3x32x8192xf32, #tpu.memory_space<hbm>> -> memref<1x1x8192xf32, #tpu.memory_space<hbm>>
      %dma_start3A_48 = tpu.memref_squeeze %dma_start3A_47 : memref<1x1x8192xf32, #tpu.memory_space<hbm>> -> memref<8192xf32, #tpu.memory_space<hbm>>
      %dma_start3A_49 = arith.constant 0 : i32
      %dma_start3A_50 = tpu.memref_slice %arg2[%run_scoped3A_2, %add3A, %dma_start3A_49] : memref<3x32x8192xf32, #tpu.memory_space<hbm>> -> memref<1x1x8192xf32, #tpu.memory_space<hbm>>
      %dma_start3A_51 = tpu.memref_squeeze %dma_start3A_50 : memref<1x1x8192xf32, #tpu.memory_space<hbm>> -> memref<8192xf32, #tpu.memory_space<hbm>>
      tpu.enqueue_dma source(%dma_start3A_51 : memref<8192xf32, #tpu.memory_space<hbm>>) target(%arg10 : memref<8192xf32, #tpu.memory_space<vmem>>) target_semaphore(%run_scoped3A_46 : memref<!tpu.dma_semaphore, #tpu.memory_space<semaphore_mem>>)
      %dma_wait3A = arith.constant 0 : i32
      %dma_wait3A_52 = tpu.memref_slice %arg2[%run_scoped3A_2, %add3A, %dma_wait3A] : memref<3x32x8192xf32, #tpu.memory_space<hbm>> -> memref<1x1x8192xf32, #tpu.memory_space<hbm>>
      %dma_wait3A_53 = tpu.memref_squeeze %dma_wait3A_52 : memref<1x1x8192xf32, #tpu.memory_space<hbm>> -> memref<8192xf32, #tpu.memory_space<hbm>>
      %dma_wait3A_54 = arith.constant 0 : i32
      %dma_wait3A_55 = tpu.memref_slice %arg2[%run_scoped3A_2, %add3A, %dma_wait3A_54] : memref<3x32x8192xf32, #tpu.memory_space<hbm>> -> memref<1x1x8192xf32, #tpu.memory_space<hbm>>
      %dma_wait3A_56 = tpu.memref_squeeze %dma_wait3A_55 : memref<1x1x8192xf32, #tpu.memory_space<hbm>> -> memref<8192xf32, #tpu.memory_space<hbm>>
      tpu.wait_dma2 semaphore(%run_scoped3A_46 : memref<!tpu.dma_semaphore, #tpu.memory_space<semaphore_mem>>) src(%dma_wait3A_56 : memref<8192xf32, #tpu.memory_space<hbm>>) dst(%arg10 : memref<8192xf32, #tpu.memory_space<vmem>>)
      tpu.yield
    }) : () -> ()
    "tpu.region"() ({
      %run_scoped3A_46 = tpu.sem_alloc : memref<!tpu.dma_semaphore, #tpu.memory_space<semaphore_mem>>
      %dma_start3A = arith.constant 0 : i32
      %dma_start3A_47 = tpu.memref_slice %arg3[%add3A, %dma_start3A] : memref<32x8192xi32, #tpu.memory_space<hbm>> -> memref<1x8192xi32, #tpu.memory_space<hbm>>
      %dma_start3A_48 = tpu.memref_squeeze %dma_start3A_47 : memref<1x8192xi32, #tpu.memory_space<hbm>> -> memref<8192xi32, #tpu.memory_space<hbm>>
      %dma_start3A_49 = arith.constant 0 : i32
      %dma_start3A_50 = tpu.memref_slice %arg3[%add3A, %dma_start3A_49] : memref<32x8192xi32, #tpu.memory_space<hbm>> -> memref<1x8192xi32, #tpu.memory_space<hbm>>
      %dma_start3A_51 = tpu.memref_squeeze %dma_start3A_50 : memref<1x8192xi32, #tpu.memory_space<hbm>> -> memref<8192xi32, #tpu.memory_space<hbm>>
      tpu.enqueue_dma source(%dma_start3A_51 : memref<8192xi32, #tpu.memory_space<hbm>>) target(%arg12 : memref<8192xi32, #tpu.memory_space<vmem>>) target_semaphore(%run_scoped3A_46 : memref<!tpu.dma_semaphore, #tpu.memory_space<semaphore_mem>>)
      %dma_wait3A = arith.constant 0 : i32
      %dma_wait3A_52 = tpu.memref_slice %arg3[%add3A, %dma_wait3A] : memref<32x8192xi32, #tpu.memory_space<hbm>> -> memref<1x8192xi32, #tpu.memory_space<hbm>>
      %dma_wait3A_53 = tpu.memref_squeeze %dma_wait3A_52 : memref<1x8192xi32, #tpu.memory_space<hbm>> -> memref<8192xi32, #tpu.memory_space<hbm>>
      %dma_wait3A_54 = arith.constant 0 : i32
      %dma_wait3A_55 = tpu.memref_slice %arg3[%add3A, %dma_wait3A_54] : memref<32x8192xi32, #tpu.memory_space<hbm>> -> memref<1x8192xi32, #tpu.memory_space<hbm>>
      %dma_wait3A_56 = tpu.memref_squeeze %dma_wait3A_55 : memref<1x8192xi32, #tpu.memory_space<hbm>> -> memref<8192xi32, #tpu.memory_space<hbm>>
      tpu.wait_dma2 semaphore(%run_scoped3A_46 : memref<!tpu.dma_semaphore, #tpu.memory_space<semaphore_mem>>) src(%dma_wait3A_56 : memref<8192xi32, #tpu.memory_space<hbm>>) dst(%arg12 : memref<8192xi32, #tpu.memory_space<vmem>>)
      tpu.yield
    }) : () -> ()
    %run_scoped3A_3 = arith.constant 0 : i32
    "tpu.region"() ({
      %run_scoped3A_46 = tpu.sem_alloc : memref<!tpu.dma_semaphore, #tpu.memory_space<semaphore_mem>>
      %dma_start3A = arith.constant 0 : i32
      %dma_start3A_47 = tpu.memref_slice %arg4[%run_scoped3A_3, %add3A, %dma_start3A] : memref<3x32x256xf32, #tpu.memory_space<hbm>> -> memref<1x1x256xf32, #tpu.memory_space<hbm>>
      %dma_start3A_48 = tpu.memref_squeeze %dma_start3A_47 : memref<1x1x256xf32, #tpu.memory_space<hbm>> -> memref<256xf32, #tpu.memory_space<hbm>>
      %dma_start3A_49 = arith.constant 0 : i32
      %dma_start3A_50 = tpu.memref_slice %arg4[%run_scoped3A_3, %add3A, %dma_start3A_49] : memref<3x32x256xf32, #tpu.memory_space<hbm>> -> memref<1x1x256xf32, #tpu.memory_space<hbm>>
      %dma_start3A_51 = tpu.memref_squeeze %dma_start3A_50 : memref<1x1x256xf32, #tpu.memory_space<hbm>> -> memref<256xf32, #tpu.memory_space<hbm>>
      tpu.enqueue_dma source(%dma_start3A_51 : memref<256xf32, #tpu.memory_space<hbm>>) target(%arg13 : memref<256xf32, #tpu.memory_space<vmem>>) target_semaphore(%run_scoped3A_46 : memref<!tpu.dma_semaphore, #tpu.memory_space<semaphore_mem>>)
      %dma_wait3A = arith.constant 0 : i32
      %dma_wait3A_52 = tpu.memref_slice %arg4[%run_scoped3A_3, %add3A, %dma_wait3A] : memref<3x32x256xf32, #tpu.memory_space<hbm>> -> memref<1x1x256xf32, #tpu.memory_space<hbm>>
      %dma_wait3A_53 = tpu.memref_squeeze %dma_wait3A_52 : memref<1x1x256xf32, #tpu.memory_space<hbm>> -> memref<256xf32, #tpu.memory_space<hbm>>
      %dma_wait3A_54 = arith.constant 0 : i32
      %dma_wait3A_55 = tpu.memref_slice %arg4[%run_scoped3A_3, %add3A, %dma_wait3A_54] : memref<3x32x256xf32, #tpu.memory_space<hbm>> -> memref<1x1x256xf32, #tpu.memory_space<hbm>>
      %dma_wait3A_56 = tpu.memref_squeeze %dma_wait3A_55 : memref<1x1x256xf32, #tpu.memory_space<hbm>> -> memref<256xf32, #tpu.memory_space<hbm>>
      tpu.wait_dma2 semaphore(%run_scoped3A_46 : memref<!tpu.dma_semaphore, #tpu.memory_space<semaphore_mem>>) src(%dma_wait3A_56 : memref<256xf32, #tpu.memory_space<hbm>>) dst(%arg13 : memref<256xf32, #tpu.memory_space<vmem>>)
      tpu.yield
    }) : () -> ()
    %run_scoped3A_4 = arith.constant 1 : i32
    "tpu.region"() ({
      %run_scoped3A_46 = tpu.sem_alloc : memref<!tpu.dma_semaphore, #tpu.memory_space<semaphore_mem>>
      %dma_start3A = arith.constant 0 : i32
      %dma_start3A_47 = tpu.memref_slice %arg4[%run_scoped3A_4, %add3A, %dma_start3A] : memref<3x32x256xf32, #tpu.memory_space<hbm>> -> memref<1x1x256xf32, #tpu.memory_space<hbm>>
      %dma_start3A_48 = tpu.memref_squeeze %dma_start3A_47 : memref<1x1x256xf32, #tpu.memory_space<hbm>> -> memref<256xf32, #tpu.memory_space<hbm>>
      %dma_start3A_49 = arith.constant 0 : i32
      %dma_start3A_50 = tpu.memref_slice %arg4[%run_scoped3A_4, %add3A, %dma_start3A_49] : memref<3x32x256xf32, #tpu.memory_space<hbm>> -> memref<1x1x256xf32, #tpu.memory_space<hbm>>
      %dma_start3A_51 = tpu.memref_squeeze %dma_start3A_50 : memref<1x1x256xf32, #tpu.memory_space<hbm>> -> memref<256xf32, #tpu.memory_space<hbm>>
      tpu.enqueue_dma source(%dma_start3A_51 : memref<256xf32, #tpu.memory_space<hbm>>) target(%arg14 : memref<256xf32, #tpu.memory_space<vmem>>) target_semaphore(%run_scoped3A_46 : memref<!tpu.dma_semaphore, #tpu.memory_space<semaphore_mem>>)
      %dma_wait3A = arith.constant 0 : i32
      %dma_wait3A_52 = tpu.memref_slice %arg4[%run_scoped3A_4, %add3A, %dma_wait3A] : memref<3x32x256xf32, #tpu.memory_space<hbm>> -> memref<1x1x256xf32, #tpu.memory_space<hbm>>
      %dma_wait3A_53 = tpu.memref_squeeze %dma_wait3A_52 : memref<1x1x256xf32, #tpu.memory_space<hbm>> -> memref<256xf32, #tpu.memory_space<hbm>>
      %dma_wait3A_54 = arith.constant 0 : i32
      %dma_wait3A_55 = tpu.memref_slice %arg4[%run_scoped3A_4, %add3A, %dma_wait3A_54] : memref<3x32x256xf32, #tpu.memory_space<hbm>> -> memref<1x1x256xf32, #tpu.memory_space<hbm>>
      %dma_wait3A_56 = tpu.memref_squeeze %dma_wait3A_55 : memref<1x1x256xf32, #tpu.memory_space<hbm>> -> memref<256xf32, #tpu.memory_space<hbm>>
      tpu.wait_dma2 semaphore(%run_scoped3A_46 : memref<!tpu.dma_semaphore, #tpu.memory_space<semaphore_mem>>) src(%dma_wait3A_56 : memref<256xf32, #tpu.memory_space<hbm>>) dst(%arg14 : memref<256xf32, #tpu.memory_space<vmem>>)
      tpu.yield
    }) : () -> ()
    %run_scoped3A_5 = arith.constant 2 : i32
    "tpu.region"() ({
      %run_scoped3A_46 = tpu.sem_alloc : memref<!tpu.dma_semaphore, #tpu.memory_space<semaphore_mem>>
      %dma_start3A = arith.constant 0 : i32
      %dma_start3A_47 = tpu.memref_slice %arg4[%run_scoped3A_5, %add3A, %dma_start3A] : memref<3x32x256xf32, #tpu.memory_space<hbm>> -> memref<1x1x256xf32, #tpu.memory_space<hbm>>
      %dma_start3A_48 = tpu.memref_squeeze %dma_start3A_47 : memref<1x1x256xf32, #tpu.memory_space<hbm>> -> memref<256xf32, #tpu.memory_space<hbm>>
      %dma_start3A_49 = arith.constant 0 : i32
      %dma_start3A_50 = tpu.memref_slice %arg4[%run_scoped3A_5, %add3A, %dma_start3A_49] : memref<3x32x256xf32, #tpu.memory_space<hbm>> -> memref<1x1x256xf32, #tpu.memory_space<hbm>>
      %dma_start3A_51 = tpu.memref_squeeze %dma_start3A_50 : memref<1x1x256xf32, #tpu.memory_space<hbm>> -> memref<256xf32, #tpu.memory_space<hbm>>
      tpu.enqueue_dma source(%dma_start3A_51 : memref<256xf32, #tpu.memory_space<hbm>>) target(%arg15 : memref<256xf32, #tpu.memory_space<vmem>>) target_semaphore(%run_scoped3A_46 : memref<!tpu.dma_semaphore, #tpu.memory_space<semaphore_mem>>)
      %dma_wait3A = arith.constant 0 : i32
      %dma_wait3A_52 = tpu.memref_slice %arg4[%run_scoped3A_5, %add3A, %dma_wait3A] : memref<3x32x256xf32, #tpu.memory_space<hbm>> -> memref<1x1x256xf32, #tpu.memory_space<hbm>>
      %dma_wait3A_53 = tpu.memref_squeeze %dma_wait3A_52 : memref<1x1x256xf32, #tpu.memory_space<hbm>> -> memref<256xf32, #tpu.memory_space<hbm>>
      %dma_wait3A_54 = arith.constant 0 : i32
      %dma_wait3A_55 = tpu.memref_slice %arg4[%run_scoped3A_5, %add3A, %dma_wait3A_54] : memref<3x32x256xf32, #tpu.memory_space<hbm>> -> memref<1x1x256xf32, #tpu.memory_space<hbm>>
      %dma_wait3A_56 = tpu.memref_squeeze %dma_wait3A_55 : memref<1x1x256xf32, #tpu.memory_space<hbm>> -> memref<256xf32, #tpu.memory_space<hbm>>
      tpu.wait_dma2 semaphore(%run_scoped3A_46 : memref<!tpu.dma_semaphore, #tpu.memory_space<semaphore_mem>>) src(%dma_wait3A_56 : memref<256xf32, #tpu.memory_space<hbm>>) dst(%arg15 : memref<256xf32, #tpu.memory_space<vmem>>)
      tpu.yield
    }) : () -> ()
    "tpu.region"() ({
      %run_scoped3A_46 = tpu.sem_alloc : memref<!tpu.dma_semaphore, #tpu.memory_space<semaphore_mem>>
      %dma_start3A = arith.constant 0 : i32
      %dma_start3A_47 = tpu.memref_slice %arg5[%add3A, %dma_start3A] : memref<32x256xf32, #tpu.memory_space<hbm>> -> memref<1x256xf32, #tpu.memory_space<hbm>>
      %dma_start3A_48 = tpu.memref_squeeze %dma_start3A_47 : memref<1x256xf32, #tpu.memory_space<hbm>> -> memref<256xf32, #tpu.memory_space<hbm>>
      %dma_start3A_49 = arith.constant 0 : i32
      %dma_start3A_50 = tpu.memref_slice %arg5[%add3A, %dma_start3A_49] : memref<32x256xf32, #tpu.memory_space<hbm>> -> memref<1x256xf32, #tpu.memory_space<hbm>>
      %dma_start3A_51 = tpu.memref_squeeze %dma_start3A_50 : memref<1x256xf32, #tpu.memory_space<hbm>> -> memref<256xf32, #tpu.memory_space<hbm>>
      tpu.enqueue_dma source(%dma_start3A_51 : memref<256xf32, #tpu.memory_space<hbm>>) target(%arg16 : memref<256xf32, #tpu.memory_space<vmem>>) target_semaphore(%run_scoped3A_46 : memref<!tpu.dma_semaphore, #tpu.memory_space<semaphore_mem>>)
      %dma_wait3A = arith.constant 0 : i32
      %dma_wait3A_52 = tpu.memref_slice %arg5[%add3A, %dma_wait3A] : memref<32x256xf32, #tpu.memory_space<hbm>> -> memref<1x256xf32, #tpu.memory_space<hbm>>
      %dma_wait3A_53 = tpu.memref_squeeze %dma_wait3A_52 : memref<1x256xf32, #tpu.memory_space<hbm>> -> memref<256xf32, #tpu.memory_space<hbm>>
      %dma_wait3A_54 = arith.constant 0 : i32
      %dma_wait3A_55 = tpu.memref_slice %arg5[%add3A, %dma_wait3A_54] : memref<32x256xf32, #tpu.memory_space<hbm>> -> memref<1x256xf32, #tpu.memory_space<hbm>>
      %dma_wait3A_56 = tpu.memref_squeeze %dma_wait3A_55 : memref<1x256xf32, #tpu.memory_space<hbm>> -> memref<256xf32, #tpu.memory_space<hbm>>
      tpu.wait_dma2 semaphore(%run_scoped3A_46 : memref<!tpu.dma_semaphore, #tpu.memory_space<semaphore_mem>>) src(%dma_wait3A_56 : memref<256xf32, #tpu.memory_space<hbm>>) dst(%arg16 : memref<256xf32, #tpu.memory_space<vmem>>)
      tpu.yield
    }) : () -> ()
    "tpu.region"() ({
      %run_scoped3A_46 = tpu.sem_alloc : memref<!tpu.dma_semaphore, #tpu.memory_space<semaphore_mem>>
      tpu.enqueue_dma source(%arg6 : memref<32xi32, #tpu.memory_space<hbm>>) target(%arg21 : memref<32xi32, #tpu.memory_space<vmem>>) target_semaphore(%run_scoped3A_46 : memref<!tpu.dma_semaphore, #tpu.memory_space<semaphore_mem>>)
      tpu.wait_dma2 semaphore(%run_scoped3A_46 : memref<!tpu.dma_semaphore, #tpu.memory_space<semaphore_mem>>) src(%arg6 : memref<32xi32, #tpu.memory_space<hbm>>) dst(%arg21 : memref<32xi32, #tpu.memory_space<vmem>>)
      tpu.yield
    }) : () -> ()
    %iota3A = tpu.iota {dimensions = array<i32: 0>} : vector<16xi32>
    %lt3A = arith.constant 3 : i32
    %lt3A_6 = vector.broadcast %lt3A : i32 to vector<16xi32>
    %lt3A_7 = arith.cmpi slt, %iota3A, %lt3A_6 : vector<16xi32>
    %eq3A = arith.constant 0 : i32
    %eq3A_8 = vector.broadcast %eq3A : i32 to vector<16xi32>
    %eq3A_9 = arith.cmpi eq, %iota3A, %eq3A_8 : vector<16xi32>
    %scan3A = arith.constant 0 : i32
    %scan3A_10 = arith.constant 0 : i32
    %scan3A_11 = arith.constant 512 : i32
    %scan3A_12 = arith.addi %scan3A_10, %scan3A_11 : i32
    %scan3A_13 = arith.constant 8 : i32
    scf.for %scan3A_46 = %scan3A_10 to %scan3A_12 step %scan3A_13  : i32 {
      %broadcast_in_dim3A_47 = arith.constant 1.000000e+10 : f32
      %broadcast_in_dim3A_48 = vector.broadcast %broadcast_in_dim3A_47 : f32 to vector<16xf32>
      %mul3A_49 = arith.constant 16 : i32
      %mul3A_50 = arith.muli %scan3A_46, %mul3A_49 : i32
      %swap3A_51 = arith.index_cast %mul3A_50 : i32 to index
      %swap3A_52 = tpu.vector_load %arg11[%swap3A_51] {strides = array<i32>} : memref<8192xf32, #tpu.memory_space<vmem>>, vector<16xf32>,
      tpu.vector_store %arg11[%swap3A_51], %broadcast_in_dim3A_48 {strides = array<i32>} : memref<8192xf32, #tpu.memory_space<vmem>>, vector<16xf32>,
      %scan3A_53 = arith.constant 1 : i32
      %scan3A_54 = arith.addi %scan3A_46, %scan3A_53 : i32
      %broadcast_in_dim3A_55 = arith.constant 1.000000e+10 : f32
      %broadcast_in_dim3A_56 = vector.broadcast %broadcast_in_dim3A_55 : f32 to vector<16xf32>
      %mul3A_57 = arith.constant 16 : i32
      %mul3A_58 = arith.muli %scan3A_54, %mul3A_57 : i32
      %swap3A_59 = arith.index_cast %mul3A_58 : i32 to index
      %swap3A_60 = tpu.vector_load %arg11[%swap3A_59] {strides = array<i32>} : memref<8192xf32, #tpu.memory_space<vmem>>, vector<16xf32>,
      tpu.vector_store %arg11[%swap3A_59], %broadcast_in_dim3A_56 {strides = array<i32>} : memref<8192xf32, #tpu.memory_space<vmem>>, vector<16xf32>,
      %scan3A_61 = arith.constant 2 : i32
      %scan3A_62 = arith.addi %scan3A_46, %scan3A_61 : i32
      %broadcast_in_dim3A_63 = arith.constant 1.000000e+10 : f32
      %broadcast_in_dim3A_64 = vector.broadcast %broadcast_in_dim3A_63 : f32 to vector<16xf32>
      %mul3A_65 = arith.constant 16 : i32
      %mul3A_66 = arith.muli %scan3A_62, %mul3A_65 : i32
      %swap3A_67 = arith.index_cast %mul3A_66 : i32 to index
      %swap3A_68 = tpu.vector_load %arg11[%swap3A_67] {strides = array<i32>} : memref<8192xf32, #tpu.memory_space<vmem>>, vector<16xf32>,
      tpu.vector_store %arg11[%swap3A_67], %broadcast_in_dim3A_64 {strides = array<i32>} : memref<8192xf32, #tpu.memory_space<vmem>>, vector<16xf32>,
      %scan3A_69 = arith.constant 3 : i32
      %scan3A_70 = arith.addi %scan3A_46, %scan3A_69 : i32
      %broadcast_in_dim3A_71 = arith.constant 1.000000e+10 : f32
      %broadcast_in_dim3A_72 = vector.broadcast %broadcast_in_dim3A_71 : f32 to vector<16xf32>
      %mul3A_73 = arith.constant 16 : i32
      %mul3A_74 = arith.muli %scan3A_70, %mul3A_73 : i32
      %swap3A_75 = arith.index_cast %mul3A_74 : i32 to index
      %swap3A_76 = tpu.vector_load %arg11[%swap3A_75] {strides = array<i32>} : memref<8192xf32, #tpu.memory_space<vmem>>, vector<16xf32>,
      tpu.vector_store %arg11[%swap3A_75], %broadcast_in_dim3A_72 {strides = array<i32>} : memref<8192xf32, #tpu.memory_space<vmem>>, vector<16xf32>,
      %scan3A_77 = arith.constant 4 : i32
      %scan3A_78 = arith.addi %scan3A_46, %scan3A_77 : i32
      %broadcast_in_dim3A_79 = arith.constant 1.000000e+10 : f32
      %broadcast_in_dim3A_80 = vector.broadcast %broadcast_in_dim3A_79 : f32 to vector<16xf32>
      %mul3A_81 = arith.constant 16 : i32
      %mul3A_82 = arith.muli %scan3A_78, %mul3A_81 : i32
      %swap3A_83 = arith.index_cast %mul3A_82 : i32 to index
      %swap3A_84 = tpu.vector_load %arg11[%swap3A_83] {strides = array<i32>} : memref<8192xf32, #tpu.memory_space<vmem>>, vector<16xf32>,
      tpu.vector_store %arg11[%swap3A_83], %broadcast_in_dim3A_80 {strides = array<i32>} : memref<8192xf32, #tpu.memory_space<vmem>>, vector<16xf32>,
      %scan3A_85 = arith.constant 5 : i32
      %scan3A_86 = arith.addi %scan3A_46, %scan3A_85 : i32
      %broadcast_in_dim3A_87 = arith.constant 1.000000e+10 : f32
      %broadcast_in_dim3A_88 = vector.broadcast %broadcast_in_dim3A_87 : f32 to vector<16xf32>
      %mul3A_89 = arith.constant 16 : i32
      %mul3A_90 = arith.muli %scan3A_86, %mul3A_89 : i32
      %swap3A_91 = arith.index_cast %mul3A_90 : i32 to index
      %swap3A_92 = tpu.vector_load %arg11[%swap3A_91] {strides = array<i32>} : memref<8192xf32, #tpu.memory_space<vmem>>, vector<16xf32>,
      tpu.vector_store %arg11[%swap3A_91], %broadcast_in_dim3A_88 {strides = array<i32>} : memref<8192xf32, #tpu.memory_space<vmem>>, vector<16xf32>,
      %scan3A_93 = arith.constant 6 : i32
      %scan3A_94 = arith.addi %scan3A_46, %scan3A_93 : i32
      %broadcast_in_dim3A_95 = arith.constant 1.000000e+10 : f32
      %broadcast_in_dim3A_96 = vector.broadcast %broadcast_in_dim3A_95 : f32 to vector<16xf32>
      %mul3A_97 = arith.constant 16 : i32
      %mul3A_98 = arith.muli %scan3A_94, %mul3A_97 : i32
      %swap3A_99 = arith.index_cast %mul3A_98 : i32 to index
      %swap3A_100 = tpu.vector_load %arg11[%swap3A_99] {strides = array<i32>} : memref<8192xf32, #tpu.memory_space<vmem>>, vector<16xf32>,
      tpu.vector_store %arg11[%swap3A_99], %broadcast_in_dim3A_96 {strides = array<i32>} : memref<8192xf32, #tpu.memory_space<vmem>>, vector<16xf32>,
      %scan3A_101 = arith.constant 7 : i32
      %scan3A_102 = arith.addi %scan3A_46, %scan3A_101 : i32
      %broadcast_in_dim3A_103 = arith.constant 1.000000e+10 : f32
      %broadcast_in_dim3A_104 = vector.broadcast %broadcast_in_dim3A_103 : f32 to vector<16xf32>
      %mul3A_105 = arith.constant 16 : i32
      %mul3A_106 = arith.muli %scan3A_102, %mul3A_105 : i32
      %swap3A_107 = arith.index_cast %mul3A_106 : i32 to index
      %swap3A_108 = tpu.vector_load %arg11[%swap3A_107] {strides = array<i32>} : memref<8192xf32, #tpu.memory_space<vmem>>, vector<16xf32>,
      tpu.vector_store %arg11[%swap3A_107], %broadcast_in_dim3A_104 {strides = array<i32>} : memref<8192xf32, #tpu.memory_space<vmem>>, vector<16xf32>,
    }
    %scan3A_14 = arith.constant 512 : i32
    %scan3A_15 = arith.constant 0 : i32
    %scan3A_16 = arith.constant 0 : i32
    %scan3A_17 = arith.constant 16 : i32
    %scan3A_18 = arith.addi %scan3A_16, %scan3A_17 : i32
    %scan3A_19 = arith.constant 4 : i32
    scf.for %scan3A_46 = %scan3A_16 to %scan3A_18 step %scan3A_19  : i32 {
      %broadcast_in_dim3A_47 = arith.constant 1.000000e+10 : f32
      %broadcast_in_dim3A_48 = vector.broadcast %broadcast_in_dim3A_47 : f32 to vector<16xf32>
      %mul3A_49 = arith.constant 16 : i32
      %mul3A_50 = arith.muli %scan3A_46, %mul3A_49 : i32
      %swap3A_51 = arith.index_cast %mul3A_50 : i32 to index
      %swap3A_52 = tpu.vector_load %arg18[%swap3A_51] {strides = array<i32>} : memref<256xf32, #tpu.memory_space<vmem>>, vector<16xf32>,
      tpu.vector_store %arg18[%swap3A_51], %broadcast_in_dim3A_48 {strides = array<i32>} : memref<256xf32, #tpu.memory_space<vmem>>, vector<16xf32>,
      %broadcast_in_dim3A_53 = arith.constant 3.000000e+38 : f32
      %broadcast_in_dim3A_54 = vector.broadcast %broadcast_in_dim3A_53 : f32 to vector<16xf32>
      %mul3A_55 = arith.constant 16 : i32
      %mul3A_56 = arith.muli %scan3A_46, %mul3A_55 : i32
      %swap3A_57 = arith.index_cast %mul3A_56 : i32 to index
      %swap3A_58 = tpu.vector_load %arg17[%swap3A_57] {strides = array<i32>} : memref<256xf32, #tpu.memory_space<vmem>>, vector<16xf32>,
      tpu.vector_store %arg17[%swap3A_57], %broadcast_in_dim3A_54 {strides = array<i32>} : memref<256xf32, #tpu.memory_space<vmem>>, vector<16xf32>,
      %broadcast_in_dim3A_59 = arith.constant 0 : i32
      %broadcast_in_dim3A_60 = vector.broadcast %broadcast_in_dim3A_59 : i32 to vector<16xi32>
      %mul3A_61 = arith.constant 16 : i32
      %mul3A_62 = arith.muli %scan3A_46, %mul3A_61 : i32
      %swap3A_63 = arith.index_cast %mul3A_62 : i32 to index
      %swap3A_64 = tpu.vector_load %arg20[%swap3A_63] {strides = array<i32>} : memref<272xi32, #tpu.memory_space<vmem>>, vector<16xi32>,
      tpu.vector_store %arg20[%swap3A_63], %broadcast_in_dim3A_60 {strides = array<i32>} : memref<272xi32, #tpu.memory_space<vmem>>, vector<16xi32>,
      %scan3A_65 = arith.constant 1 : i32
      %scan3A_66 = arith.addi %scan3A_46, %scan3A_65 : i32
      %broadcast_in_dim3A_67 = arith.constant 1.000000e+10 : f32
      %broadcast_in_dim3A_68 = vector.broadcast %broadcast_in_dim3A_67 : f32 to vector<16xf32>
      %mul3A_69 = arith.constant 16 : i32
      %mul3A_70 = arith.muli %scan3A_66, %mul3A_69 : i32
      %swap3A_71 = arith.index_cast %mul3A_70 : i32 to index
      %swap3A_72 = tpu.vector_load %arg18[%swap3A_71] {strides = array<i32>} : memref<256xf32, #tpu.memory_space<vmem>>, vector<16xf32>,
      tpu.vector_store %arg18[%swap3A_71], %broadcast_in_dim3A_68 {strides = array<i32>} : memref<256xf32, #tpu.memory_space<vmem>>, vector<16xf32>,
      %broadcast_in_dim3A_73 = arith.constant 3.000000e+38 : f32
      %broadcast_in_dim3A_74 = vector.broadcast %broadcast_in_dim3A_73 : f32 to vector<16xf32>
      %mul3A_75 = arith.constant 16 : i32
      %mul3A_76 = arith.muli %scan3A_66, %mul3A_75 : i32
      %swap3A_77 = arith.index_cast %mul3A_76 : i32 to index
      %swap3A_78 = tpu.vector_load %arg17[%swap3A_77] {strides = array<i32>} : memref<256xf32, #tpu.memory_space<vmem>>, vector<16xf32>,
      tpu.vector_store %arg17[%swap3A_77], %broadcast_in_dim3A_74 {strides = array<i32>} : memref<256xf32, #tpu.memory_space<vmem>>, vector<16xf32>,
      %broadcast_in_dim3A_79 = arith.constant 0 : i32
      %broadcast_in_dim3A_80 = vector.broadcast %broadcast_in_dim3A_79 : i32 to vector<16xi32>
      %mul3A_81 = arith.constant 16 : i32
      %mul3A_82 = arith.muli %scan3A_66, %mul3A_81 : i32
      %swap3A_83 = arith.index_cast %mul3A_82 : i32 to index
      %swap3A_84 = tpu.vector_load %arg20[%swap3A_83] {strides = array<i32>} : memref<272xi32, #tpu.memory_space<vmem>>, vector<16xi32>,
      tpu.vector_store %arg20[%swap3A_83], %broadcast_in_dim3A_80 {strides = array<i32>} : memref<272xi32, #tpu.memory_space<vmem>>, vector<16xi32>,
      %scan3A_85 = arith.constant 2 : i32
      %scan3A_86 = arith.addi %scan3A_46, %scan3A_85 : i32
      %broadcast_in_dim3A_87 = arith.constant 1.000000e+10 : f32
      %broadcast_in_dim3A_88 = vector.broadcast %broadcast_in_dim3A_87 : f32 to vector<16xf32>
      %mul3A_89 = arith.constant 16 : i32
      %mul3A_90 = arith.muli %scan3A_86, %mul3A_89 : i32
      %swap3A_91 = arith.index_cast %mul3A_90 : i32 to index
      %swap3A_92 = tpu.vector_load %arg18[%swap3A_91] {strides = array<i32>} : memref<256xf32, #tpu.memory_space<vmem>>, vector<16xf32>,
      tpu.vector_store %arg18[%swap3A_91], %broadcast_in_dim3A_88 {strides = array<i32>} : memref<256xf32, #tpu.memory_space<vmem>>, vector<16xf32>,
      %broadcast_in_dim3A_93 = arith.constant 3.000000e+38 : f32
      %broadcast_in_dim3A_94 = vector.broadcast %broadcast_in_dim3A_93 : f32 to vector<16xf32>
      %mul3A_95 = arith.constant 16 : i32
      %mul3A_96 = arith.muli %scan3A_86, %mul3A_95 : i32
      %swap3A_97 = arith.index_cast %mul3A_96 : i32 to index
      %swap3A_98 = tpu.vector_load %arg17[%swap3A_97] {strides = array<i32>} : memref<256xf32, #tpu.memory_space<vmem>>, vector<16xf32>,
      tpu.vector_store %arg17[%swap3A_97], %broadcast_in_dim3A_94 {strides = array<i32>} : memref<256xf32, #tpu.memory_space<vmem>>, vector<16xf32>,
      %broadcast_in_dim3A_99 = arith.constant 0 : i32
      %broadcast_in_dim3A_100 = vector.broadcast %broadcast_in_dim3A_99 : i32 to vector<16xi32>
      %mul3A_101 = arith.constant 16 : i32
      %mul3A_102 = arith.muli %scan3A_86, %mul3A_101 : i32
      %swap3A_103 = arith.index_cast %mul3A_102 : i32 to index
      %swap3A_104 = tpu.vector_load %arg20[%swap3A_103] {strides = array<i32>} : memref<272xi32, #tpu.memory_space<vmem>>, vector<16xi32>,
      tpu.vector_store %arg20[%swap3A_103], %broadcast_in_dim3A_100 {strides = array<i32>} : memref<272xi32, #tpu.memory_space<vmem>>, vector<16xi32>,
      %scan3A_105 = arith.constant 3 : i32
      %scan3A_106 = arith.addi %scan3A_46, %scan3A_105 : i32
      %broadcast_in_dim3A_107 = arith.constant 1.000000e+10 : f32
      %broadcast_in_dim3A_108 = vector.broadcast %broadcast_in_dim3A_107 : f32 to vector<16xf32>
      %mul3A_109 = arith.constant 16 : i32
      %mul3A_110 = arith.muli %scan3A_106, %mul3A_109 : i32
      %swap3A_111 = arith.index_cast %mul3A_110 : i32 to index
      %swap3A_112 = tpu.vector_load %arg18[%swap3A_111] {strides = array<i32>} : memref<256xf32, #tpu.memory_space<vmem>>, vector<16xf32>,
      tpu.vector_store %arg18[%swap3A_111], %broadcast_in_dim3A_108 {strides = array<i32>} : memref<256xf32, #tpu.memory_space<vmem>>, vector<16xf32>,
      %broadcast_in_dim3A_113 = arith.constant 3.000000e+38 : f32
      %broadcast_in_dim3A_114 = vector.broadcast %broadcast_in_dim3A_113 : f32 to vector<16xf32>
      %mul3A_115 = arith.constant 16 : i32
      %mul3A_116 = arith.muli %scan3A_106, %mul3A_115 : i32
      %swap3A_117 = arith.index_cast %mul3A_116 : i32 to index
      %swap3A_118 = tpu.vector_load %arg17[%swap3A_117] {strides = array<i32>} : memref<256xf32, #tpu.memory_space<vmem>>, vector<16xf32>,
      tpu.vector_store %arg17[%swap3A_117], %broadcast_in_dim3A_114 {strides = array<i32>} : memref<256xf32, #tpu.memory_space<vmem>>, vector<16xf32>,
      %broadcast_in_dim3A_119 = arith.constant 0 : i32
      %broadcast_in_dim3A_120 = vector.broadcast %broadcast_in_dim3A_119 : i32 to vector<16xi32>
      %mul3A_121 = arith.constant 16 : i32
      %mul3A_122 = arith.muli %scan3A_106, %mul3A_121 : i32
      %swap3A_123 = arith.index_cast %mul3A_122 : i32 to index
      %swap3A_124 = tpu.vector_load %arg20[%swap3A_123] {strides = array<i32>} : memref<272xi32, #tpu.memory_space<vmem>>, vector<16xi32>,
      tpu.vector_store %arg20[%swap3A_123], %broadcast_in_dim3A_120 {strides = array<i32>} : memref<272xi32, #tpu.memory_space<vmem>>, vector<16xi32>,
    }
    %scan3A_20 = arith.constant 16 : i32
    %broadcast_in_dim3A = arith.constant 0 : i32
    %broadcast_in_dim3A_21 = vector.broadcast %broadcast_in_dim3A : i32 to vector<16xi32>
    %swap3A = arith.constant 256 : index
    %swap3A_22 = tpu.vector_load %arg20[%swap3A] {strides = array<i32>} : memref<272xi32, #tpu.memory_space<vmem>>, vector<16xi32>,
    tpu.vector_store %arg20[%swap3A], %broadcast_in_dim3A_21 {strides = array<i32>} : memref<272xi32, #tpu.memory_space<vmem>>, vector<16xi32>,
    %scan3A_23 = arith.constant 0 : i32
    %scan3A_24 = arith.constant 0 : i32
    %scan3A_25 = arith.constant 256 : i32
    %scan3A_26 = arith.addi %scan3A_24, %scan3A_25 : i32
    %scan3A_27 = arith.constant 8 : i32
    scf.for %scan3A_46 = %scan3A_24 to %scan3A_26 step %scan3A_27  : i32 {
      %broadcast_in_dim3A_47 = arith.constant 1.000000e+10 : f32
      %broadcast_in_dim3A_48 = vector.broadcast %broadcast_in_dim3A_47 : f32 to vector<16xf32>
      %mul3A_49 = arith.constant 16 : i32
      %mul3A_50 = arith.muli %scan3A_46, %mul3A_49 : i32
      %swap3A_51 = arith.index_cast %mul3A_50 : i32 to index
      %swap3A_52 = tpu.vector_load %arg19[%swap3A_51] {strides = array<i32>} : memref<4096xf32, #tpu.memory_space<vmem>>, vector<16xf32>,
      tpu.vector_store %arg19[%swap3A_51], %broadcast_in_dim3A_48 {strides = array<i32>} : memref<4096xf32, #tpu.memory_space<vmem>>, vector<16xf32>,
      %scan3A_53 = arith.constant 1 : i32
      %scan3A_54 = arith.addi %scan3A_46, %scan3A_53 : i32
      %broadcast_in_dim3A_55 = arith.constant 1.000000e+10 : f32
      %broadcast_in_dim3A_56 = vector.broadcast %broadcast_in_dim3A_55 : f32 to vector<16xf32>
      %mul3A_57 = arith.constant 16 : i32
      %mul3A_58 = arith.muli %scan3A_54, %mul3A_57 : i32
      %swap3A_59 = arith.index_cast %mul3A_58 : i32 to index
      %swap3A_60 = tpu.vector_load %arg19[%swap3A_59] {strides = array<i32>} : memref<4096xf32, #tpu.memory_space<vmem>>, vector<16xf32>,
      tpu.vector_store %arg19[%swap3A_59], %broadcast_in_dim3A_56 {strides = array<i32>} : memref<4096xf32, #tpu.memory_space<vmem>>, vector<16xf32>,
      %scan3A_61 = arith.constant 2 : i32
      %scan3A_62 = arith.addi %scan3A_46, %scan3A_61 : i32
      %broadcast_in_dim3A_63 = arith.constant 1.000000e+10 : f32
      %broadcast_in_dim3A_64 = vector.broadcast %broadcast_in_dim3A_63 : f32 to vector<16xf32>
      %mul3A_65 = arith.constant 16 : i32
      %mul3A_66 = arith.muli %scan3A_62, %mul3A_65 : i32
      %swap3A_67 = arith.index_cast %mul3A_66 : i32 to index
      %swap3A_68 = tpu.vector_load %arg19[%swap3A_67] {strides = array<i32>} : memref<4096xf32, #tpu.memory_space<vmem>>, vector<16xf32>,
      tpu.vector_store %arg19[%swap3A_67], %broadcast_in_dim3A_64 {strides = array<i32>} : memref<4096xf32, #tpu.memory_space<vmem>>, vector<16xf32>,
      %scan3A_69 = arith.constant 3 : i32
      %scan3A_70 = arith.addi %scan3A_46, %scan3A_69 : i32
      %broadcast_in_dim3A_71 = arith.constant 1.000000e+10 : f32
      %broadcast_in_dim3A_72 = vector.broadcast %broadcast_in_dim3A_71 : f32 to vector<16xf32>
      %mul3A_73 = arith.constant 16 : i32
      %mul3A_74 = arith.muli %scan3A_70, %mul3A_73 : i32
      %swap3A_75 = arith.index_cast %mul3A_74 : i32 to index
      %swap3A_76 = tpu.vector_load %arg19[%swap3A_75] {strides = array<i32>} : memref<4096xf32, #tpu.memory_space<vmem>>, vector<16xf32>,
      tpu.vector_store %arg19[%swap3A_75], %broadcast_in_dim3A_72 {strides = array<i32>} : memref<4096xf32, #tpu.memory_space<vmem>>, vector<16xf32>,
      %scan3A_77 = arith.constant 4 : i32
      %scan3A_78 = arith.addi %scan3A_46, %scan3A_77 : i32
      %broadcast_in_dim3A_79 = arith.constant 1.000000e+10 : f32
      %broadcast_in_dim3A_80 = vector.broadcast %broadcast_in_dim3A_79 : f32 to vector<16xf32>
      %mul3A_81 = arith.constant 16 : i32
      %mul3A_82 = arith.muli %scan3A_78, %mul3A_81 : i32
      %swap3A_83 = arith.index_cast %mul3A_82 : i32 to index
      %swap3A_84 = tpu.vector_load %arg19[%swap3A_83] {strides = array<i32>} : memref<4096xf32, #tpu.memory_space<vmem>>, vector<16xf32>,
      tpu.vector_store %arg19[%swap3A_83], %broadcast_in_dim3A_80 {strides = array<i32>} : memref<4096xf32, #tpu.memory_space<vmem>>, vector<16xf32>,
      %scan3A_85 = arith.constant 5 : i32
      %scan3A_86 = arith.addi %scan3A_46, %scan3A_85 : i32
      %broadcast_in_dim3A_87 = arith.constant 1.000000e+10 : f32
      %broadcast_in_dim3A_88 = vector.broadcast %broadcast_in_dim3A_87 : f32 to vector<16xf32>
      %mul3A_89 = arith.constant 16 : i32
      %mul3A_90 = arith.muli %scan3A_86, %mul3A_89 : i32
      %swap3A_91 = arith.index_cast %mul3A_90 : i32 to index
      %swap3A_92 = tpu.vector_load %arg19[%swap3A_91] {strides = array<i32>} : memref<4096xf32, #tpu.memory_space<vmem>>, vector<16xf32>,
      tpu.vector_store %arg19[%swap3A_91], %broadcast_in_dim3A_88 {strides = array<i32>} : memref<4096xf32, #tpu.memory_space<vmem>>, vector<16xf32>,
      %scan3A_93 = arith.constant 6 : i32
      %scan3A_94 = arith.addi %scan3A_46, %scan3A_93 : i32
      %broadcast_in_dim3A_95 = arith.constant 1.000000e+10 : f32
      %broadcast_in_dim3A_96 = vector.broadcast %broadcast_in_dim3A_95 : f32 to vector<16xf32>
      %mul3A_97 = arith.constant 16 : i32
      %mul3A_98 = arith.muli %scan3A_94, %mul3A_97 : i32
      %swap3A_99 = arith.index_cast %mul3A_98 : i32 to index
      %swap3A_100 = tpu.vector_load %arg19[%swap3A_99] {strides = array<i32>} : memref<4096xf32, #tpu.memory_space<vmem>>, vector<16xf32>,
      tpu.vector_store %arg19[%swap3A_99], %broadcast_in_dim3A_96 {strides = array<i32>} : memref<4096xf32, #tpu.memory_space<vmem>>, vector<16xf32>,
      %scan3A_101 = arith.constant 7 : i32
      %scan3A_102 = arith.addi %scan3A_46, %scan3A_101 : i32
      %broadcast_in_dim3A_103 = arith.constant 1.000000e+10 : f32
      %broadcast_in_dim3A_104 = vector.broadcast %broadcast_in_dim3A_103 : f32 to vector<16xf32>
      %mul3A_105 = arith.constant 16 : i32
      %mul3A_106 = arith.muli %scan3A_102, %mul3A_105 : i32
      %swap3A_107 = arith.index_cast %mul3A_106 : i32 to index
      %swap3A_108 = tpu.vector_load %arg19[%swap3A_107] {strides = array<i32>} : memref<4096xf32, #tpu.memory_space<vmem>>, vector<16xf32>,
      tpu.vector_store %arg19[%swap3A_107], %broadcast_in_dim3A_104 {strides = array<i32>} : memref<4096xf32, #tpu.memory_space<vmem>>, vector<16xf32>,
    }
    %scan3A_28 = arith.constant 256 : i32
    %broadcast_in_dim3A_29 = vector.broadcast %add3A : i32 to vector<16xi32>
    %gather3A = tpu.vector_load_idx %arg21[%broadcast_in_dim3A_29] : memref<32xi32, #tpu.memory_space<vmem>>[vector<16xi32>], vector<16xi32>,
    %gather3A_30 = tpu.vector_load_idx %arg8[%gather3A] : memref<8192xf32, #tpu.memory_space<vmem>>[vector<16xi32>], vector<16xf32>,
    %gather3A_31 = tpu.vector_load_idx %arg9[%gather3A] : memref<8192xf32, #tpu.memory_space<vmem>>[vector<16xi32>], vector<16xf32>,
    %gather3A_32 = tpu.vector_load_idx %arg10[%gather3A] : memref<8192xf32, #tpu.memory_space<vmem>>[vector<16xi32>], vector<16xf32>,
    %eq3A_33 = arith.constant 0 : i32
    %eq3A_34 = vector.broadcast %eq3A_33 : i32 to vector<16xi32>
    %eq3A_35 = arith.cmpi eq, %iota3A, %eq3A_34 : vector<16xi32>
    %eq3A_36 = arith.constant 1 : i32
    %eq3A_37 = vector.broadcast %eq3A_36 : i32 to vector<16xi32>
    %eq3A_38 = arith.cmpi eq, %iota3A, %eq3A_37 : vector<16xi32>
    %select_n3A = arith.select %eq3A_38, %gather3A_31, %gather3A_32 : vector<16xi1>, vector<16xf32>
    %select_n3A_39 = arith.select %eq3A_35, %gather3A_30, %select_n3A : vector<16xi1>, vector<16xf32>
    tpu.vector_store_idx %arg22[%iota3A], %select_n3A_39 masked %lt3A_7 : memref<3072xf32, #tpu.memory_space<vmem>>[vector<16xi32>], vector<16xf32>, vector<16xi1>
    %scan3A_40 = arith.constant 0 : i32
    %scan3A_41 = arith.constant 1023 : i32
    %scan3A_42 = arith.addi %scan3A_40, %scan3A_41 : i32
    %scan3A_43 = arith.constant 1 : i32
    %scan3A_44:3 = scf.for %scan3A_46 = %scan3A_40 to %scan3A_42 step %scan3A_43 iter_args(%scan3A_47 = %gather3A_30, %scan3A_48 = %gather3A_31, %scan3A_49 = %gather3A_32) -> (vector<16xf32>, vector<16xf32>, vector<16xf32>)  : i32 {
      %broadcast_in_dim3A_50 = arith.constant 0 : i32
      %broadcast_in_dim3A_51 = vector.broadcast %broadcast_in_dim3A_50 : i32 to vector<16xi32>
      %parallel_loop3A = arith.constant 0 : i32
      %parallel_loop3A_52 = arith.constant 16 : i32
      %parallel_loop3A_53 = arith.constant 1 : i32
      %parallel_loop3A_54 = scf.for %parallel_loop3A_156 = %parallel_loop3A to %parallel_loop3A_52 step %parallel_loop3A_53 iter_args(%parallel_loop3A_157 = %broadcast_in_dim3A_51) -> (vector<16xi32>)  : i32 {
        %parallel_loop3A_158 = arith.constant 16 : i32
        %parallel_loop3A_159 = arith.muli %parallel_loop3A_156, %parallel_loop3A_158 : i32
        %parallel_loop3A_160 = arith.index_cast %parallel_loop3A_159 : i32 to index
        %parallel_loop3A_161 = tpu.vector_load %arg13[%parallel_loop3A_160] {strides = array<i32>} : memref<256xf32, #tpu.memory_space<vmem>>, vector<16xf32>,
        %parallel_loop3A_162 = arith.index_cast %parallel_loop3A_159 : i32 to index
        %parallel_loop3A_163 = tpu.vector_load %arg14[%parallel_loop3A_162] {strides = array<i32>} : memref<256xf32, #tpu.memory_space<vmem>>, vector<16xf32>,
        %parallel_loop3A_164 = arith.index_cast %parallel_loop3A_159 : i32 to index
        %parallel_loop3A_165 = tpu.vector_load %arg15[%parallel_loop3A_164] {strides = array<i32>} : memref<256xf32, #tpu.memory_space<vmem>>, vector<16xf32>,
        %parallel_loop3A_166 = arith.index_cast %parallel_loop3A_159 : i32 to index
        %parallel_loop3A_167 = tpu.vector_load %arg17[%parallel_loop3A_166] {strides = array<i32>} : memref<256xf32, #tpu.memory_space<vmem>>, vector<16xf32>,
        %parallel_loop3A_168 = arith.subf %parallel_loop3A_161, %scan3A_47 : vector<16xf32>
        %parallel_loop3A_169 = arith.subf %parallel_loop3A_163, %scan3A_48 : vector<16xf32>
        %parallel_loop3A_170 = arith.subf %parallel_loop3A_165, %scan3A_49 : vector<16xf32>
        %parallel_loop3A_171 = arith.mulf %parallel_loop3A_168, %parallel_loop3A_168 : vector<16xf32>
        %parallel_loop3A_172 = arith.mulf %parallel_loop3A_170, %parallel_loop3A_170 : vector<16xf32>
        %parallel_loop3A_173 = arith.addf %parallel_loop3A_171, %parallel_loop3A_172 : vector<16xf32>
        %parallel_loop3A_174 = arith.mulf %parallel_loop3A_169, %parallel_loop3A_169 : vector<16xf32>
        %parallel_loop3A_175 = arith.addf %parallel_loop3A_173, %parallel_loop3A_174 : vector<16xf32>
        %parallel_loop3A_176 = arith.cmpf olt, %parallel_loop3A_175, %parallel_loop3A_167 : vector<16xf32>
        %parallel_loop3A_177 = arith.constant 1 : i32
        %parallel_loop3A_178 = arith.constant 0 : i32
        %parallel_loop3A_179 = vector.broadcast %parallel_loop3A_177 : i32 to vector<16xi32>
        %parallel_loop3A_180 = vector.broadcast %parallel_loop3A_178 : i32 to vector<16xi32>
        %parallel_loop3A_181 = arith.select %parallel_loop3A_176, %parallel_loop3A_179, %parallel_loop3A_180 : vector<16xi1>, vector<16xi32>
        %parallel_loop3A_182 = arith.constant true
        %parallel_loop3A_183 = vector.broadcast %parallel_loop3A_182 : i1 to vector<16xi1>
        %parallel_loop3A_184 = tpu.scan <sum>, %parallel_loop3A_181 masked %parallel_loop3A_183 : vector<16xi32>, vector<16xi1> -> vector<16xi32>
        %parallel_loop3A_185 = arith.addi %parallel_loop3A_157, %parallel_loop3A_184 : vector<16xi32>
        %parallel_loop3A_186 = arith.constant 1 : i32
        %parallel_loop3A_187 = vector.broadcast %parallel_loop3A_186 : i32 to vector<16xi32>
        %parallel_loop3A_188 = arith.subi %parallel_loop3A_185, %parallel_loop3A_187 : vector<16xi32>
        %parallel_loop3A_189 = vector.broadcast %parallel_loop3A_159 : i32 to vector<16xi32>
        %parallel_loop3A_190 = arith.addi %parallel_loop3A_189, %iota3A : vector<16xi32>
        tpu.vector_store_idx %arg20[%parallel_loop3A_188], %parallel_loop3A_190 masked %parallel_loop3A_176 : memref<272xi32, #tpu.memory_space<vmem>>[vector<16xi32>], vector<16xi32>, vector<16xi1>
        %parallel_loop3A_191 = tpu.all_reduce %parallel_loop3A_176 {dim = 0 : i64, kind = #tpu.reduction_kind<sum>} : vector<16xi1> -> vector<16xi32>
        %parallel_loop3A_192 = arith.addi %parallel_loop3A_157, %parallel_loop3A_191 : vector<16xi32>
        scf.yield %parallel_loop3A_192 : vector<16xi32>
      } {sc.loop_unroll_factor = 4 : i64, sc.parallel_access}
      %reduce_max3A = arith.constant true
      %reduce_max3A_55 = vector.broadcast %reduce_max3A : i1 to vector<16xi1>
      %reduce_max3A_56 = arith.constant -2147483648 : i32
      %reduce_max3A_57 = vector.broadcast %reduce_max3A_56 : i32 to vector<16xi32>
      %reduce_max3A_58 = arith.xori %parallel_loop3A_54, %reduce_max3A_57 : vector<16xi32>
      %reduce_max3A_59 = tpu.scan <max>, %reduce_max3A_58 masked %reduce_max3A_55 : vector<16xi32>, vector<16xi1> -> vector<16xi32>
      %reduce_max3A_60 = arith.xori %reduce_max3A_59, %reduce_max3A_57 : vector<16xi32>
      %reduce_max3A_61 = vector.extract %reduce_max3A_60[15] : i32 from vector<16xi32>
      %parallel_loop3A_62 = arith.constant 0 : i32
      %parallel_loop3A_63 = arith.constant 1 : i32
      scf.for %parallel_loop3A_156 = %parallel_loop3A_62 to %reduce_max3A_61 step %parallel_loop3A_63  : i32 {
        %parallel_loop3A_157 = vector.broadcast %parallel_loop3A_156 : i32 to vector<16xi32>
        %parallel_loop3A_158 = tpu.vector_load_idx %arg20[%parallel_loop3A_157] : memref<272xi32, #tpu.memory_space<vmem>>[vector<16xi32>], vector<16xi32>,
        %parallel_loop3A_159 = arith.constant 32 : i32
        %parallel_loop3A_160 = vector.broadcast %parallel_loop3A_159 : i32 to vector<16xi32>
        %parallel_loop3A_161 = arith.muli %parallel_loop3A_158, %parallel_loop3A_160 : vector<16xi32>
        %parallel_loop3A_162 = arith.addi %parallel_loop3A_161, %iota3A : vector<16xi32>
        %parallel_loop3A_163 = arith.constant -1.000000e+00 : f32
        %parallel_loop3A_164 = vector.broadcast %parallel_loop3A_163 : f32 to vector<16xf32>
        %parallel_loop3A_165 = arith.constant 0 : i32
        %parallel_loop3A_166 = vector.broadcast %parallel_loop3A_165 : i32 to vector<16xi32>
        %parallel_loop3A_167 = arith.addi %parallel_loop3A_162, %parallel_loop3A_166 : vector<16xi32>
        %parallel_loop3A_168 = tpu.vector_load_idx %arg8[%parallel_loop3A_167] : memref<8192xf32, #tpu.memory_space<vmem>>[vector<16xi32>], vector<16xf32>,
        %parallel_loop3A_169 = arith.subf %parallel_loop3A_168, %scan3A_47 : vector<16xf32>
        %parallel_loop3A_170 = tpu.vector_load_idx %arg9[%parallel_loop3A_167] : memref<8192xf32, #tpu.memory_space<vmem>>[vector<16xi32>], vector<16xf32>,
        %parallel_loop3A_171 = arith.subf %parallel_loop3A_170, %scan3A_48 : vector<16xf32>
        %parallel_loop3A_172 = tpu.vector_load_idx %arg10[%parallel_loop3A_167] : memref<8192xf32, #tpu.memory_space<vmem>>[vector<16xi32>], vector<16xf32>,
        %parallel_loop3A_173 = arith.subf %parallel_loop3A_172, %scan3A_49 : vector<16xf32>
        %parallel_loop3A_174 = arith.mulf %parallel_loop3A_169, %parallel_loop3A_169 : vector<16xf32>
        %parallel_loop3A_175 = arith.mulf %parallel_loop3A_173, %parallel_loop3A_173 : vector<16xf32>
        %parallel_loop3A_176 = arith.addf %parallel_loop3A_174, %parallel_loop3A_175 : vector<16xf32>
        %parallel_loop3A_177 = arith.mulf %parallel_loop3A_171, %parallel_loop3A_171 : vector<16xf32>
        %parallel_loop3A_178 = arith.addf %parallel_loop3A_176, %parallel_loop3A_177 : vector<16xf32>
        %parallel_loop3A_179 = tpu.vector_load_idx %arg11[%parallel_loop3A_167] : memref<8192xf32, #tpu.memory_space<vmem>>[vector<16xi32>], vector<16xf32>,
        %parallel_loop3A_180 = arith.minimumf %parallel_loop3A_179, %parallel_loop3A_178 : vector<16xf32>
        tpu.vector_store_idx %arg11[%parallel_loop3A_167], %parallel_loop3A_180 : memref<8192xf32, #tpu.memory_space<vmem>>[vector<16xi32>], vector<16xf32>,
        %parallel_loop3A_181 = arith.maximumf %parallel_loop3A_164, %parallel_loop3A_180 : vector<16xf32>
        %parallel_loop3A_182 = arith.constant 16 : i32
        %parallel_loop3A_183 = vector.broadcast %parallel_loop3A_182 : i32 to vector<16xi32>
        %parallel_loop3A_184 = arith.addi %parallel_loop3A_162, %parallel_loop3A_183 : vector<16xi32>
        %parallel_loop3A_185 = tpu.vector_load_idx %arg8[%parallel_loop3A_184] : memref<8192xf32, #tpu.memory_space<vmem>>[vector<16xi32>], vector<16xf32>,
        %parallel_loop3A_186 = arith.subf %parallel_loop3A_185, %scan3A_47 : vector<16xf32>
        %parallel_loop3A_187 = tpu.vector_load_idx %arg9[%parallel_loop3A_184] : memref<8192xf32, #tpu.memory_space<vmem>>[vector<16xi32>], vector<16xf32>,
        %parallel_loop3A_188 = arith.subf %parallel_loop3A_187, %scan3A_48 : vector<16xf32>
        %parallel_loop3A_189 = tpu.vector_load_idx %arg10[%parallel_loop3A_184] : memref<8192xf32, #tpu.memory_space<vmem>>[vector<16xi32>], vector<16xf32>,
        %parallel_loop3A_190 = arith.subf %parallel_loop3A_189, %scan3A_49 : vector<16xf32>
        %parallel_loop3A_191 = arith.mulf %parallel_loop3A_186, %parallel_loop3A_186 : vector<16xf32>
        %parallel_loop3A_192 = arith.mulf %parallel_loop3A_190, %parallel_loop3A_190 : vector<16xf32>
        %parallel_loop3A_193 = arith.addf %parallel_loop3A_191, %parallel_loop3A_192 : vector<16xf32>
        %parallel_loop3A_194 = arith.mulf %parallel_loop3A_188, %parallel_loop3A_188 : vector<16xf32>
        %parallel_loop3A_195 = arith.addf %parallel_loop3A_193, %parallel_loop3A_194 : vector<16xf32>
        %parallel_loop3A_196 = tpu.vector_load_idx %arg11[%parallel_loop3A_184] : memref<8192xf32, #tpu.memory_space<vmem>>[vector<16xi32>], vector<16xf32>,
        %parallel_loop3A_197 = arith.minimumf %parallel_loop3A_196, %parallel_loop3A_195 : vector<16xf32>
        tpu.vector_store_idx %arg11[%parallel_loop3A_184], %parallel_loop3A_197 : memref<8192xf32, #tpu.memory_space<vmem>>[vector<16xi32>], vector<16xf32>,
        %parallel_loop3A_198 = arith.maximumf %parallel_loop3A_181, %parallel_loop3A_197 : vector<16xf32>
        %parallel_loop3A_199 = arith.constant 16 : i32
        %parallel_loop3A_200 = vector.broadcast %parallel_loop3A_199 : i32 to vector<16xi32>
        %parallel_loop3A_201 = arith.muli %parallel_loop3A_158, %parallel_loop3A_200 : vector<16xi32>
        %parallel_loop3A_202 = arith.addi %parallel_loop3A_201, %iota3A : vector<16xi32>
        tpu.vector_store_idx %arg19[%parallel_loop3A_202], %parallel_loop3A_198 : memref<4096xf32, #tpu.memory_space<vmem>>[vector<16xi32>], vector<16xf32>,
      } {sc.loop_unroll_factor = 2 : i64, sc.parallel_access}
      %add3A_64 = arith.constant 16 : i32
      %add3A_65 = arith.addi %reduce_max3A_61, %add3A_64 : i32
      %sub3A = arith.constant 1 : i32
      %sub3A_66 = arith.subi %add3A_65, %sub3A : i32
      %jit3A = arith.constant 16 : i32
      %div3A = arith.divsi %sub3A_66, %jit3A : i32
      %sign3A = arith.constant 0 : i32
      %sign3A_67 = arith.cmpi sgt, %sub3A_66, %sign3A : i32
      %sign3A_68 = arith.extui %sign3A_67 : i1 to i32
      %sign3A_69 = arith.constant 0 : i32
      %sign3A_70 = arith.cmpi slt, %sub3A_66, %sign3A_69 : i32
      %sign3A_71 = arith.extui %sign3A_70 : i1 to i32
      %sign3A_72 = arith.subi %sign3A_68, %sign3A_71 : i32
      %sign3A_73 = arith.constant 0 : i32
      %sign3A_74 = arith.cmpi sgt, %jit3A, %sign3A_73 : i32
      %sign3A_75 = arith.extui %sign3A_74 : i1 to i32
      %sign3A_76 = arith.constant 0 : i32
      %sign3A_77 = arith.cmpi slt, %jit3A, %sign3A_76 : i32
      %sign3A_78 = arith.extui %sign3A_77 : i1 to i32
      %sign3A_79 = arith.subi %sign3A_75, %sign3A_78 : i32
      %ne3A = arith.cmpi ne, %sign3A_72, %sign3A_79 : i32
      %rem3A = arith.remsi %sub3A_66, %jit3A : i32
      %ne3A_80 = arith.constant 0 : i32
      %ne3A_81 = arith.cmpi ne, %rem3A, %ne3A_80 : i32
      %and3A = arith.andi %ne3A, %ne3A_81 : i1
      %sub3A_82 = arith.constant 1 : i32
      %sub3A_83 = arith.subi %div3A, %sub3A_82 : i32
      %select_n3A_84 = arith.select %and3A, %sub3A_83, %div3A : i32
      %parallel_loop3A_85 = arith.constant 0 : i32
      %parallel_loop3A_86 = arith.constant 1 : i32
      scf.for %parallel_loop3A_156 = %parallel_loop3A_85 to %select_n3A_84 step %parallel_loop3A_86  : i32 {
        %parallel_loop3A_157 = arith.constant 16 : i32
        %parallel_loop3A_158 = arith.muli %parallel_loop3A_156, %parallel_loop3A_157 : i32
        %parallel_loop3A_159 = vector.broadcast %parallel_loop3A_158 : i32 to vector<16xi32>
        %parallel_loop3A_160 = arith.addi %parallel_loop3A_159, %iota3A : vector<16xi32>
        %parallel_loop3A_161 = tpu.vector_load_idx %arg20[%parallel_loop3A_160] : memref<272xi32, #tpu.memory_space<vmem>>[vector<16xi32>], vector<16xi32>,
        %parallel_loop3A_162 = arith.constant 16 : i32
        %parallel_loop3A_163 = vector.broadcast %parallel_loop3A_162 : i32 to vector<16xi32>
        %parallel_loop3A_164 = arith.muli %parallel_loop3A_161, %parallel_loop3A_163 : vector<16xi32>
        %parallel_loop3A_165 = tpu.vector_load_idx %arg19[%parallel_loop3A_164] : memref<4096xf32, #tpu.memory_space<vmem>>[vector<16xi32>], vector<16xf32>,
        %parallel_loop3A_166 = arith.constant 1 : i32
        %parallel_loop3A_167 = vector.broadcast %parallel_loop3A_166 : i32 to vector<16xi32>
        %parallel_loop3A_168 = arith.addi %parallel_loop3A_164, %parallel_loop3A_167 : vector<16xi32>
        %parallel_loop3A_169 = tpu.vector_load_idx %arg19[%parallel_loop3A_168] : memref<4096xf32, #tpu.memory_space<vmem>>[vector<16xi32>], vector<16xf32>,
        %parallel_loop3A_170 = arith.maximumf %parallel_loop3A_165, %parallel_loop3A_169 : vector<16xf32>
        %parallel_loop3A_171 = arith.constant 2 : i32
        %parallel_loop3A_172 = vector.broadcast %parallel_loop3A_171 : i32 to vector<16xi32>
        %parallel_loop3A_173 = arith.addi %parallel_loop3A_164, %parallel_loop3A_172 : vector<16xi32>
        %parallel_loop3A_174 = tpu.vector_load_idx %arg19[%parallel_loop3A_173] : memref<4096xf32, #tpu.memory_space<vmem>>[vector<16xi32>], vector<16xf32>,
        %parallel_loop3A_175 = arith.maximumf %parallel_loop3A_170, %parallel_loop3A_174 : vector<16xf32>
        %parallel_loop3A_176 = arith.constant 3 : i32
        %parallel_loop3A_177 = vector.broadcast %parallel_loop3A_176 : i32 to vector<16xi32>
        %parallel_loop3A_178 = arith.addi %parallel_loop3A_164, %parallel_loop3A_177 : vector<16xi32>
        %parallel_loop3A_179 = tpu.vector_load_idx %arg19[%parallel_loop3A_178] : memref<4096xf32, #tpu.memory_space<vmem>>[vector<16xi32>], vector<16xf32>,
        %parallel_loop3A_180 = arith.maximumf %parallel_loop3A_175, %parallel_loop3A_179 : vector<16xf32>
        %parallel_loop3A_181 = arith.constant 4 : i32
        %parallel_loop3A_182 = vector.broadcast %parallel_loop3A_181 : i32 to vector<16xi32>
        %parallel_loop3A_183 = arith.addi %parallel_loop3A_164, %parallel_loop3A_182 : vector<16xi32>
        %parallel_loop3A_184 = tpu.vector_load_idx %arg19[%parallel_loop3A_183] : memref<4096xf32, #tpu.memory_space<vmem>>[vector<16xi32>], vector<16xf32>,
        %parallel_loop3A_185 = arith.maximumf %parallel_loop3A_180, %parallel_loop3A_184 : vector<16xf32>
        %parallel_loop3A_186 = arith.constant 5 : i32
        %parallel_loop3A_187 = vector.broadcast %parallel_loop3A_186 : i32 to vector<16xi32>
        %parallel_loop3A_188 = arith.addi %parallel_loop3A_164, %parallel_loop3A_187 : vector<16xi32>
        %parallel_loop3A_189 = tpu.vector_load_idx %arg19[%parallel_loop3A_188] : memref<4096xf32, #tpu.memory_space<vmem>>[vector<16xi32>], vector<16xf32>,
        %parallel_loop3A_190 = arith.maximumf %parallel_loop3A_185, %parallel_loop3A_189 : vector<16xf32>
        %parallel_loop3A_191 = arith.constant 6 : i32
        %parallel_loop3A_192 = vector.broadcast %parallel_loop3A_191 : i32 to vector<16xi32>
        %parallel_loop3A_193 = arith.addi %parallel_loop3A_164, %parallel_loop3A_192 : vector<16xi32>
        %parallel_loop3A_194 = tpu.vector_load_idx %arg19[%parallel_loop3A_193] : memref<4096xf32, #tpu.memory_space<vmem>>[vector<16xi32>], vector<16xf32>,
        %parallel_loop3A_195 = arith.maximumf %parallel_loop3A_190, %parallel_loop3A_194 : vector<16xf32>
        %parallel_loop3A_196 = arith.constant 7 : i32
        %parallel_loop3A_197 = vector.broadcast %parallel_loop3A_196 : i32 to vector<16xi32>
        %parallel_loop3A_198 = arith.addi %parallel_loop3A_164, %parallel_loop3A_197 : vector<16xi32>
        %parallel_loop3A_199 = tpu.vector_load_idx %arg19[%parallel_loop3A_198] : memref<4096xf32, #tpu.memory_space<vmem>>[vector<16xi32>], vector<16xf32>,
        %parallel_loop3A_200 = arith.maximumf %parallel_loop3A_195, %parallel_loop3A_199 : vector<16xf32>
        %parallel_loop3A_201 = arith.constant 8 : i32
        %parallel_loop3A_202 = vector.broadcast %parallel_loop3A_201 : i32 to vector<16xi32>
        %parallel_loop3A_203 = arith.addi %parallel_loop3A_164, %parallel_loop3A_202 : vector<16xi32>
        %parallel_loop3A_204 = tpu.vector_load_idx %arg19[%parallel_loop3A_203] : memref<4096xf32, #tpu.memory_space<vmem>>[vector<16xi32>], vector<16xf32>,
        %parallel_loop3A_205 = arith.maximumf %parallel_loop3A_200, %parallel_loop3A_204 : vector<16xf32>
        %parallel_loop3A_206 = arith.constant 9 : i32
        %parallel_loop3A_207 = vector.broadcast %parallel_loop3A_206 : i32 to vector<16xi32>
        %parallel_loop3A_208 = arith.addi %parallel_loop3A_164, %parallel_loop3A_207 : vector<16xi32>
        %parallel_loop3A_209 = tpu.vector_load_idx %arg19[%parallel_loop3A_208] : memref<4096xf32, #tpu.memory_space<vmem>>[vector<16xi32>], vector<16xf32>,
        %parallel_loop3A_210 = arith.maximumf %parallel_loop3A_205, %parallel_loop3A_209 : vector<16xf32>
        %parallel_loop3A_211 = arith.constant 10 : i32
        %parallel_loop3A_212 = vector.broadcast %parallel_loop3A_211 : i32 to vector<16xi32>
        %parallel_loop3A_213 = arith.addi %parallel_loop3A_164, %parallel_loop3A_212 : vector<16xi32>
        %parallel_loop3A_214 = tpu.vector_load_idx %arg19[%parallel_loop3A_213] : memref<4096xf32, #tpu.memory_space<vmem>>[vector<16xi32>], vector<16xf32>,
        %parallel_loop3A_215 = arith.maximumf %parallel_loop3A_210, %parallel_loop3A_214 : vector<16xf32>
        %parallel_loop3A_216 = arith.constant 11 : i32
        %parallel_loop3A_217 = vector.broadcast %parallel_loop3A_216 : i32 to vector<16xi32>
        %parallel_loop3A_218 = arith.addi %parallel_loop3A_164, %parallel_loop3A_217 : vector<16xi32>
        %parallel_loop3A_219 = tpu.vector_load_idx %arg19[%parallel_loop3A_218] : memref<4096xf32, #tpu.memory_space<vmem>>[vector<16xi32>], vector<16xf32>,
        %parallel_loop3A_220 = arith.maximumf %parallel_loop3A_215, %parallel_loop3A_219 : vector<16xf32>
        %parallel_loop3A_221 = arith.constant 12 : i32
        %parallel_loop3A_222 = vector.broadcast %parallel_loop3A_221 : i32 to vector<16xi32>
        %parallel_loop3A_223 = arith.addi %parallel_loop3A_164, %parallel_loop3A_222 : vector<16xi32>
        %parallel_loop3A_224 = tpu.vector_load_idx %arg19[%parallel_loop3A_223] : memref<4096xf32, #tpu.memory_space<vmem>>[vector<16xi32>], vector<16xf32>,
        %parallel_loop3A_225 = arith.maximumf %parallel_loop3A_220, %parallel_loop3A_224 : vector<16xf32>
        %parallel_loop3A_226 = arith.constant 13 : i32
        %parallel_loop3A_227 = vector.broadcast %parallel_loop3A_226 : i32 to vector<16xi32>
        %parallel_loop3A_228 = arith.addi %parallel_loop3A_164, %parallel_loop3A_227 : vector<16xi32>
        %parallel_loop3A_229 = tpu.vector_load_idx %arg19[%parallel_loop3A_228] : memref<4096xf32, #tpu.memory_space<vmem>>[vector<16xi32>], vector<16xf32>,
        %parallel_loop3A_230 = arith.maximumf %parallel_loop3A_225, %parallel_loop3A_229 : vector<16xf32>
        %parallel_loop3A_231 = arith.constant 14 : i32
        %parallel_loop3A_232 = vector.broadcast %parallel_loop3A_231 : i32 to vector<16xi32>
        %parallel_loop3A_233 = arith.addi %parallel_loop3A_164, %parallel_loop3A_232 : vector<16xi32>
        %parallel_loop3A_234 = tpu.vector_load_idx %arg19[%parallel_loop3A_233] : memref<4096xf32, #tpu.memory_space<vmem>>[vector<16xi32>], vector<16xf32>,
        %parallel_loop3A_235 = arith.maximumf %parallel_loop3A_230, %parallel_loop3A_234 : vector<16xf32>
        %parallel_loop3A_236 = arith.constant 15 : i32
        %parallel_loop3A_237 = vector.broadcast %parallel_loop3A_236 : i32 to vector<16xi32>
        %parallel_loop3A_238 = arith.addi %parallel_loop3A_164, %parallel_loop3A_237 : vector<16xi32>
        %parallel_loop3A_239 = tpu.vector_load_idx %arg19[%parallel_loop3A_238] : memref<4096xf32, #tpu.memory_space<vmem>>[vector<16xi32>], vector<16xf32>,
        %parallel_loop3A_240 = arith.maximumf %parallel_loop3A_235, %parallel_loop3A_239 : vector<16xf32>
        %parallel_loop3A_241 = vector.bitcast %parallel_loop3A_240 : vector<16xf32> to vector<16xi32>
        %parallel_loop3A_242 = arith.constant 1 : i32
        %parallel_loop3A_243 = vector.broadcast %parallel_loop3A_242 : i32 to vector<16xi32>
        %parallel_loop3A_244 = arith.shrsi %parallel_loop3A_241, %parallel_loop3A_243 : vector<16xi32>
        %parallel_loop3A_245 = arith.constant 1597463007 : i32
        %parallel_loop3A_246 = vector.broadcast %parallel_loop3A_245 : i32 to vector<16xi32>
        %parallel_loop3A_247 = arith.subi %parallel_loop3A_246, %parallel_loop3A_244 : vector<16xi32>
        %parallel_loop3A_248 = vector.bitcast %parallel_loop3A_247 : vector<16xi32> to vector<16xf32>
        %parallel_loop3A_249 = arith.constant 5.000000e-01 : f32
        %parallel_loop3A_250 = vector.broadcast %parallel_loop3A_249 : f32 to vector<16xf32>
        %parallel_loop3A_251 = arith.mulf %parallel_loop3A_250, %parallel_loop3A_240 : vector<16xf32>
        %parallel_loop3A_252 = arith.mulf %parallel_loop3A_251, %parallel_loop3A_248 : vector<16xf32>
        %parallel_loop3A_253 = arith.mulf %parallel_loop3A_252, %parallel_loop3A_248 : vector<16xf32>
        %parallel_loop3A_254 = arith.constant 1.500000e+00 : f32
        %parallel_loop3A_255 = vector.broadcast %parallel_loop3A_254 : f32 to vector<16xf32>
        %parallel_loop3A_256 = arith.subf %parallel_loop3A_255, %parallel_loop3A_253 : vector<16xf32>
        %parallel_loop3A_257 = arith.mulf %parallel_loop3A_248, %parallel_loop3A_256 : vector<16xf32>
        %parallel_loop3A_258 = arith.constant 5.000000e-01 : f32
        %parallel_loop3A_259 = vector.broadcast %parallel_loop3A_258 : f32 to vector<16xf32>
        %parallel_loop3A_260 = arith.mulf %parallel_loop3A_259, %parallel_loop3A_240 : vector<16xf32>
        %parallel_loop3A_261 = arith.mulf %parallel_loop3A_260, %parallel_loop3A_257 : vector<16xf32>
        %parallel_loop3A_262 = arith.mulf %parallel_loop3A_261, %parallel_loop3A_257 : vector<16xf32>
        %parallel_loop3A_263 = arith.constant 1.500000e+00 : f32
        %parallel_loop3A_264 = vector.broadcast %parallel_loop3A_263 : f32 to vector<16xf32>
        %parallel_loop3A_265 = arith.subf %parallel_loop3A_264, %parallel_loop3A_262 : vector<16xf32>
        %parallel_loop3A_266 = arith.mulf %parallel_loop3A_257, %parallel_loop3A_265 : vector<16xf32>
        %parallel_loop3A_267 = arith.mulf %parallel_loop3A_240, %parallel_loop3A_266 : vector<16xf32>
        %parallel_loop3A_268 = arith.constant 1.000100e+00 : f32
        %parallel_loop3A_269 = vector.broadcast %parallel_loop3A_268 : f32 to vector<16xf32>
        %parallel_loop3A_270 = arith.mulf %parallel_loop3A_267, %parallel_loop3A_269 : vector<16xf32>
        %parallel_loop3A_271 = arith.constant 1.200000e-19 : f32
        %parallel_loop3A_272 = vector.broadcast %parallel_loop3A_271 : f32 to vector<16xf32>
        %parallel_loop3A_273 = arith.maximumf %parallel_loop3A_270, %parallel_loop3A_272 : vector<16xf32>
        %parallel_loop3A_274 = tpu.vector_load_idx %arg16[%parallel_loop3A_161] : memref<256xf32, #tpu.memory_space<vmem>>[vector<16xi32>], vector<16xf32>,
        %parallel_loop3A_275 = arith.addf %parallel_loop3A_274, %parallel_loop3A_273 : vector<16xf32>
        %parallel_loop3A_276 = arith.addf %parallel_loop3A_274, %parallel_loop3A_273 : vector<16xf32>
        %parallel_loop3A_277 = arith.mulf %parallel_loop3A_275, %parallel_loop3A_276 : vector<16xf32>
        %parallel_loop3A_278 = arith.constant 1.000100e+00 : f32
        %parallel_loop3A_279 = vector.broadcast %parallel_loop3A_278 : f32 to vector<16xf32>
        %parallel_loop3A_280 = arith.mulf %parallel_loop3A_277, %parallel_loop3A_279 : vector<16xf32>
        tpu.vector_store_idx %arg18[%parallel_loop3A_161], %parallel_loop3A_240 : memref<256xf32, #tpu.memory_space<vmem>>[vector<16xi32>], vector<16xf32>,
        tpu.vector_store_idx %arg17[%parallel_loop3A_161], %parallel_loop3A_280 : memref<256xf32, #tpu.memory_space<vmem>>[vector<16xi32>], vector<16xf32>,
      } {sc.loop_unroll_factor = 1 : i64, sc.parallel_access}
      %broadcast_in_dim3A_87 = arith.constant -1.000000e+00 : f32
      %broadcast_in_dim3A_88 = vector.broadcast %broadcast_in_dim3A_87 : f32 to vector<16xf32>
      %scan3A_89 = arith.constant 0 : i32
      %scan3A_90 = arith.constant 16 : i32
      %scan3A_91 = arith.addi %scan3A_89, %scan3A_90 : i32
      %scan3A_92 = arith.constant 4 : i32
      %scan3A_93 = scf.for %scan3A_156 = %scan3A_89 to %scan3A_91 step %scan3A_92 iter_args(%scan3A_157 = %broadcast_in_dim3A_88) -> (vector<16xf32>)  : i32 {
        %mul3A_158 = arith.constant 16 : i32
        %mul3A_159 = arith.muli %scan3A_156, %mul3A_158 : i32
        %get3A = arith.index_cast %mul3A_159 : i32 to index
        %get3A_160 = tpu.vector_load %arg18[%get3A] {strides = array<i32>} : memref<256xf32, #tpu.memory_space<vmem>>, vector<16xf32>,
        %max3A_161 = arith.maximumf %scan3A_157, %get3A_160 : vector<16xf32>
        %scan3A_162 = arith.constant 1 : i32
        %scan3A_163 = arith.addi %scan3A_156, %scan3A_162 : i32
        %mul3A_164 = arith.constant 16 : i32
        %mul3A_165 = arith.muli %scan3A_163, %mul3A_164 : i32
        %get3A_166 = arith.index_cast %mul3A_165 : i32 to index
        %get3A_167 = tpu.vector_load %arg18[%get3A_166] {strides = array<i32>} : memref<256xf32, #tpu.memory_space<vmem>>, vector<16xf32>,
        %max3A_168 = arith.maximumf %max3A_161, %get3A_167 : vector<16xf32>
        %scan3A_169 = arith.constant 2 : i32
        %scan3A_170 = arith.addi %scan3A_156, %scan3A_169 : i32
        %mul3A_171 = arith.constant 16 : i32
        %mul3A_172 = arith.muli %scan3A_170, %mul3A_171 : i32
        %get3A_173 = arith.index_cast %mul3A_172 : i32 to index
        %get3A_174 = tpu.vector_load %arg18[%get3A_173] {strides = array<i32>} : memref<256xf32, #tpu.memory_space<vmem>>, vector<16xf32>,
        %max3A_175 = arith.maximumf %max3A_168, %get3A_174 : vector<16xf32>
        %scan3A_176 = arith.constant 3 : i32
        %scan3A_177 = arith.addi %scan3A_156, %scan3A_176 : i32
        %mul3A_178 = arith.constant 16 : i32
        %mul3A_179 = arith.muli %scan3A_177, %mul3A_178 : i32
        %get3A_180 = arith.index_cast %mul3A_179 : i32 to index
        %get3A_181 = tpu.vector_load %arg18[%get3A_180] {strides = array<i32>} : memref<256xf32, #tpu.memory_space<vmem>>, vector<16xf32>,
        %max3A_182 = arith.maximumf %max3A_175, %get3A_181 : vector<16xf32>
        scf.yield %max3A_182 : vector<16xf32>
      }
      %scan3A_94 = arith.constant 16 : i32
      %broadcast_in_dim3A_95 = arith.constant true
      %broadcast_in_dim3A_96 = vector.broadcast %broadcast_in_dim3A_95 : i1 to vector<16xi1>
      %masked_cummax3A = tpu.scan <max>, %scan3A_93 masked %broadcast_in_dim3A_96 : vector<16xf32>, vector<16xi1> -> vector<16xf32>
      %rev3A = arith.constant 15 : i32
      %rev3A_97 = vector.broadcast %rev3A : i32 to vector<16xi32>
      %rev3A_98 = tpu.iota {dimensions = array<i32: 0>} : vector<16xi32>
      %rev3A_99 = arith.subi %rev3A_97, %rev3A_98 : vector<16xi32>
      %rev3A_100 = tpu.dynamic_gather %scan3A_93[%rev3A_99] in [0] : vector<16xf32>, vector<16xi32> -> vector<16xf32>
      %broadcast_in_dim3A_101 = arith.constant true
      %broadcast_in_dim3A_102 = vector.broadcast %broadcast_in_dim3A_101 : i1 to vector<16xi1>
      %masked_cummax3A_103 = tpu.scan <max>, %rev3A_100 masked %broadcast_in_dim3A_102 : vector<16xf32>, vector<16xi1> -> vector<16xf32>
      %rev3A_104 = arith.constant 15 : i32
      %rev3A_105 = vector.broadcast %rev3A_104 : i32 to vector<16xi32>
      %rev3A_106 = tpu.iota {dimensions = array<i32: 0>} : vector<16xi32>
      %rev3A_107 = arith.subi %rev3A_105, %rev3A_106 : vector<16xi32>
      %rev3A_108 = tpu.dynamic_gather %masked_cummax3A_103[%rev3A_107] in [0] : vector<16xf32>, vector<16xi32> -> vector<16xf32>
      %max3A = arith.maximumf %masked_cummax3A, %rev3A_108 : vector<16xf32>
      %broadcast_in_dim3A_109 = arith.constant 0 : i32
      %broadcast_in_dim3A_110 = vector.broadcast %broadcast_in_dim3A_109 : i32 to vector<16xi32>
      %scan3A_111 = arith.constant 0 : i32
      %scan3A_112 = arith.constant 16 : i32
      %scan3A_113 = arith.addi %scan3A_111, %scan3A_112 : i32
      %scan3A_114 = arith.constant 1 : i32
      %scan3A_115 = scf.for %scan3A_156 = %scan3A_111 to %scan3A_113 step %scan3A_114 iter_args(%scan3A_157 = %broadcast_in_dim3A_110) -> (vector<16xi32>)  : i32 {
        %mul3A_158 = arith.constant 16 : i32
        %mul3A_159 = arith.muli %scan3A_156, %mul3A_158 : i32
        %get3A = arith.index_cast %mul3A_159 : i32 to index
        %get3A_160 = tpu.vector_load %arg18[%get3A] {strides = array<i32>} : memref<256xf32, #tpu.memory_space<vmem>>, vector<16xf32>,
        %eq3A_161 = arith.cmpf oeq, %get3A_160, %max3A : vector<16xf32>
        %jit3A_162 = arith.constant 1 : i32
        %jit3A_163 = arith.constant 0 : i32
        %broadcast_in_dim3A_164 = vector.broadcast %jit3A_162 : i32 to vector<16xi32>
        %broadcast_in_dim3A_165 = vector.broadcast %jit3A_163 : i32 to vector<16xi32>
        %select_n3A_166 = arith.select %eq3A_161, %broadcast_in_dim3A_164, %broadcast_in_dim3A_165 : vector<16xi1>, vector<16xi32>
        %broadcast_in_dim3A_167 = arith.constant true
        %broadcast_in_dim3A_168 = vector.broadcast %broadcast_in_dim3A_167 : i1 to vector<16xi1>
        %masked_cumsum3A = tpu.scan <sum>, %select_n3A_166 masked %broadcast_in_dim3A_168 : vector<16xi32>, vector<16xi1> -> vector<16xi32>
        %add3A_169 = arith.addi %scan3A_157, %masked_cumsum3A : vector<16xi32>
        %sub3A_170 = arith.constant 1 : i32
        %sub3A_171 = vector.broadcast %sub3A_170 : i32 to vector<16xi32>
        %sub3A_172 = arith.subi %add3A_169, %sub3A_171 : vector<16xi32>
        %add3A_173 = vector.broadcast %mul3A_159 : i32 to vector<16xi32>
        %add3A_174 = arith.addi %add3A_173, %iota3A : vector<16xi32>
        tpu.vector_store_idx %arg20[%sub3A_172], %add3A_174 masked %eq3A_161 : memref<272xi32, #tpu.memory_space<vmem>>[vector<16xi32>], vector<16xi32>, vector<16xi1>
        %all_reduce_population_count3A = tpu.all_reduce %eq3A_161 {dim = 0 : i64, kind = #tpu.reduction_kind<sum>} : vector<16xi1> -> vector<16xi32>
        %add3A_175 = arith.addi %scan3A_157, %all_reduce_population_count3A : vector<16xi32>
        scf.yield %add3A_175 : vector<16xi32>
      }
      %scan3A_116 = arith.constant 16 : i32
      %reduce_max3A_117 = arith.constant true
      %reduce_max3A_118 = vector.broadcast %reduce_max3A_117 : i1 to vector<16xi1>
      %reduce_max3A_119 = arith.constant -2147483648 : i32
      %reduce_max3A_120 = vector.broadcast %reduce_max3A_119 : i32 to vector<16xi32>
      %reduce_max3A_121 = arith.xori %scan3A_115, %reduce_max3A_120 : vector<16xi32>
      %reduce_max3A_122 = tpu.scan <max>, %reduce_max3A_121 masked %reduce_max3A_118 : vector<16xi32>, vector<16xi1> -> vector<16xi32>
      %reduce_max3A_123 = arith.xori %reduce_max3A_122, %reduce_max3A_120 : vector<16xi32>
      %reduce_max3A_124 = vector.extract %reduce_max3A_123[15] : i32 from vector<16xi32>
      %broadcast_in_dim3A_125 = arith.constant 2147483647 : i32
      %broadcast_in_dim3A_126 = vector.broadcast %broadcast_in_dim3A_125 : i32 to vector<16xi32>
      %broadcast_in_dim3A_127 = arith.constant 2147483647 : i32
      %broadcast_in_dim3A_128 = vector.broadcast %broadcast_in_dim3A_127 : i32 to vector<16xi32>
      %while3A = arith.constant 0 : i32
      %while3A_129 = arith.subi %reduce_max3A_124, %while3A : i32
      %while3A_130 = arith.addi %while3A, %while3A_129 : i32
      %while3A_131 = arith.constant 1 : i32
      %while3A_132 = arith.divsi %while3A_129, %while3A_131 : i32
      %while3A_133 = arith.muli %while3A_132, %while3A_131 : i32
      %while3A_134 = arith.addi %while3A, %while3A_133 : i32
      %while3A_135 = arith.constant 1 : i32
      %while3A_136:2 = scf.for %while3A_156 = %while3A to %while3A_134 step %while3A_135 iter_args(%while3A_157 = %broadcast_in_dim3A_126, %while3A_158 = %broadcast_in_dim3A_128) -> (vector<16xi32>, vector<16xi32>)  : i32 {
        %broadcast_in_dim3A_159 = vector.broadcast %while3A_156 : i32 to vector<16xi32>
        %gather3A_160 = tpu.vector_load_idx %arg20[%broadcast_in_dim3A_159] : memref<272xi32, #tpu.memory_space<vmem>>[vector<16xi32>], vector<16xi32>,
        %mul3A_161 = arith.constant 32 : i32
        %mul3A_162 = vector.broadcast %mul3A_161 : i32 to vector<16xi32>
        %mul3A_163 = arith.muli %gather3A_160, %mul3A_162 : vector<16xi32>
        %add3A_164 = arith.addi %mul3A_163, %iota3A : vector<16xi32>
        %broadcast_in_dim3A_165 = arith.constant 2147483647 : i32
        %broadcast_in_dim3A_166 = vector.broadcast %broadcast_in_dim3A_165 : i32 to vector<16xi32>
        %broadcast_in_dim3A_167 = arith.constant 2147483647 : i32
        %broadcast_in_dim3A_168 = vector.broadcast %broadcast_in_dim3A_167 : i32 to vector<16xi32>
        %add3A_169 = arith.constant 0 : i32
        %add3A_170 = vector.broadcast %add3A_169 : i32 to vector<16xi32>
        %add3A_171 = arith.addi %add3A_164, %add3A_170 : vector<16xi32>
        %gather3A_172 = tpu.vector_load_idx %arg11[%add3A_171] : memref<8192xf32, #tpu.memory_space<vmem>>[vector<16xi32>], vector<16xf32>,
        %eq3A_173 = arith.cmpf oeq, %gather3A_172, %max3A : vector<16xf32>
        %gather3A_174 = tpu.vector_load_idx %arg12[%add3A_171] : memref<8192xi32, #tpu.memory_space<vmem>>[vector<16xi32>], vector<16xi32>,
        %jit3A_175 = arith.constant 2147483647 : i32
        %broadcast_in_dim3A_176 = vector.broadcast %jit3A_175 : i32 to vector<16xi32>
        %select_n3A_177 = arith.select %eq3A_173, %gather3A_174, %broadcast_in_dim3A_176 : vector<16xi1>, vector<16xi32>
        %lt3A_178 = arith.cmpi slt, %select_n3A_177, %broadcast_in_dim3A_166 : vector<16xi32>
        %select_n3A_179 = arith.select %lt3A_178, %select_n3A_177, %broadcast_in_dim3A_166 : vector<16xi1>, vector<16xi32>
        %select_n3A_180 = arith.select %lt3A_178, %add3A_171, %broadcast_in_dim3A_168 : vector<16xi1>, vector<16xi32>
        %add3A_181 = arith.constant 16 : i32
        %add3A_182 = vector.broadcast %add3A_181 : i32 to vector<16xi32>
        %add3A_183 = arith.addi %add3A_164, %add3A_182 : vector<16xi32>
        %gather3A_184 = tpu.vector_load_idx %arg11[%add3A_183] : memref<8192xf32, #tpu.memory_space<vmem>>[vector<16xi32>], vector<16xf32>,
        %eq3A_185 = arith.cmpf oeq, %gather3A_184, %max3A : vector<16xf32>
        %gather3A_186 = tpu.vector_load_idx %arg12[%add3A_183] : memref<8192xi32, #tpu.memory_space<vmem>>[vector<16xi32>], vector<16xi32>,
        %jit3A_187 = arith.constant 2147483647 : i32
        %broadcast_in_dim3A_188 = vector.broadcast %jit3A_187 : i32 to vector<16xi32>
        %select_n3A_189 = arith.select %eq3A_185, %gather3A_186, %broadcast_in_dim3A_188 : vector<16xi1>, vector<16xi32>
        %lt3A_190 = arith.cmpi slt, %select_n3A_189, %select_n3A_179 : vector<16xi32>
        %select_n3A_191 = arith.select %lt3A_190, %select_n3A_189, %select_n3A_179 : vector<16xi1>, vector<16xi32>
        %select_n3A_192 = arith.select %lt3A_190, %add3A_183, %select_n3A_180 : vector<16xi1>, vector<16xi32>
        %neg3A = arith.constant 0 : i32
        %neg3A_193 = vector.broadcast %neg3A : i32 to vector<16xi32>
        %neg3A_194 = arith.subi %neg3A_193, %select_n3A_191 : vector<16xi32>
        %broadcast_in_dim3A_195 = arith.constant true
        %broadcast_in_dim3A_196 = vector.broadcast %broadcast_in_dim3A_195 : i1 to vector<16xi1>
        %masked_cummax3A_197 = arith.constant -2147483648 : i32
        %masked_cummax3A_198 = vector.broadcast %masked_cummax3A_197 : i32 to vector<16xi32>
        %masked_cummax3A_199 = arith.xori %neg3A_194, %masked_cummax3A_198 : vector<16xi32>
        %masked_cummax3A_200 = tpu.scan <max>, %masked_cummax3A_199 masked %broadcast_in_dim3A_196 : vector<16xi32>, vector<16xi1> -> vector<16xi32>
        %masked_cummax3A_201 = arith.xori %masked_cummax3A_200, %masked_cummax3A_198 : vector<16xi32>
        %rev3A_202 = arith.constant 15 : i32
        %rev3A_203 = vector.broadcast %rev3A_202 : i32 to vector<16xi32>
        %rev3A_204 = tpu.iota {dimensions = array<i32: 0>} : vector<16xi32>
        %rev3A_205 = arith.subi %rev3A_203, %rev3A_204 : vector<16xi32>
        %rev3A_206 = tpu.dynamic_gather %neg3A_194[%rev3A_205] in [0] : vector<16xi32>, vector<16xi32> -> vector<16xi32>
        %broadcast_in_dim3A_207 = arith.constant true
        %broadcast_in_dim3A_208 = vector.broadcast %broadcast_in_dim3A_207 : i1 to vector<16xi1>
        %masked_cummax3A_209 = arith.constant -2147483648 : i32
        %masked_cummax3A_210 = vector.broadcast %masked_cummax3A_209 : i32 to vector<16xi32>
        %masked_cummax3A_211 = arith.xori %rev3A_206, %masked_cummax3A_210 : vector<16xi32>
        %masked_cummax3A_212 = tpu.scan <max>, %masked_cummax3A_211 masked %broadcast_in_dim3A_208 : vector<16xi32>, vector<16xi1> -> vector<16xi32>
        %masked_cummax3A_213 = arith.xori %masked_cummax3A_212, %masked_cummax3A_210 : vector<16xi32>
        %rev3A_214 = arith.constant 15 : i32
        %rev3A_215 = vector.broadcast %rev3A_214 : i32 to vector<16xi32>
        %rev3A_216 = tpu.iota {dimensions = array<i32: 0>} : vector<16xi32>
        %rev3A_217 = arith.subi %rev3A_215, %rev3A_216 : vector<16xi32>
        %rev3A_218 = tpu.dynamic_gather %masked_cummax3A_213[%rev3A_217] in [0] : vector<16xi32>, vector<16xi32> -> vector<16xi32>
        %max3A_219 = arith.maxsi %masked_cummax3A_201, %rev3A_218 : vector<16xi32>
        %neg3A_220 = arith.constant 0 : i32
        %neg3A_221 = vector.broadcast %neg3A_220 : i32 to vector<16xi32>
        %neg3A_222 = arith.subi %neg3A_221, %max3A_219 : vector<16xi32>
        %eq3A_223 = arith.cmpi eq, %select_n3A_191, %neg3A_222 : vector<16xi32>
        %jit3A_224 = arith.constant 2147483647 : i32
        %broadcast_in_dim3A_225 = vector.broadcast %jit3A_224 : i32 to vector<16xi32>
        %select_n3A_226 = arith.select %eq3A_223, %select_n3A_192, %broadcast_in_dim3A_225 : vector<16xi1>, vector<16xi32>
        %neg3A_227 = arith.constant 0 : i32
        %neg3A_228 = vector.broadcast %neg3A_227 : i32 to vector<16xi32>
        %neg3A_229 = arith.subi %neg3A_228, %select_n3A_226 : vector<16xi32>
        %broadcast_in_dim3A_230 = arith.constant true
        %broadcast_in_dim3A_231 = vector.broadcast %broadcast_in_dim3A_230 : i1 to vector<16xi1>
        %masked_cummax3A_232 = arith.constant -2147483648 : i32
        %masked_cummax3A_233 = vector.broadcast %masked_cummax3A_232 : i32 to vector<16xi32>
        %masked_cummax3A_234 = arith.xori %neg3A_229, %masked_cummax3A_233 : vector<16xi32>
        %masked_cummax3A_235 = tpu.scan <max>, %masked_cummax3A_234 masked %broadcast_in_dim3A_231 : vector<16xi32>, vector<16xi1> -> vector<16xi32>
        %masked_cummax3A_236 = arith.xori %masked_cummax3A_235, %masked_cummax3A_233 : vector<16xi32>
        %rev3A_237 = arith.constant 15 : i32
        %rev3A_238 = vector.broadcast %rev3A_237 : i32 to vector<16xi32>
        %rev3A_239 = tpu.iota {dimensions = array<i32: 0>} : vector<16xi32>
        %rev3A_240 = arith.subi %rev3A_238, %rev3A_239 : vector<16xi32>
        %rev3A_241 = tpu.dynamic_gather %neg3A_229[%rev3A_240] in [0] : vector<16xi32>, vector<16xi32> -> vector<16xi32>
        %broadcast_in_dim3A_242 = arith.constant true
        %broadcast_in_dim3A_243 = vector.broadcast %broadcast_in_dim3A_242 : i1 to vector<16xi1>
        %masked_cummax3A_244 = arith.constant -2147483648 : i32
        %masked_cummax3A_245 = vector.broadcast %masked_cummax3A_244 : i32 to vector<16xi32>
        %masked_cummax3A_246 = arith.xori %rev3A_241, %masked_cummax3A_245 : vector<16xi32>
        %masked_cummax3A_247 = tpu.scan <max>, %masked_cummax3A_246 masked %broadcast_in_dim3A_243 : vector<16xi32>, vector<16xi1> -> vector<16xi32>
        %masked_cummax3A_248 = arith.xori %masked_cummax3A_247, %masked_cummax3A_245 : vector<16xi32>
        %rev3A_249 = arith.constant 15 : i32
        %rev3A_250 = vector.broadcast %rev3A_249 : i32 to vector<16xi32>
        %rev3A_251 = tpu.iota {dimensions = array<i32: 0>} : vector<16xi32>
        %rev3A_252 = arith.subi %rev3A_250, %rev3A_251 : vector<16xi32>
        %rev3A_253 = tpu.dynamic_gather %masked_cummax3A_248[%rev3A_252] in [0] : vector<16xi32>, vector<16xi32> -> vector<16xi32>
        %max3A_254 = arith.maxsi %masked_cummax3A_236, %rev3A_253 : vector<16xi32>
        %neg3A_255 = arith.constant 0 : i32
        %neg3A_256 = vector.broadcast %neg3A_255 : i32 to vector<16xi32>
        %neg3A_257 = arith.subi %neg3A_256, %max3A_254 : vector<16xi32>
        %lt3A_258 = arith.cmpi slt, %neg3A_222, %while3A_157 : vector<16xi32>
        %select_n3A_259 = arith.select %lt3A_258, %neg3A_222, %while3A_157 : vector<16xi1>, vector<16xi32>
        %select_n3A_260 = arith.select %lt3A_258, %neg3A_257, %while3A_158 : vector<16xi1>, vector<16xi32>
        scf.yield %select_n3A_259, %select_n3A_260 : vector<16xi32>, vector<16xi32>
      }
      %while3A_137 = arith.constant 1 : i32
      %while3A_138:2 = scf.for %while3A_156 = %while3A_134 to %while3A_130 step %while3A_137 iter_args(%while3A_157 = %while3A_136#0, %while3A_158 = %while3A_136#1) -> (vector<16xi32>, vector<16xi32>)  : i32 {
        %broadcast_in_dim3A_159 = vector.broadcast %while3A_156 : i32 to vector<16xi32>
        %gather3A_160 = tpu.vector_load_idx %arg20[%broadcast_in_dim3A_159] : memref<272xi32, #tpu.memory_space<vmem>>[vector<16xi32>], vector<16xi32>,
        %mul3A_161 = arith.constant 32 : i32
        %mul3A_162 = vector.broadcast %mul3A_161 : i32 to vector<16xi32>
        %mul3A_163 = arith.muli %gather3A_160, %mul3A_162 : vector<16xi32>
        %add3A_164 = arith.addi %mul3A_163, %iota3A : vector<16xi32>
        %broadcast_in_dim3A_165 = arith.constant 2147483647 : i32
        %broadcast_in_dim3A_166 = vector.broadcast %broadcast_in_dim3A_165 : i32 to vector<16xi32>
        %broadcast_in_dim3A_167 = arith.constant 2147483647 : i32
        %broadcast_in_dim3A_168 = vector.broadcast %broadcast_in_dim3A_167 : i32 to vector<16xi32>
        %add3A_169 = arith.constant 0 : i32
        %add3A_170 = vector.broadcast %add3A_169 : i32 to vector<16xi32>
        %add3A_171 = arith.addi %add3A_164, %add3A_170 : vector<16xi32>
        %gather3A_172 = tpu.vector_load_idx %arg11[%add3A_171] : memref<8192xf32, #tpu.memory_space<vmem>>[vector<16xi32>], vector<16xf32>,
        %eq3A_173 = arith.cmpf oeq, %gather3A_172, %max3A : vector<16xf32>
        %gather3A_174 = tpu.vector_load_idx %arg12[%add3A_171] : memref<8192xi32, #tpu.memory_space<vmem>>[vector<16xi32>], vector<16xi32>,
        %jit3A_175 = arith.constant 2147483647 : i32
        %broadcast_in_dim3A_176 = vector.broadcast %jit3A_175 : i32 to vector<16xi32>
        %select_n3A_177 = arith.select %eq3A_173, %gather3A_174, %broadcast_in_dim3A_176 : vector<16xi1>, vector<16xi32>
        %lt3A_178 = arith.cmpi slt, %select_n3A_177, %broadcast_in_dim3A_166 : vector<16xi32>
        %select_n3A_179 = arith.select %lt3A_178, %select_n3A_177, %broadcast_in_dim3A_166 : vector<16xi1>, vector<16xi32>
        %select_n3A_180 = arith.select %lt3A_178, %add3A_171, %broadcast_in_dim3A_168 : vector<16xi1>, vector<16xi32>
        %add3A_181 = arith.constant 16 : i32
        %add3A_182 = vector.broadcast %add3A_181 : i32 to vector<16xi32>
        %add3A_183 = arith.addi %add3A_164, %add3A_182 : vector<16xi32>
        %gather3A_184 = tpu.vector_load_idx %arg11[%add3A_183] : memref<8192xf32, #tpu.memory_space<vmem>>[vector<16xi32>], vector<16xf32>,
        %eq3A_185 = arith.cmpf oeq, %gather3A_184, %max3A : vector<16xf32>
        %gather3A_186 = tpu.vector_load_idx %arg12[%add3A_183] : memref<8192xi32, #tpu.memory_space<vmem>>[vector<16xi32>], vector<16xi32>,
        %jit3A_187 = arith.constant 2147483647 : i32
        %broadcast_in_dim3A_188 = vector.broadcast %jit3A_187 : i32 to vector<16xi32>
        %select_n3A_189 = arith.select %eq3A_185, %gather3A_186, %broadcast_in_dim3A_188 : vector<16xi1>, vector<16xi32>
        %lt3A_190 = arith.cmpi slt, %select_n3A_189, %select_n3A_179 : vector<16xi32>
        %select_n3A_191 = arith.select %lt3A_190, %select_n3A_189, %select_n3A_179 : vector<16xi1>, vector<16xi32>
        %select_n3A_192 = arith.select %lt3A_190, %add3A_183, %select_n3A_180 : vector<16xi1>, vector<16xi32>
        %neg3A = arith.constant 0 : i32
        %neg3A_193 = vector.broadcast %neg3A : i32 to vector<16xi32>
        %neg3A_194 = arith.subi %neg3A_193, %select_n3A_191 : vector<16xi32>
        %broadcast_in_dim3A_195 = arith.constant true
        %broadcast_in_dim3A_196 = vector.broadcast %broadcast_in_dim3A_195 : i1 to vector<16xi1>
        %masked_cummax3A_197 = arith.constant -2147483648 : i32
        %masked_cummax3A_198 = vector.broadcast %masked_cummax3A_197 : i32 to vector<16xi32>
        %masked_cummax3A_199 = arith.xori %neg3A_194, %masked_cummax3A_198 : vector<16xi32>
        %masked_cummax3A_200 = tpu.scan <max>, %masked_cummax3A_199 masked %broadcast_in_dim3A_196 : vector<16xi32>, vector<16xi1> -> vector<16xi32>
        %masked_cummax3A_201 = arith.xori %masked_cummax3A_200, %masked_cummax3A_198 : vector<16xi32>
        %rev3A_202 = arith.constant 15 : i32
        %rev3A_203 = vector.broadcast %rev3A_202 : i32 to vector<16xi32>
        %rev3A_204 = tpu.iota {dimensions = array<i32: 0>} : vector<16xi32>
        %rev3A_205 = arith.subi %rev3A_203, %rev3A_204 : vector<16xi32>
        %rev3A_206 = tpu.dynamic_gather %neg3A_194[%rev3A_205] in [0] : vector<16xi32>, vector<16xi32> -> vector<16xi32>
        %broadcast_in_dim3A_207 = arith.constant true
        %broadcast_in_dim3A_208 = vector.broadcast %broadcast_in_dim3A_207 : i1 to vector<16xi1>
        %masked_cummax3A_209 = arith.constant -2147483648 : i32
        %masked_cummax3A_210 = vector.broadcast %masked_cummax3A_209 : i32 to vector<16xi32>
        %masked_cummax3A_211 = arith.xori %rev3A_206, %masked_cummax3A_210 : vector<16xi32>
        %masked_cummax3A_212 = tpu.scan <max>, %masked_cummax3A_211 masked %broadcast_in_dim3A_208 : vector<16xi32>, vector<16xi1> -> vector<16xi32>
        %masked_cummax3A_213 = arith.xori %masked_cummax3A_212, %masked_cummax3A_210 : vector<16xi32>
        %rev3A_214 = arith.constant 15 : i32
        %rev3A_215 = vector.broadcast %rev3A_214 : i32 to vector<16xi32>
        %rev3A_216 = tpu.iota {dimensions = array<i32: 0>} : vector<16xi32>
        %rev3A_217 = arith.subi %rev3A_215, %rev3A_216 : vector<16xi32>
        %rev3A_218 = tpu.dynamic_gather %masked_cummax3A_213[%rev3A_217] in [0] : vector<16xi32>, vector<16xi32> -> vector<16xi32>
        %max3A_219 = arith.maxsi %masked_cummax3A_201, %rev3A_218 : vector<16xi32>
        %neg3A_220 = arith.constant 0 : i32
        %neg3A_221 = vector.broadcast %neg3A_220 : i32 to vector<16xi32>
        %neg3A_222 = arith.subi %neg3A_221, %max3A_219 : vector<16xi32>
        %eq3A_223 = arith.cmpi eq, %select_n3A_191, %neg3A_222 : vector<16xi32>
        %jit3A_224 = arith.constant 2147483647 : i32
        %broadcast_in_dim3A_225 = vector.broadcast %jit3A_224 : i32 to vector<16xi32>
        %select_n3A_226 = arith.select %eq3A_223, %select_n3A_192, %broadcast_in_dim3A_225 : vector<16xi1>, vector<16xi32>
        %neg3A_227 = arith.constant 0 : i32
        %neg3A_228 = vector.broadcast %neg3A_227 : i32 to vector<16xi32>
        %neg3A_229 = arith.subi %neg3A_228, %select_n3A_226 : vector<16xi32>
        %broadcast_in_dim3A_230 = arith.constant true
        %broadcast_in_dim3A_231 = vector.broadcast %broadcast_in_dim3A_230 : i1 to vector<16xi1>
        %masked_cummax3A_232 = arith.constant -2147483648 : i32
        %masked_cummax3A_233 = vector.broadcast %masked_cummax3A_232 : i32 to vector<16xi32>
        %masked_cummax3A_234 = arith.xori %neg3A_229, %masked_cummax3A_233 : vector<16xi32>
        %masked_cummax3A_235 = tpu.scan <max>, %masked_cummax3A_234 masked %broadcast_in_dim3A_231 : vector<16xi32>, vector<16xi1> -> vector<16xi32>
        %masked_cummax3A_236 = arith.xori %masked_cummax3A_235, %masked_cummax3A_233 : vector<16xi32>
        %rev3A_237 = arith.constant 15 : i32
        %rev3A_238 = vector.broadcast %rev3A_237 : i32 to vector<16xi32>
        %rev3A_239 = tpu.iota {dimensions = array<i32: 0>} : vector<16xi32>
        %rev3A_240 = arith.subi %rev3A_238, %rev3A_239 : vector<16xi32>
        %rev3A_241 = tpu.dynamic_gather %neg3A_229[%rev3A_240] in [0] : vector<16xi32>, vector<16xi32> -> vector<16xi32>
        %broadcast_in_dim3A_242 = arith.constant true
        %broadcast_in_dim3A_243 = vector.broadcast %broadcast_in_dim3A_242 : i1 to vector<16xi1>
        %masked_cummax3A_244 = arith.constant -2147483648 : i32
        %masked_cummax3A_245 = vector.broadcast %masked_cummax3A_244 : i32 to vector<16xi32>
        %masked_cummax3A_246 = arith.xori %rev3A_241, %masked_cummax3A_245 : vector<16xi32>
        %masked_cummax3A_247 = tpu.scan <max>, %masked_cummax3A_246 masked %broadcast_in_dim3A_243 : vector<16xi32>, vector<16xi1> -> vector<16xi32>
        %masked_cummax3A_248 = arith.xori %masked_cummax3A_247, %masked_cummax3A_245 : vector<16xi32>
        %rev3A_249 = arith.constant 15 : i32
        %rev3A_250 = vector.broadcast %rev3A_249 : i32 to vector<16xi32>
        %rev3A_251 = tpu.iota {dimensions = array<i32: 0>} : vector<16xi32>
        %rev3A_252 = arith.subi %rev3A_250, %rev3A_251 : vector<16xi32>
        %rev3A_253 = tpu.dynamic_gather %masked_cummax3A_248[%rev3A_252] in [0] : vector<16xi32>, vector<16xi32> -> vector<16xi32>
        %max3A_254 = arith.maxsi %masked_cummax3A_236, %rev3A_253 : vector<16xi32>
        %neg3A_255 = arith.constant 0 : i32
        %neg3A_256 = vector.broadcast %neg3A_255 : i32 to vector<16xi32>
        %neg3A_257 = arith.subi %neg3A_256, %max3A_254 : vector<16xi32>
        %lt3A_258 = arith.cmpi slt, %neg3A_222, %while3A_157 : vector<16xi32>
        %select_n3A_259 = arith.select %lt3A_258, %neg3A_222, %while3A_157 : vector<16xi1>, vector<16xi32>
        %select_n3A_260 = arith.select %lt3A_258, %neg3A_257, %while3A_158 : vector<16xi1>, vector<16xi32>
        scf.yield %select_n3A_259, %select_n3A_260 : vector<16xi32>, vector<16xi32>
      }
      %gather3A_139 = tpu.vector_load_idx %arg8[%while3A_138#1] : memref<8192xf32, #tpu.memory_space<vmem>>[vector<16xi32>], vector<16xf32>,
      %gather3A_140 = tpu.vector_load_idx %arg9[%while3A_138#1] : memref<8192xf32, #tpu.memory_space<vmem>>[vector<16xi32>], vector<16xf32>,
      %gather3A_141 = tpu.vector_load_idx %arg10[%while3A_138#1] : memref<8192xf32, #tpu.memory_space<vmem>>[vector<16xi32>], vector<16xf32>,
      %eq3A_142 = arith.constant 0 : i32
      %eq3A_143 = vector.broadcast %eq3A_142 : i32 to vector<16xi32>
      %eq3A_144 = arith.cmpi eq, %iota3A, %eq3A_143 : vector<16xi32>
      %eq3A_145 = arith.constant 1 : i32
      %eq3A_146 = vector.broadcast %eq3A_145 : i32 to vector<16xi32>
      %eq3A_147 = arith.cmpi eq, %iota3A, %eq3A_146 : vector<16xi32>
      %select_n3A_148 = arith.select %eq3A_147, %gather3A_140, %gather3A_141 : vector<16xi1>, vector<16xf32>
      %select_n3A_149 = arith.select %eq3A_144, %gather3A_139, %select_n3A_148 : vector<16xi1>, vector<16xf32>
      %add3A_150 = arith.constant 1 : i32
      %add3A_151 = arith.addi %scan3A_46, %add3A_150 : i32
      %mul3A_152 = arith.constant 3 : i32
      %mul3A_153 = arith.muli %mul3A_152, %add3A_151 : i32
      %add3A_154 = vector.broadcast %mul3A_153 : i32 to vector<16xi32>
      %add3A_155 = arith.addi %add3A_154, %iota3A : vector<16xi32>
      tpu.vector_store_idx %arg22[%add3A_155], %select_n3A_149 masked %lt3A_7 : memref<3072xf32, #tpu.memory_space<vmem>>[vector<16xi32>], vector<16xf32>, vector<16xi1>
      scf.yield %gather3A_139, %gather3A_140, %gather3A_141 : vector<16xf32>, vector<16xf32>, vector<16xf32>
    }
    %scan3A_45 = arith.constant 1023 : i32
    "tpu.region"() ({
      %run_scoped3A_46 = tpu.sem_alloc : memref<!tpu.dma_semaphore, #tpu.memory_space<semaphore_mem>>
      %dma_start3A = arith.constant 0 : i32
      %dma_start3A_47 = tpu.memref_slice %arg7[%add3A, %dma_start3A] : memref<32x3072xf32, #tpu.memory_space<hbm>> -> memref<1x3072xf32, #tpu.memory_space<hbm>>
      %dma_start3A_48 = tpu.memref_squeeze %dma_start3A_47 : memref<1x3072xf32, #tpu.memory_space<hbm>> -> memref<3072xf32, #tpu.memory_space<hbm>>
      %dma_start3A_49 = arith.constant 0 : i32
      %dma_start3A_50 = tpu.memref_slice %arg7[%add3A, %dma_start3A_49] : memref<32x3072xf32, #tpu.memory_space<hbm>> -> memref<1x3072xf32, #tpu.memory_space<hbm>>
      %dma_start3A_51 = tpu.memref_squeeze %dma_start3A_50 : memref<1x3072xf32, #tpu.memory_space<hbm>> -> memref<3072xf32, #tpu.memory_space<hbm>>
      tpu.enqueue_dma source(%arg22 : memref<3072xf32, #tpu.memory_space<vmem>>) target(%dma_start3A_51 : memref<3072xf32, #tpu.memory_space<hbm>>) target_semaphore(%run_scoped3A_46 : memref<!tpu.dma_semaphore, #tpu.memory_space<semaphore_mem>>)
      %dma_wait3A = arith.constant 0 : i32
      %dma_wait3A_52 = tpu.memref_slice %arg7[%add3A, %dma_wait3A] : memref<32x3072xf32, #tpu.memory_space<hbm>> -> memref<1x3072xf32, #tpu.memory_space<hbm>>
      %dma_wait3A_53 = tpu.memref_squeeze %dma_wait3A_52 : memref<1x3072xf32, #tpu.memory_space<hbm>> -> memref<3072xf32, #tpu.memory_space<hbm>>
      %dma_wait3A_54 = arith.constant 0 : i32
      %dma_wait3A_55 = tpu.memref_slice %arg7[%add3A, %dma_wait3A_54] : memref<32x3072xf32, #tpu.memory_space<hbm>> -> memref<1x3072xf32, #tpu.memory_space<hbm>>
      %dma_wait3A_56 = tpu.memref_squeeze %dma_wait3A_55 : memref<1x3072xf32, #tpu.memory_space<hbm>> -> memref<3072xf32, #tpu.memory_space<hbm>>
      tpu.wait_dma2 semaphore(%run_scoped3A_46 : memref<!tpu.dma_semaphore, #tpu.memory_space<semaphore_mem>>) src(%arg22 : memref<3072xf32, #tpu.memory_space<vmem>>) dst(%dma_wait3A_56 : memref<3072xf32, #tpu.memory_space<hbm>>)
      tpu.yield
    }) : () -> ()
    return
  }
}

</mosaic_0001>

<sc_bundles>
// kernel: gather_offload_async_start
scs
__scs_entry_jumppad:
0x0: {  	(pc) =	sbr.rel $0x88, $3  }
0x1: {  	(tag) =	ssettag $0x0;
	lr =	simm.s32 $0x1  }
0x2: {  	[smem:$0x3FA0] =	sst lr;
	_ =	strace $0xD0000000  }
0x3: {  	_ = 	snop  }
0x4: {  	_ = 	snop  }
0x5: {  	_ = 	snop  }
0x6: {  	_ = 	snop  }
0x7: {  	_ = 	snop  }
__scs_overlays_trampoline_lowered:
0x8: {  	[smem:$0x3FAF] =	sst s0  }
0x9: {  	[smem:$0x3FB0] =	sst s1  }
0xa: {  	[smem:$0x3FB1] =	sst s2  }
0xb: {  	[smem:$0x3FB2] =	sst s3  }
0xc: {  	[smem:$0x3FB3] =	sst s4  }
0xd: {  	[smem:$0x3FB4] =	sst s5  }
0xe: {  	[smem:$0x3FB5] =	sst s6  }
0xf: {  	[smem:$0x3FB6] =	sst s7  }
0x10: {  	[smem:$0x3FB7] =	sst s8  }
0x11: {  	[smem:$0x3FB8] =	sst s9;
	s0 =	simm.s32 @!p0 $0x0  }
0x12: {  	s1 =	sld [smem:$0x3F9E];
	s0 =	simm.s32 @p0 $0x1  }
0x13: {  	[smem:$0x3FB9] =	sst s0;
	s0 =	simm.s32 @!p1 $0x0  }
0x14: {  	s2 =	sld [smem:$0x3F9D];
	s0 =	simm.s32 @p1 $0x1  }
0x15: {  	[smem:$0x3FBA] =	sst s0;
	s0 =	simm.s32 @!p2 $0x0  }
0x16: {  	s3 =	sld [smem:$0x3FDB];
	s0 =	simm.s32 @p2 $0x1  }
0x17: {  	s4 =	simm.s32 $0x1BF5;
	[smem:$0x3FBC] =	sst s0  }
0x18: {  	s0 =	sld [smem:$0x3F9F];
	_ =	swait.ge [sflag:s4], $0x0  }
0x19: {  	s7 =	sld [smem:$0x3FA0]  }
0x1a: {  	s8 =	sadd.s32 $0xFFFFE003, lr  }
0x1b: {  	s9 =	sadd.s32 $0xFFFFFEF7, lr;
	s5 =	simm.s32 $0xFFFFFFFF;
	p2 =	slt.u32 s8, $0xFFFFF086  }
0x1c: {  	p1 =	slt.u32 s9, $0xF7A;
	s5 =	simm.s32 @!p2 $0x0  }
0x1d: {  	s5 =	simm.s32 @p1 $0x1;
	p0 =	seq.s32 s7, s2  }
0x1e: {  	s7 =	smul.u32 @!p0 $0xF7A, s2;
	p2 =	seq.s32 @!p0 s5, $0x0  }
0x1f: {  	s9 =	smul.u32 $0xF7A, s1;
	s8 =	simm.s32 @!p0 $0x1BF5;
	p2 =	por !p2, p0  }
0x20: {  	[sflag:s8] =	ssyncset.s32 @!p0 $0xFFFFF086;
	s6 =	sadd.s32 @!p0 s3, s7;
	s7 =	simm.s32 @!p0 $0x108  }
0x21: {  	s3 =	sadd.s32 s3, s9;
	s6 =	sadd.s32 @!p0 $0x88, s6;
	s7 =	simm.s32 @p2 $0x1082  }
0x22: {  	[simem:s7], [sflag:s8] =	dma.local @!p0 [hbm:s6], $0xF7A  }
0x23: {  	s9 =	sor.u32 $0xD0000000, s2;
	s6 =	simm.s32 $0x108;
	_ =	swait.ge @!p0 [sflag:s8], $0x0  }
0x24: {  	s3 =	sadd.s32 $0x88, s3;
	s6 =	simm.s32 @!p1 $0x1082;
	[sflag:s4] =	ssyncset.s32 $0xFFFFF086  }
0x25: {  	[simem:s6], [sflag:s4] =	dma.local [hbm:s3], $0xF7A  }
0x26: {  	[smem:$0x3FA0] =	sst s1;
	(tag) =	ssettag s2;
	_ =	strace s9  }
0x27: {  	s1 =	sld [smem:$0x3FB0]  }
0x28: {  	s2 =	sld [smem:$0x3FB1]  }
0x29: {  	s4 =	sld [smem:$0x3FB3]  }
0x2a: {  	p0 =	seq.s32 s5, $0x0;
	s5 =	sld [smem:$0x3FB4]  }
0x2b: {  	s6 =	sld [smem:$0x3FB5]  }
0x2c: {  	s7 =	sld [smem:$0x3FB6]  }
0x2d: {  	s3 =	simm.s32 $0x108;
	s8 =	sld [smem:$0x3FB7]  }
0x2e: {  	s3 =	simm.s32 @!p0 $0x1082;
	s9 =	sld [smem:$0x3FB8]  }
0x2f: {  	lr =	sadd.s32 s0, s3;
	s0 =	sld [smem:$0x3FAF]  }
0x30: {  	s3 =	sld [smem:$0x3FB2]  }
0x31: {  	[smem:$0x3FBB] =	sst s10  }
0x32: {  	s10 =	sld [smem:$0x3FB9];
	_ =	sdelay $0x3  }
0x33: {  	p0 =	seq.s32 s10, $0x1;
	s10 =	sld [smem:$0x3FBB];
	_ =	sdelay $0x3  }
0x34: {  	[smem:$0x3FBB] =	sst s10  }
0x35: {  	s10 =	sld [smem:$0x3FBA];
	_ =	sdelay $0x3  }
0x36: {  	p1 =	seq.s32 s10, $0x1;
	s10 =	sld [smem:$0x3FBB];
	_ =	sdelay $0x3  }
0x37: {  	[smem:$0x3FBB] =	sst s10  }
0x38: {  	s10 =	sld [smem:$0x3FBC]  }
0x39: {  	_ = 	snop;
	(pc) =	sbr.ind lr, $3  }
0x3a: {  	_ = 	snop  }
0x3b: {  	_ = 	snop  }
0x3c: {  	p2 =	seq.s32 s10, $0x1;
	s10 =	sld [smem:$0x3FBB]  }
0x3d: {  	_ =	shalt  }
0x3e: {  	_ =	shalt  }
0x3f: {  	_ =	shalt  }
0x40: {  	_ =	shalt  }
0x41: {  	_ =	shalt  }
0x42: {  	_ =	shalt  }
0x43: {  	_ =	shalt  }
0x44: {  	_ =	shalt  }
0x45: {  	_ =	shalt  }
0x46: {  	_ =	shalt  }
0x47: {  	_ =	shalt  }
0x48: {  	_ =	shalt  }
0x49: {  	_ =	shalt  }
0x4a: {  	_ =	shalt  }
0x4b: {  	_ =	shalt  }
0x4c: {  	_ =	shalt  }
0x4d: {  	_ =	shalt  }
0x4e: {  	_ =	shalt  }
0x4f: {  	_ =	shalt  }
0x50: {  	_ =	shalt  }
0x51: {  	_ =	shalt  }
0x52: {  	_ =	shalt  }
0x53: {  	_ =	shalt  }
0x54: {  	_ =	shalt  }
0x55: {  	_ =	shalt  }
0x56: {  	_ =	shalt  }
0x57: {  	_ =	shalt  }
0x58: {  	_ =	shalt  }
0x59: {  	_ =	shalt  }
0x5a: {  	_ =	shalt  }
0x5b: {  	_ =	shalt  }
0x5c: {  	_ =	shalt  }
0x5d: {  	_ =	shalt  }
0x5e: {  	_ =	shalt  }
0x5f: {  	_ =	shalt  }
0x60: {  	_ =	shalt  }
0x61: {  	_ =	shalt  }
0x62: {  	_ =	shalt  }
0x63: {  	_ =	shalt  }
0x64: {  	_ =	shalt  }
0x65: {  	_ =	shalt  }
0x66: {  	_ =	shalt  }
0x67: {  	_ =	shalt  }
0x68: {  	_ =	shalt  }
0x69: {  	_ =	shalt  }
0x6a: {  	_ =	shalt  }
0x6b: {  	_ =	shalt  }
0x6c: {  	_ =	shalt  }
0x6d: {  	_ =	shalt  }
0x6e: {  	_ =	shalt  }
0x6f: {  	_ =	shalt  }
0x70: {  	_ =	shalt  }
0x71: {  	_ =	shalt  }
0x72: {  	_ =	shalt  }
0x73: {  	_ =	shalt  }
0x74: {  	_ =	shalt  }
0x75: {  	_ =	shalt  }
0x76: {  	_ =	shalt  }
0x77: {  	_ =	shalt  }
0x78: {  	_ =	shalt  }
0x79: {  	_ =	shalt  }
0x7a: {  	_ =	shalt  }
0x7b: {  	_ =	shalt  }
0x7c: {  	_ =	shalt  }
0x7d: {  	_ =	shalt  }
0x7e: {  	_ =	shalt  }
0x7f: {  	_ =	shalt  }
0x80: {  	_ =	shalt  }
0x81: {  	_ =	shalt  }
0x82: {  	_ =	shalt  }
0x83: {  	_ =	shalt  }
0x84: {  	_ =	shalt  }
0x85: {  	_ =	shalt  }
0x86: {  	_ =	shalt  }
0x87: {  	_ =	shalt  }
.Lfunc_end0:
.L_simem_size_0:
called_computation_lowered:
.L_overlay_start_0:
0x88: {  	s2 =	sld [smem:$0x3FD9]  }
0x89: {  	s3 =	sld [smem:$0x3FFE];
	_ =	sdelay $0x1  }
0x8a: {  	s1 =	srdreg.scid  }
0x8b: {  	s0 =	sand.u32 $0x1, s1  }
0x8c: {  	s16 =	sshll.u32 s0, $0xA;
	s2 =	sadd.s32 s3, s2  }
0x8d: {  	s2 =	sadd.s32 s2, s16  }
0x8e: {  	[smem:$0x3FC7] =	sst s2  }
0x8f: {  	_ = 	snop  }
0x90: {  	(tm) =	ssettm $0x1  }
0x91: {  	s17 =	sld [smem:$0x3FFB];
	_ =	sdelay $0x3  }
0x92: {  	_ =	strace s17  }
0x93: {  	s2 =	sld [smem:$0x3FFC];
	_ =	sdelay $0x3  }
0x94: {  	_ =	strace s2  }
0x95: {  	s2 =	sld [smem:$0x3FFD];
	_ =	sdelay $0x3  }
0x96: {  	_ =	strace s2  }
0x97: {  	_ =	strace $0x8FFFFFFF  }
0x98: {  	s18 =	sld [smem:$0x3FDB];
	_ =	sdelay $0x1  }
0x99: {  	s19 =	simm.s32 $_scs_section_size  }
0x9a: {  	s4 =	simm.s32 $_size__tile_overlayer_lowered;
	s5 =	simm.s32 $_tile_overlayer_lowered  }
0x9b: {  	s22 =	simm.s32 $0x1BFF;
	s21 =	sshll.u32 s5, $0x1;
	s2 =	sadd.s32 s19, s18  }
0x9c: {  	s6 =	simm.s32 $0x0;
	s20 =	sshll.u32 s4, $0x1;
	s4 =	sadd.s32 s21, s2  }
0x9d: {  	[timem:s6], [sflag:s22] =	dma.local [hbm:s4], s20  }
0x9e: {  	_ =	swait.ge [sflag:s22], s20  }
0x9f: {  	s3 =	ssub.s32 $0x0, s20;
	[sflag:s22] =	ssyncset.done $0x0  }
0xa0: {  	[sflag:s22] =	ssyncadd.s32 s3;
	_ =	sdelay $0x1  }
0xa1: {  	s23 =	simm.s32 $0x1B8B  }
0xa2: {  	_ =	swait.ge [sflag:s23], $0x1  }
0xa3: {  	[sflag:s23] =	ssyncset.done $0x0  }
0xa4: {  	s25 =	simm.s32 $0x1B8E;
	s24 =	sld [smem:$0x3FFE];
	[sflag:s23] =	ssyncadd.s32 $0xFFFFFFFF  }
0xa5: {  	s26 =	simm.s32 $execute0_lowered;
	[smem:$0x3FD2] =	sst s25  }
0xa6: {  	s4 =	sshll.u32 s26, $0x1;
	_ =	strace $0x80000046;
	[dreg:$0x1] =	wrdreg $0xFFFFFFFF  }
0xa7: {  	s28 =	simm.s32 $_size_execute0_lowered;
	s2 =	sadd.s32 s2, s4;
	[dreg:$0x0] =	wrdreg $0x0  }
0xa8: {  	s4 =	sshll.u32 s28, $0x1;
	[dreg:$0x2] =	wrdreg s2  }
0xa9: {  	[dreg:$0x3] =	wrdreg s4  }
0xaa: {  	[dreg:$0x4] =	wrdreg $0xC0  }
0xab: {  	_ =	task [dreg:s6], $0x5FFFF  }
0xac: {  	[dreg:$0x1] =	wrdreg $0xFFFFFFFF  }
0xad: {  	[dreg:$0x0] =	wrdreg $0x60  }
0xae: {  	[dreg:$0x2] =	wrdreg s24  }
0xaf: {  	[dreg:$0x3] =	wrdreg $0x9  }
0xb0: {  	_ =	task.clear_ibuf [dreg:s6], $0x4FFFF;
	_ =	strace $0x90000046  }
0xb1: {  	s29 =	simm.s32 $0x9;
	_ =	strace $0x80000048  }
0xb2: {  	_ =	swait.ge [sflag:s29], $0x1  }
0xb3: {  	[sflag:s29] =	ssyncadd.s32 $0xFFFFFFFF  }
0xb4: {  	_ =	strace $0x90000048  }
0xb5: {  	_ =	sfence  }
0xb6: {  	s30 =	sld [smem:$0x0];
	_ =	sdelay $0x2  }
0xb7: {  	s31 =	sshll.u32 s1, $0xD;
	s1 =	sshrl.u32 s1, $0x2  }
0xb8: {  	s3 =	sand.u32 $0x4000, s31;
	s1 =	sadd.s32 s1, s30  }
0xb9: {  	s0 =	sor.u32 s3, s0;
	s1 =	sshll.u32 s1, $0x11  }
0xba: {  	s0 =	sor.u32 s1, s0  }
0xbb: {  	s0 =	sadd.s32 $0x8F2B, s0  }
0xbc: {  	[sflag:s0] =	ssyncadd.remote.s32 $0x1  }
0xbd: {  	_ =	sfence.sel $0xFFFF  }
0xbe: {  	[dreg:$0x0] =	wrdreg $0xFFFFFFFF;
	(pc) =	sbr.abs _section_cstart, $3  }
0xbf: {  	[dreg:$0x1] =	wrdreg $0xFFFFFFFF  }
0xc0: {  	_ =	task.clear_ibuf [dreg:s6], $0x2FFFF;
	_ =	strace $0x9FFFFFFF  }
0xc1: {  	(tm) =	ssettm $0x7FFFFFFF  }
tec
execute0_lowered:
.L_overlay_start_1:
0x0: {  	(tag) =	ssettag $0x1  }
0x1: {  	s2 =	rddreg [dreg:$0x0]  }
0x2: {  	s0 =	rddreg [dreg:$0x1]  }
0x3: {  	s1 =	srdreg.scid;
	_ =	strace $0x80000047;
	s4 =	simm.s32 $0x1  }
0x4: {  	s9 =	simm.s32 $0x3;
	s11 =	simm.s32 $0x0;
	s5 =	sshll.u32 s1, $0x4  }
.Ltmp0:
0x5: {  	s1 =	stileid.u32;
	s5 =	sand.u32 $0x10, s5;
	(pc) =	sbr.rel .LBB2_1-.Ltmp0, $4  }
0x6: {  	p0 =	por $0x0, $0x0;
	s3 =	sadd.s32 $0x408000, s2;
	s6 =	sor.u32 s1, s5  }
0x7: {  	[sflag:s4] =	ssyncpa.u1 $0x0;
	s5 =	simm.s32 $0x2;
	s6 =	sshll.u32 s6, $0xD  }
0x8: {  	s7 =	sadd.s32 $0x410200, s2;
	[sflag:s5] =	ssyncpa.u1 $0x0;
	s8 =	sadd.s32 $0x2000, s6  }
0x9: {  	vm0 =	vmmov $0xff;
	vm1 =	vcmask $0x3F20;
	[sflag:s9] =	ssyncpa.u1 $0x0;
	s10 =	smov.u32 s6;
	s9 =	simm.s32 $0x0  }
.LBB2_7:
0xa: {  	p1 =	slt.u32 s9, $0x2;
	s11 =	sadd.s32 $0x100, s10  }
0xb: {  	s13 =	smov.u32 s6;
	s9 =	sadd.s32 $0x1, s9;
	p2 =	slt.s32 s11, s8  }
0xc: {  	s13 =	smov.u32 @p2 s11;
	p2 =	sne.s32 s9, $0x22  }
.Ltmp1:
0xd: {  	_ = 	snop;
	(pc) =	sbr.rel @!p2 .LBB2_8-.Ltmp1, $4  }
0xe: {  	s12 =	simm.s32 @!p1 $0x3  }
0xf: {  	_ =	swait.ge @!p1 [sflag:s12], $0x8000  }
0x10: {  	p0 =	por !p0, !p0;
	[sflag:s12] =	ssyncset.done @!p1 $0x0  }
0x11: {  	s11 =	smov.u32 s10;
	s10 =	smov.u32 s13;
	[sflag:s12] =	ssyncadd.s32 @!p1 $0xFFFF8000  }
.LBB2_1:
0x12: {  	p1 =	sgt.u32 s9, $0x1F  }
0x13: {  	s12 =	sxor.u32 @!p1 $0xFFFFFFFF, s9  }
0x14: {  	s13 =	sshrl.u32 @!p1 s10, $0x3;
	s12 =	sshll.u32 @!p1 s12, $0x8  }
0x15: {  	s14 =	sand.u32 @!p1 $0x7, s10;
	s13 =	sadd.s32 @!p1 s3, s13;
	s12 =	sand.u32 @!p1 $0x100, s12  }
0x16: {  	[tilespmem:s12], [sflag:$0x2] =	stream.linear.gather @!p1 [hbm4b:s13+s14], $0x100, $0x38;
	[tilespmem:$0x10200] =	vst v63  }
0x17: {  	p1 =	seq.s32 s9, $0x0  }
0x18: {  	p2 =	seq.s32 @!p1 s9, $0x21  }
0x19: {  	p1 =	por p1, p2  }
.Ltmp2:
0x1a: {  	_ = 	snop;
	(pc) =	sbr.rel @p1 .LBB2_7-.Ltmp2, $1  }
0x1b: {  	_ =	sdelay $0x3  }
0x1c: {  	s12 =	simm.s32 $0x1  }
0x1d: {  	_ =	swait.ge [sflag:s5], $0x100;
	s12 =	simm.s32 @!p0 $0x0  }
0x1e: {  	[sflag:s5] =	ssyncset.done $0x0;
	s14 =	sshll.u32 s12, $0x8  }
0x1f: {  	[sflag:s5] =	ssyncadd.s32 $0xFFFFFF00;
	s13 =	sadd.s32 $0x0, s14  }
0x20: {  	v0 =	vld.msk [tilespmem:s13+$0x0 ss:$0x1], $0xffff;
	_ =	sdelay $0x4  }
0x21: {  	v1 =	vshll.u32 v0, $0x2  }
0x22: {  	vm2 =	veq.s32 v0, $0x80000000;
	v0 =	vshll.u32 v0, $0x14;
	v1 =	vand.u32 $0xFFF80, v1  }
0x23: {  	v0 =	vand.u32 $0x1F00000, v0;
	v1 =	vsel vm2, $0xFFFFFF80, v1  }
0x24: {  	v0 =	vsel vm2, $0xFFF00000, v0;
	v2 =	vand.u32 $0xFFFFFC00, v1  }
0x25: {  	v1 =	vand.u32 $0x380, v1;
	v0 =	vadd.s32 v0, v2  }
0x26: {  	v0 =	vor.u32 v1, v0  }
0x27: {  	v0 =	vshrl.u32 v0, $0x3;
	_ =	sdelay $0x2  }
0x28: {  	s12 =	sshll.u32 s12, $0xF  }
0x29: {  	s12 =	sor.u32 $0x200, s12  }
0x2a: {  	[tilespmem:s12], [sflag:$0x1] =	stream.indirect_vreg.gather [hbm:s2], $0x80, v0, vm0, $0x38;
	[tilespmem:$0x10200] =	vst v63  }
0x2b: {  	s15 =	sadd.s32 $0x10, s14;
	s13 =	sadd.s32 $0x400, s12  }
0x2c: {  	[tilespmem:s13], [sflag:$0x1] =	stream.indirect_vreg.gather [hbm:s2], $0x80, v0, vm1, $0x38;
	[tilespmem:$0x10200] =	vst v63  }
0x2d: {  	s16 =	simm.s32 $0x80;
	v0 =	vld.msk [tilespmem:s15+$0x0 ss:$0x1], $0xffff;
	s15 =	smov.u32 s12  }
.LBB2_3:
0x2e: {  	p1 =	sne.s32 s16, $0x3C0;
	_ =	sdelay $0x4  }
0x2f: {  	v1 =	vshll.u32 v0, $0x2  }
0x30: {  	vm2 =	veq.s32 v0, $0x80000000;
	v0 =	vshll.u32 v0, $0x14;
	v1 =	vand.u32 $0xFFF80, v1  }
0x31: {  	v0 =	vand.u32 $0x1F00000, v0;
	v1 =	vsel vm2, $0xFFFFFF80, v1  }
0x32: {  	v0 =	vsel vm2, $0xFFF00000, v0;
	v2 =	vand.u32 $0xFFFFFC00, v1  }
0x33: {  	v1 =	vand.u32 $0x380, v1;
	v0 =	vadd.s32 v0, v2  }
0x34: {  	v0 =	vor.u32 v1, v0  }
0x35: {  	v0 =	vshrl.u32 v0, $0x3;
	_ =	sdelay $0x3  }
.Ltmp3:
0x36: {  	s17 =	sshra.s32 s16, $0x2;
	s15 =	sadd.s32 $0x800, s15;
	(pc) =	sbr.rel @p1 .LBB2_3-.Ltmp3, $4  }
0x37: {  	[tilespmem:s15], [sflag:$0x1] =	stream.indirect_vreg.gather [hbm:s2], $0x80, v0, vm0, $0x38;
	[tilespmem:$0x10200] =	vst v63  }
0x38: {  	s17 =	sadd.s32 s17, s14;
	s18 =	sadd.s32 $0x400, s15  }
0x39: {  	[tilespmem:s18], [sflag:$0x1] =	stream.indirect_vreg.gather [hbm:s2], $0x80, v0, vm1, $0x38;
	[tilespmem:$0x10200] =	vst v63  }
0x3a: {  	s16 =	sadd.s32 $0x40, s16;
	v0 =	vld.msk [tilespmem:s17+$0x0 ss:$0x1], $0xffff  }
0x3b: {  	_ =	sdelay $0x3  }
0x3c: {  	v1 =	vshll.u32 v0, $0x2  }
0x3d: {  	vm2 =	veq.s32 v0, $0x80000000;
	v63 =	vshll.u32 v0, $0x14;
	v1 =	vand.u32 $0xFFF80, v1  }
0x3e: {  	v0 =	vand.u32 $0x1F00000, v63;
	v1 =	vsel vm2, $0xFFFFFF80, v1  }
0x3f: {  	v0 =	vsel vm2, $0xFFF00000, v0;
	v2 =	vand.u32 $0xFFFFFC00, v1  }
0x40: {  	v1 =	vand.u32 $0x380, v1;
	v0 =	vadd.s32 v0, v2  }
0x41: {  	v0 =	vor.u32 v1, v0  }
0x42: {  	v0 =	vshrl.u32 v0, $0x3;
	_ =	sdelay $0x3  }
0x43: {  	s14 =	sadd.s32 $0x800, s15  }
0x44: {  	[tilespmem:s14], [sflag:$0x1] =	stream.indirect_vreg.gather [hbm:s2], $0x80, v0, vm0, $0x38;
	[tilespmem:$0x10200] =	vst v63  }
0x45: {  	s14 =	sadd.s32 $0x400, s14  }
0x46: {  	[tilespmem:s14], [sflag:$0x1] =	stream.indirect_vreg.gather [hbm:s2], $0x80, v0, vm1, $0x38;
	[tilespmem:$0x10200] =	vst v63  }
0x47: {  	s11 =	sshll.u32 s11, $0x4;
	_ =	swait.ge [sflag:s4], $0x8000  }
0x48: {  	s11 =	sadd.s32 s11, s7;
	[sflag:s4] =	ssyncset.done $0x0  }
0x49: {  	s15 =	sadd.s32 $0x0, s11;
	s14 =	simm.s32 $0x80;
	[sflag:s4] =	ssyncadd.s32 $0xFFFF8000  }
.LBB2_5:
0x4a: {  	[hbm:s15] =	stream.linear.scatter [tilespmem:s12], [sflag:$0x3], $0x400, $0x38;
	[tilespmem:$0x10200] =	vst v63  }
0x4b: {  	s15 =	smov.u32 s14;
	s12 =	smov.u32 s13;
	p1 =	sne.s32 s14, $0xF80  }
.Ltmp4:
0x4c: {  	s14 =	sadd.s32 $0x80, s14;
	(pc) =	sbr.rel @p1 .LBB2_5-.Ltmp4, $2  }
0x4d: {  	_ =	sdelay $0x2  }
0x4e: {  	s13 =	sadd.s32 $0x400, s13;
	s15 =	sadd.s32 s15, s11  }
.Ltmp5:
0x4f: {  	(pc) =	sbr.rel .LBB2_7-.Ltmp5, $2  }
0x50: {  	_ =	sdelay $0x2  }
0x51: {  	[hbm:s15] =	stream.linear.scatter [tilespmem:s12], [sflag:$0x3], $0x400, $0x38;
	[tilespmem:$0x10200] =	vst v63  }
.LBB2_8:
0x52: {  	_ =	sfence.sel $0x180000  }
0x53: {  	s2 =	simm.s32 $0x2;
	[bflag:$0x0] =	sbarrier.arrive $0xFFFF  }
0x54: {  	s30 =	simm.s32 $0x3;
	[sflag:s2] =	ssyncpa.u1 $0x1  }
0x55: {  	s31 =	simm.s32 $0x1;
	[sflag:s30] =	ssyncpa.u1 $0x1  }
0x56: {  	[sflag:s31] =	ssyncpa.u1 $0x1  }
0x57: {  	p0 =	sne.s32 s1, $0x0;
	_ =	strace $0x90000047  }
0x58: {  	s0 =	sadd.s32 @!p0 $0x100000, s0;
	[bflag:$0x2] =	sbarrier.arrive $0xFFFF  }
0x59: {  	[sflag:s0] =	ssyncadd.tile.s32 @!p0 $0x1;
	_ =	shalt  }
.Lfunc_end2:
_tile_overlayer_lowered:
.L_overlay_start_2:
0x5a: {  	(tag) =	ssettag $0x2  }
0x5b: {  	s0 =	rddreg [dreg:$0x0];
	s2 =	stileid.u32  }
0x5c: {  	s1 =	rddreg [dreg:$0x1];
	p0 =	sne.s32 s2, $0x0  }
0x5d: {  	s3 =	rddreg [dreg:$0x2];
	[bflag:$0x3] =	sbarrier.arrive $0xFFFF;
	s2 =	simm.s32 @!p0 $0x1C01  }
0x5e: {  	[timem:s3], [sflag:s2] =	dma.local @!p0 [hbm:s0], s1  }
0x5f: {  	s0 =	simm.s32 @!p0 $0x1  }
0x60: {  	_ =	swait.ge @!p0 [sflag:s0], s1  }
0x61: {  	s1 =	ssub.s32 @!p0 $0x0, s1;
	[sflag:s0] =	ssyncset.done @!p0 $0x0  }
0x62: {  	[sflag:s0] =	ssyncadd.s32 @!p0 s1  }
0x63: {  	[bflag:$0x3] =	sbarrier.arrive $0xFFFF  }
0x64: {  	_ =	shalt  }

// kernel: kernel.3.cloned.1.call-start
scs
__scs_entry_jumppad:
0x0: {  	(pc) =	sbr.rel $0x88, $3  }
0x1: {  	(tag) =	ssettag $0x0;
	lr =	simm.s32 $0x1  }
0x2: {  	[smem:$0x3FA0] =	sst lr;
	_ =	strace $0xD0000000  }
0x3: {  	_ = 	snop  }
0x4: {  	_ = 	snop  }
0x5: {  	_ = 	snop  }
0x6: {  	_ = 	snop  }
0x7: {  	_ = 	snop  }
__scs_overlays_trampoline_lowered:
0x8: {  	[smem:$0x3FAF] =	sst s0  }
0x9: {  	[smem:$0x3FB0] =	sst s1  }
0xa: {  	[smem:$0x3FB1] =	sst s2  }
0xb: {  	[smem:$0x3FB2] =	sst s3  }
0xc: {  	[smem:$0x3FB3] =	sst s4  }
0xd: {  	[smem:$0x3FB4] =	sst s5  }
0xe: {  	[smem:$0x3FB5] =	sst s6  }
0xf: {  	[smem:$0x3FB6] =	sst s7  }
0x10: {  	[smem:$0x3FB7] =	sst s8  }
0x11: {  	[smem:$0x3FB8] =	sst s9;
	s0 =	simm.s32 @!p0 $0x0  }
0x12: {  	s1 =	sld [smem:$0x3F9E];
	s0 =	simm.s32 @p0 $0x1  }
0x13: {  	[smem:$0x3FB9] =	sst s0;
	s0 =	simm.s32 @!p1 $0x0  }
0x14: {  	s2 =	sld [smem:$0x3F9D];
	s0 =	simm.s32 @p1 $0x1  }
0x15: {  	[smem:$0x3FBA] =	sst s0;
	s0 =	simm.s32 @!p2 $0x0  }
0x16: {  	s3 =	sld [smem:$0x3FDB];
	s0 =	simm.s32 @p2 $0x1  }
0x17: {  	s4 =	simm.s32 $0x1BF5;
	[smem:$0x3FBC] =	sst s0  }
0x18: {  	s0 =	sld [smem:$0x3F9F];
	_ =	swait.ge [sflag:s4], $0x0  }
0x19: {  	s7 =	sld [smem:$0x3FA0]  }
0x1a: {  	s8 =	sadd.s32 $0xFFFFE003, lr  }
0x1b: {  	s9 =	sadd.s32 $0xFFFFFEF7, lr;
	s5 =	simm.s32 $0xFFFFFFFF;
	p2 =	slt.u32 s8, $0xFFFFF086  }
0x1c: {  	p1 =	slt.u32 s9, $0xF7A;
	s5 =	simm.s32 @!p2 $0x0  }
0x1d: {  	s5 =	simm.s32 @p1 $0x1;
	p0 =	seq.s32 s7, s2  }
0x1e: {  	s7 =	smul.u32 @!p0 $0xF7A, s2;
	p2 =	seq.s32 @!p0 s5, $0x0  }
0x1f: {  	s9 =	smul.u32 $0xF7A, s1;
	s8 =	simm.s32 @!p0 $0x1BF5;
	p2 =	por !p2, p0  }
0x20: {  	[sflag:s8] =	ssyncset.s32 @!p0 $0xFFFFF086;
	s6 =	sadd.s32 @!p0 s3, s7;
	s7 =	simm.s32 @!p0 $0x108  }
0x21: {  	s3 =	sadd.s32 s3, s9;
	s6 =	sadd.s32 @!p0 $0x88, s6;
	s7 =	simm.s32 @p2 $0x1082  }
0x22: {  	[simem:s7], [sflag:s8] =	dma.local @!p0 [hbm:s6], $0xF7A  }
0x23: {  	s9 =	sor.u32 $0xD0000000, s2;
	s6 =	simm.s32 $0x108;
	_ =	swait.ge @!p0 [sflag:s8], $0x0  }
0x24: {  	s3 =	sadd.s32 $0x88, s3;
	s6 =	simm.s32 @!p1 $0x1082;
	[sflag:s4] =	ssyncset.s32 $0xFFFFF086  }
0x25: {  	[simem:s6], [sflag:s4] =	dma.local [hbm:s3], $0xF7A  }
0x26: {  	[smem:$0x3FA0] =	sst s1;
	(tag) =	ssettag s2;
	_ =	strace s9  }
0x27: {  	s1 =	sld [smem:$0x3FB0]  }
0x28: {  	s2 =	sld [smem:$0x3FB1]  }
0x29: {  	s4 =	sld [smem:$0x3FB3]  }
0x2a: {  	p0 =	seq.s32 s5, $0x0;
	s5 =	sld [smem:$0x3FB4]  }
0x2b: {  	s6 =	sld [smem:$0x3FB5]  }
0x2c: {  	s7 =	sld [smem:$0x3FB6]  }
0x2d: {  	s3 =	simm.s32 $0x108;
	s8 =	sld [smem:$0x3FB7]  }
0x2e: {  	s3 =	simm.s32 @!p0 $0x1082;
	s9 =	sld [smem:$0x3FB8]  }
0x2f: {  	lr =	sadd.s32 s0, s3;
	s0 =	sld [smem:$0x3FAF]  }
0x30: {  	s3 =	sld [smem:$0x3FB2]  }
0x31: {  	[smem:$0x3FBB] =	sst s10  }
0x32: {  	s10 =	sld [smem:$0x3FB9];
	_ =	sdelay $0x3  }
0x33: {  	p0 =	seq.s32 s10, $0x1;
	s10 =	sld [smem:$0x3FBB];
	_ =	sdelay $0x3  }
0x34: {  	[smem:$0x3FBB] =	sst s10  }
0x35: {  	s10 =	sld [smem:$0x3FBA];
	_ =	sdelay $0x3  }
0x36: {  	p1 =	seq.s32 s10, $0x1;
	s10 =	sld [smem:$0x3FBB];
	_ =	sdelay $0x3  }
0x37: {  	[smem:$0x3FBB] =	sst s10  }
0x38: {  	s10 =	sld [smem:$0x3FBC]  }
0x39: {  	_ = 	snop;
	(pc) =	sbr.ind lr, $3  }
0x3a: {  	_ = 	snop  }
0x3b: {  	_ = 	snop  }
0x3c: {  	p2 =	seq.s32 s10, $0x1;
	s10 =	sld [smem:$0x3FBB]  }
0x3d: {  	_ =	shalt  }
0x3e: {  	_ =	shalt  }
0x3f: {  	_ =	shalt  }
0x40: {  	_ =	shalt  }
0x41: {  	_ =	shalt  }
0x42: {  	_ =	shalt  }
0x43: {  	_ =	shalt  }
0x44: {  	_ =	shalt  }
0x45: {  	_ =	shalt  }
0x46: {  	_ =	shalt  }
0x47: {  	_ =	shalt  }
0x48: {  	_ =	shalt  }
0x49: {  	_ =	shalt  }
0x4a: {  	_ =	shalt  }
0x4b: {  	_ =	shalt  }
0x4c: {  	_ =	shalt  }
0x4d: {  	_ =	shalt  }
0x4e: {  	_ =	shalt  }
0x4f: {  	_ =	shalt  }
0x50: {  	_ =	shalt  }
0x51: {  	_ =	shalt  }
0x52: {  	_ =	shalt  }
0x53: {  	_ =	shalt  }
0x54: {  	_ =	shalt  }
0x55: {  	_ =	shalt  }
0x56: {  	_ =	shalt  }
0x57: {  	_ =	shalt  }
0x58: {  	_ =	shalt  }
0x59: {  	_ =	shalt  }
0x5a: {  	_ =	shalt  }
0x5b: {  	_ =	shalt  }
0x5c: {  	_ =	shalt  }
0x5d: {  	_ =	shalt  }
0x5e: {  	_ =	shalt  }
0x5f: {  	_ =	shalt  }
0x60: {  	_ =	shalt  }
0x61: {  	_ =	shalt  }
0x62: {  	_ =	shalt  }
0x63: {  	_ =	shalt  }
0x64: {  	_ =	shalt  }
0x65: {  	_ =	shalt  }
0x66: {  	_ =	shalt  }
0x67: {  	_ =	shalt  }
0x68: {  	_ =	shalt  }
0x69: {  	_ =	shalt  }
0x6a: {  	_ =	shalt  }
0x6b: {  	_ =	shalt  }
0x6c: {  	_ =	shalt  }
0x6d: {  	_ =	shalt  }
0x6e: {  	_ =	shalt  }
0x6f: {  	_ =	shalt  }
0x70: {  	_ =	shalt  }
0x71: {  	_ =	shalt  }
0x72: {  	_ =	shalt  }
0x73: {  	_ =	shalt  }
0x74: {  	_ =	shalt  }
0x75: {  	_ =	shalt  }
0x76: {  	_ =	shalt  }
0x77: {  	_ =	shalt  }
0x78: {  	_ =	shalt  }
0x79: {  	_ =	shalt  }
0x7a: {  	_ =	shalt  }
0x7b: {  	_ =	shalt  }
0x7c: {  	_ =	shalt  }
0x7d: {  	_ =	shalt  }
0x7e: {  	_ =	shalt  }
0x7f: {  	_ =	shalt  }
0x80: {  	_ =	shalt  }
0x81: {  	_ =	shalt  }
0x82: {  	_ =	shalt  }
0x83: {  	_ =	shalt  }
0x84: {  	_ =	shalt  }
0x85: {  	_ =	shalt  }
0x86: {  	_ =	shalt  }
0x87: {  	_ =	shalt  }
.Lfunc_end0:
.L_simem_size_0:
called_computation.1_lowered:
.L_overlay_start_0:
0x88: {  	s2 =	sld [smem:$0x3FD9]  }
0x89: {  	s3 =	sld [smem:$0x3FFE];
	_ =	sdelay $0x1  }
0x8a: {  	s1 =	srdreg.scid  }
0x8b: {  	s0 =	sand.u32 $0x1, s1  }
0x8c: {  	s17 =	sshll.u32 s0, $0xA;
	s2 =	sadd.s32 s3, s2  }
0x8d: {  	s2 =	sadd.s32 s2, s17  }
0x8e: {  	[smem:$0x3FC7] =	sst s2  }
0x8f: {  	_ = 	snop  }
0x90: {  	s2 =	sld [smem:$0x3FD0];
	(tm) =	ssettm $0x1  }
0x91: {  	s18 =	sld [smem:$0x3FFB];
	_ =	sdelay $0x3  }
0x92: {  	_ =	strace s18  }
0x93: {  	s3 =	sld [smem:$0x3FFC];
	_ =	sdelay $0x3  }
0x94: {  	_ =	strace s3  }
0x95: {  	s3 =	sld [smem:$0x3FFD];
	_ =	sdelay $0x3  }
0x96: {  	_ =	strace s3  }
0x97: {  	_ =	strace $0x8FFFFFFF  }
0x98: {  	s19 =	sld [smem:$0x3FDB];
	_ =	sdelay $0x1  }
0x99: {  	s4 =	simm.s32 $_scs_section_size  }
0x9a: {  	s5 =	simm.s32 $_size__tile_overlayer_lowered;
	s6 =	simm.s32 $_tile_overlayer_lowered  }
0x9b: {  	s22 =	simm.s32 $0x1BFF;
	s21 =	sshll.u32 s6, $0x1;
	s3 =	sadd.s32 s4, s19  }
0x9c: {  	s7 =	simm.s32 $0x0;
	s20 =	sshll.u32 s5, $0x1;
	s5 =	sadd.s32 s21, s3  }
0x9d: {  	[timem:s7], [sflag:s22] =	dma.local [hbm:s5], s20  }
0x9e: {  	_ =	swait.ge [sflag:s22], s20  }
0x9f: {  	s4 =	ssub.s32 $0x0, s20;
	[sflag:s22] =	ssyncset.done $0x0  }
0xa0: {  	[sflag:s22] =	ssyncadd.s32 s4;
	_ =	sdelay $0x1  }
0xa1: {  	s23 =	simm.s32 $0x1B8B  }
0xa2: {  	_ =	swait.ge [sflag:s23], $0x1  }
0xa3: {  	[sflag:s23] =	ssyncset.done $0x0  }
0xa4: {  	s25 =	simm.s32 $0x1B8E;
	s24 =	sld [smem:$0x3FFE];
	[sflag:s23] =	ssyncadd.s32 $0xFFFFFFFF  }
0xa5: {  	s26 =	simm.s32 $execute0_lowered;
	[smem:$0x3FD2] =	sst s25  }
0xa6: {  	s5 =	sshll.u32 s26, $0x1;
	_ =	strace $0x80000049;
	[dreg:$0x1] =	wrdreg $0xFFFFFFFF  }
0xa7: {  	s28 =	simm.s32 $_size_execute0_lowered;
	s3 =	sadd.s32 s3, s5;
	[dreg:$0x0] =	wrdreg $0x0  }
0xa8: {  	s5 =	sshll.u32 s28, $0x1;
	[dreg:$0x2] =	wrdreg s3  }
0xa9: {  	[dreg:$0x3] =	wrdreg s5  }
0xaa: {  	[dreg:$0x4] =	wrdreg $0xC0  }
0xab: {  	_ =	task [dreg:s7], $0x5FFFF  }
0xac: {  	[dreg:$0x1] =	wrdreg $0xFFFFFFFF  }
0xad: {  	[dreg:$0x0] =	wrdreg $0x60  }
0xae: {  	[dreg:$0x2] =	wrdreg s24  }
0xaf: {  	[dreg:$0x3] =	wrdreg s2  }
0xb0: {  	[dreg:$0x4] =	wrdreg $0x9  }
0xb1: {  	_ =	task.clear_ibuf [dreg:s7], $0x5FFFF;
	_ =	strace $0x90000049  }
0xb2: {  	s29 =	simm.s32 $0x9;
	_ =	strace $0x8000004B  }
0xb3: {  	_ =	swait.ge [sflag:s29], $0x1  }
0xb4: {  	[sflag:s29] =	ssyncadd.s32 $0xFFFFFFFF  }
0xb5: {  	_ =	strace $0x9000004B  }
0xb6: {  	_ =	sfence  }
0xb7: {  	s30 =	sld [smem:$0x0];
	_ =	sdelay $0x2  }
0xb8: {  	s31 =	sshll.u32 s1, $0xD;
	s1 =	sshrl.u32 s1, $0x2  }
0xb9: {  	s3 =	sand.u32 $0x4000, s31;
	s1 =	sadd.s32 s1, s30  }
0xba: {  	s0 =	sor.u32 s3, s0;
	s1 =	sshll.u32 s1, $0x11  }
0xbb: {  	s0 =	sor.u32 s1, s0  }
0xbc: {  	s0 =	sadd.s32 $0x8F2B, s0  }
0xbd: {  	[sflag:s0] =	ssyncadd.remote.s32 $0x1  }
0xbe: {  	_ =	sfence.sel $0xFFFF  }
0xbf: {  	[dreg:$0x0] =	wrdreg $0xFFFFFFFF;
	(pc) =	sbr.abs _section_cstart, $3  }
0xc0: {  	[dreg:$0x1] =	wrdreg $0xFFFFFFFF  }
0xc1: {  	_ =	task.clear_ibuf [dreg:s7], $0x2FFFF;
	_ =	strace $0x9FFFFFFF  }
0xc2: {  	(tm) =	ssettm $0x7FFFFFFF  }
0xc3: {  	_ =	shalt  }
tec
execute0_lowered:
.L_overlay_start_1:
0x0: {  	(tag) =	ssettag $0x1  }
0x1: {  	s0 =	srdreg.scid;
	s3 =	rddreg [dreg:$0x0]  }
0x2: {  	s2 =	stileid.u32;
	s6 =	rddreg [dreg:$0x1]  }
0x3: {  	s14 =	simm.s32 $0x80;
	s28 =	simm.s32 $0x6000;
	s29 =	simm.s32 $0xA600  }
0x4: {  	s30 =	simm.s32 $0xA500;
	s31 =	simm.s32 $0xA400;
	s0 =	sand.u32 $0x1, s0  }
0x5: {  	s1 =	sshll.u32 s2, $0x1;
	s5 =	sshrl.u32 s2, $0x2;
	s2 =	simm.s32 $0x0  }
0x6: {  	s17 =	sadd.s32 $0x410000, s3;
	s1 =	sor.u32 s0, s1;
	s4 =	sshll.u32 s5, $0xB  }
0x7: {  	[smem:$0x7FF] =	sst s2;
	s8 =	sshll.u32 s5, $0x10;
	s0 =	ssub.s32 $0x2, s0  }
0x8: {  	s19 =	smul.u32 $0x6000, s5;
	s5 =	simm.s32 $0xB780;
	s15 =	sshll.u32 s1, $0x7  }
0x9: {  	_ =	strace $0x8000004A;
	[dreg:$0x3] =	wrdreg s17;
	s18 =	sshrl.u32 s0, $0x1  }
0xa: {  	s17 =	simm.s32 $0x2000;
	v0 =	vmov s1;
	s1 =	simm.s32 $0x0;
	s7 =	sand.u32 $0x380, s15  }
0xb: {  	s0 =	ssub.s32 s0, s18;
	s15 =	simm.s32 $0x400;
	s4 =	sor.u32 s4, s7  }
0xc: {  	s18 =	simm.s32 $0x4000;
	s16 =	sor.u32 s8, s7;
	s4 =	sshrl.u32 s4, $0x3  }
0xd: {  	s13 =	smax.u32 s0, $0x1;
	s9 =	sadd.s32 s4, s3;
	s4 =	sshrl.u32 s16, $0x3  }
0xe: {  	s16 =	simm.s32 $0x1;
	s4 =	sadd.s32 s3, s4;
	s23 =	sadd.s32 $0x408000, s9  }
0xf: {  	s3 =	sor.u32 s19, s7;
	s24 =	sadd.s32 $0x408400, s9;
	[dreg:$0x7] =	wrdreg s23  }
0x10: {  	s25 =	sadd.s32 $0x408800, s9;
	s26 =	sadd.s32 $0x408C00, s9;
	[dreg:$0x8] =	wrdreg s24  }
.Ltmp0:
0x11: {  	s19 =	simm.s32 $0x8000;
	[dreg:$0x9] =	wrdreg s25;
	(pc) =	sbr.rel .LBB2_1-.Ltmp0, $4  }
0x12: {  	s20 =	sadd.s32 $0x8000, s4;
	s21 =	sadd.s32 $0x10000, s4;
	[dreg:$0xa] =	wrdreg s26  }
0x13: {  	v1 =	vimm.f32 $1.000000000e+10;
	s22 =	sadd.s32 $0x400000, s4;
	s3 =	sshrl.u32 s3, $0x3;
	[dreg:$0x4] =	wrdreg s20  }
0x14: {  	v2 =	vimm.f32 $3.000000010e+38;
	v3 =	vimm.s32 $0x0;
	v4 =	vlaneseq.u32;
	s23 =	simm.s32 $0xA300;
	s25 =	simm.s32 $0xB800;
	[dreg:$0x5] =	wrdreg s21  }
0x15: {  	vm0 =	vcmask $0x3F08;
	vm1 =	vmmov $0x1;
	v5 =	vor.u32 $0x10, v4;
	s26 =	simm.s32 $0xB600;
	[dreg:$0x6] =	wrdreg s22;
	s12 =	sadd.s32 s6, s3  }
.LBB2_55:
0x16: {  	s1 =	sadd.s32 $0x1, s1  }
0x17: {  	p0 =	sne.s32 s1, s13  }
.Ltmp1:
0x18: {  	_ = 	snop;
	(pc) =	sbr.rel @!p0 .LBB2_56-.Ltmp1, $4  }
0x19: {  	[hbm4b:s12+s14] =	stream.strided.scatter [tilespmem:s25], [sflag:$0x1], $0xC00, s15, s14, $0x38;
	[tilespmem:$0xC400] =	vst v63  }
0x1a: {  	_ =	swait.ge [sflag:s16], $0xC00  }
0x1b: {  	[sflag:s16] =	ssyncset.done $0x0  }
0x1c: {  	s5 =	simm.s32 $0xB780;
	[sflag:s16] =	ssyncadd.s32 $0xFFFFF400  }
.LBB2_1:
0x1d: {  	[tilespmem:s2], [sflag:$0x1] =	stream.strided.gather [hbm4b:s4+s14], $0x2000, s15, s14, $0x38;
	[tilespmem:$0xC400] =	vst v63  }
0x1e: {  	_ =	swait.ge [sflag:s16], $0x2000  }
0x1f: {  	[sflag:s16] =	ssyncset.done $0x0  }
0x20: {  	s0 =	rddreg [dreg:$0x4];
	[sflag:s16] =	ssyncadd.s32 $0xFFFFE000  }
0x21: {  	[tilespmem:s17], [sflag:$0x1] =	stream.strided.gather [hbm4b:s0+s14], $0x2000, s15, s14, $0x38;
	[tilespmem:$0xC400] =	vst v63  }
0x22: {  	_ =	swait.ge [sflag:s16], $0x2000  }
0x23: {  	[sflag:s16] =	ssyncset.done $0x0  }
0x24: {  	s7 =	rddreg [dreg:$0x5];
	[sflag:s16] =	ssyncadd.s32 $0xFFFFE000  }
0x25: {  	[tilespmem:s18], [sflag:$0x1] =	stream.strided.gather [hbm4b:s7+s14], $0x2000, s15, s14, $0x38;
	[tilespmem:$0xC400] =	vst v63  }
0x26: {  	_ =	swait.ge [sflag:s16], $0x2000  }
0x27: {  	[sflag:s16] =	ssyncset.done $0x0  }
0x28: {  	s8 =	rddreg [dreg:$0x6];
	[sflag:s16] =	ssyncadd.s32 $0xFFFFE000  }
0x29: {  	[tilespmem:s19], [sflag:$0x1] =	stream.strided.gather [hbm4b:s8+s14], $0x2000, s15, s14, $0x38;
	[tilespmem:$0xC400] =	vst v63  }
0x2a: {  	_ =	swait.ge [sflag:s16], $0x2000  }
0x2b: {  	[sflag:s16] =	ssyncset.done $0x0  }
0x2c: {  	s3 =	simm.s32 $0xA000;
	s9 =	rddreg [dreg:$0x7];
	[sflag:s16] =	ssyncadd.s32 $0xFFFFE000  }
0x2d: {  	[tilespmem:s3], [sflag:$0x1] =	stream.strided.gather [hbm4b:s9+s14], $0x100, s15, s14, $0x38;
	[tilespmem:$0xC400] =	vst v63  }
0x2e: {  	_ =	swait.ge [sflag:s16], $0x100  }
0x2f: {  	[sflag:s16] =	ssyncset.done $0x0  }
0x30: {  	s11 =	simm.s32 $0xA100;
	s10 =	rddreg [dreg:$0x8];
	[sflag:s16] =	ssyncadd.s32 $0xFFFFFF00  }
0x31: {  	[tilespmem:s11], [sflag:$0x1] =	stream.strided.gather [hbm4b:s10+s14], $0x100, s15, s14, $0x38;
	[tilespmem:$0xC400] =	vst v63  }
0x32: {  	_ =	swait.ge [sflag:s16], $0x100  }
0x33: {  	[sflag:s16] =	ssyncset.done $0x0  }
0x34: {  	s21 =	simm.s32 $0xA200;
	s20 =	rddreg [dreg:$0x9];
	[sflag:s16] =	ssyncadd.s32 $0xFFFFFF00  }
0x35: {  	[tilespmem:s21], [sflag:$0x1] =	stream.strided.gather [hbm4b:s20+s14], $0x100, s15, s14, $0x38;
	[tilespmem:$0xC400] =	vst v63  }
0x36: {  	_ =	swait.ge [sflag:s16], $0x100  }
0x37: {  	[sflag:s16] =	ssyncset.done $0x0  }
0x38: {  	s22 =	rddreg [dreg:$0xa];
	[sflag:s16] =	ssyncadd.s32 $0xFFFFFF00  }
0x39: {  	[tilespmem:s23], [sflag:$0x1] =	stream.strided.gather [hbm4b:s22+s14], $0x100, s15, s14, $0x38;
	[tilespmem:$0xC400] =	vst v63  }
0x3a: {  	_ =	swait.ge [sflag:s16], $0x100  }
0x3b: {  	[sflag:s16] =	ssyncset.done $0x0  }
0x3c: {  	s24 =	rddreg [dreg:$0x3];
	[sflag:s16] =	ssyncadd.s32 $0xFFFFFF00  }
0x3d: {  	[tilespmem:s5], [sflag:$0x1] =	stream.linear.gather [hbm4b:s24+s2], $0x80, $0x38;
	[tilespmem:$0xC400] =	vst v63  }
0x3e: {  	_ =	swait.ge [sflag:s16], $0x80  }
0x3f: {  	[sflag:s16] =	ssyncset.done $0x0  }
0x40: {  	s0 =	simm.s32 $0x6040;
	[sflag:s16] =	ssyncadd.s32 $0xFFFFFF80  }
0x41: {  	[tilespmem:s0+$0xFFFFFFC0] =	vst v1  }
0x42: {  	[tilespmem:s0+$0x30] =	vst v1  }
0x43: {  	[tilespmem:s0+$0x20] =	vst v1  }
0x44: {  	[tilespmem:s0+$0x10] =	vst v1  }
0x45: {  	[tilespmem:s0+$0x0] =	vst v1  }
0x46: {  	[tilespmem:s0+$0xFFFFFFF0] =	vst v1  }
0x47: {  	s3 =	simm.s32 $0x0;
	[tilespmem:s0+$0xFFFFFFE0] =	vst v1  }
.LBB2_2:
0x48: {  	s3 =	sadd.s32 $0x8, s3;
	[tilespmem:s0+$0xFFFFFFD0] =	vst v1;
	s0 =	sadd.s32 $0x80, s0  }
0x49: {  	[tilespmem:s0+$0xFFFFFFC0] =	vst v1;
	p0 =	slt.u32 s3, $0x1F8  }
0x4a: {  	[tilespmem:s0+$0x30] =	vst v1  }
.Ltmp2:
0x4b: {  	[tilespmem:s0+$0x20] =	vst v1;
	(pc) =	sbr.rel @p0 .LBB2_2-.Ltmp2, $4  }
0x4c: {  	[tilespmem:s0+$0x10] =	vst v1  }
0x4d: {  	[tilespmem:s0+$0x0] =	vst v1  }
0x4e: {  	[tilespmem:s0+$0xFFFFFFF0] =	vst v1  }
0x4f: {  	[tilespmem:s0+$0xFFFFFFE0] =	vst v1  }
0x50: {  	[tilespmem:s0+$0xFFFFFFD0] =	vst v1  }
0x51: {  	[tilespmem:$0xA500] =	vst v1  }
0x52: {  	[tilespmem:$0xA400] =	vst v2  }
0x53: {  	[tilespmem:$0xB600] =	vst v3  }
0x54: {  	[tilespmem:$0xA510] =	vst v1  }
0x55: {  	[tilespmem:$0xA410] =	vst v2  }
0x56: {  	[tilespmem:$0xB610] =	vst v3  }
0x57: {  	[tilespmem:$0xA520] =	vst v1  }
0x58: {  	[tilespmem:$0xA420] =	vst v2  }
0x59: {  	[tilespmem:$0xB620] =	vst v3  }
0x5a: {  	[tilespmem:$0xA530] =	vst v1  }
0x5b: {  	[tilespmem:$0xA430] =	vst v2  }
0x5c: {  	[tilespmem:$0xB630] =	vst v3  }
0x5d: {  	[tilespmem:$0xA540] =	vst v1  }
0x5e: {  	[tilespmem:$0xA440] =	vst v2  }
0x5f: {  	[tilespmem:$0xB640] =	vst v3  }
0x60: {  	[tilespmem:$0xA550] =	vst v1  }
0x61: {  	[tilespmem:$0xA450] =	vst v2  }
0x62: {  	[tilespmem:$0xB650] =	vst v3  }
0x63: {  	[tilespmem:$0xA560] =	vst v1  }
0x64: {  	[tilespmem:$0xA460] =	vst v2  }
0x65: {  	[tilespmem:$0xB660] =	vst v3  }
0x66: {  	[tilespmem:$0xA570] =	vst v1  }
0x67: {  	[tilespmem:$0xA470] =	vst v2  }
0x68: {  	[tilespmem:$0xB670] =	vst v3  }
0x69: {  	[tilespmem:$0xA580] =	vst v1  }
0x6a: {  	[tilespmem:$0xA480] =	vst v2  }
0x6b: {  	[tilespmem:$0xB680] =	vst v3  }
0x6c: {  	[tilespmem:$0xA590] =	vst v1  }
0x6d: {  	[tilespmem:$0xA490] =	vst v2  }
0x6e: {  	[tilespmem:$0xB690] =	vst v3  }
0x6f: {  	[tilespmem:$0xA5A0] =	vst v1  }
0x70: {  	[tilespmem:$0xA4A0] =	vst v2  }
0x71: {  	[tilespmem:$0xB6A0] =	vst v3  }
0x72: {  	[tilespmem:$0xA5B0] =	vst v1  }
0x73: {  	[tilespmem:$0xA4B0] =	vst v2  }
0x74: {  	[tilespmem:$0xB6B0] =	vst v3  }
0x75: {  	[tilespmem:$0xA5C0] =	vst v1  }
0x76: {  	[tilespmem:$0xA4C0] =	vst v2  }
0x77: {  	[tilespmem:$0xB6C0] =	vst v3  }
0x78: {  	[tilespmem:$0xA5D0] =	vst v1  }
0x79: {  	[tilespmem:$0xA4D0] =	vst v2  }
0x7a: {  	[tilespmem:$0xB6D0] =	vst v3  }
0x7b: {  	[tilespmem:$0xA5E0] =	vst v1  }
0x7c: {  	[tilespmem:$0xA4E0] =	vst v2  }
0x7d: {  	[tilespmem:$0xB6E0] =	vst v3  }
0x7e: {  	[tilespmem:$0xA5F0] =	vst v1  }
0x7f: {  	[tilespmem:$0xA4F0] =	vst v2  }
0x80: {  	[tilespmem:$0xB6F0] =	vst v3  }
0x81: {  	s0 =	simm.s32 $0xA640;
	[tilespmem:$0xB700] =	vst v3  }
0x82: {  	[tilespmem:s0+$0xFFFFFFC0] =	vst v1  }
0x83: {  	[tilespmem:s0+$0x30] =	vst v1  }
0x84: {  	[tilespmem:s0+$0x20] =	vst v1  }
0x85: {  	[tilespmem:s0+$0x10] =	vst v1  }
0x86: {  	[tilespmem:s0+$0x0] =	vst v1  }
0x87: {  	[tilespmem:s0+$0xFFFFFFF0] =	vst v1  }
0x88: {  	s3 =	simm.s32 $0x0;
	[tilespmem:s0+$0xFFFFFFE0] =	vst v1  }
.LBB2_4:
0x89: {  	s3 =	sadd.s32 $0x8, s3;
	[tilespmem:s0+$0xFFFFFFD0] =	vst v1;
	s0 =	sadd.s32 $0x80, s0  }
0x8a: {  	[tilespmem:s0+$0xFFFFFFC0] =	vst v1;
	p0 =	slt.u32 s3, $0xF8  }
0x8b: {  	[tilespmem:s0+$0x30] =	vst v1  }
.Ltmp3:
0x8c: {  	[tilespmem:s0+$0x20] =	vst v1;
	(pc) =	sbr.rel @p0 .LBB2_4-.Ltmp3, $4  }
0x8d: {  	[tilespmem:s0+$0x10] =	vst v1  }
0x8e: {  	[tilespmem:s0+$0x0] =	vst v1  }
0x8f: {  	[tilespmem:s0+$0xFFFFFFF0] =	vst v1  }
0x90: {  	[tilespmem:s0+$0xFFFFFFE0] =	vst v1  }
0x91: {  	_ =	sdelay $0x2  }
0x92: {  	[tilespmem:s0+$0xFFFFFFD0] =	vst v1  }
0x93: {  	v8 =	vld.idx.msk [tilespmem:v0+s5+$0x0], $0xffff;
	_ =	sdelay $0x7  }
0x94: {  	v6 =	vld.idx.msk [tilespmem:v8+s17+$0x0], $0xffff  }
0x95: {  	s0 =	simm.s32 $0x0;
	v7 =	vld.idx.msk [tilespmem:v8+s18+$0x0], $0xffff  }
0x96: {  	v8 =	vld.idx.msk [tilespmem:v8+s0+$0x0], $0xffff;
	_ =	sdelay $0x1  }
.Ltmp4:
0x97: {  	_ = 	snop;
	(pc) =	sbr.rel .LBB2_6-.Ltmp4, $4  }
0x98: {  	_ = 	snop  }
0x99: {  	v9 =	vsel vm0, v7, v6  }
0x9a: {  	v9 =	vsel vm1, v8, v9  }
0x9b: {  	[tilespmem:v4+s25+$0x0] =	vst.idx.msk $0x7, v9  }
.LBB2_39:
0x9c: {  	v18 =	vimm.s32 $0x7FFFFFFF  }
0x9d: {  	v42 =	vimm.s32 $0x7FFFFFFF;
	v29 =	vimm.s32 $0x7FFFFFFF;
	v12 =	vimm.s32 $0x7FFFFFFF  }
.LBB2_53:
0x9e: {  	v43 =	vperm.xlane @p3 v43, v6  }
0x9f: {  	vm5 =	vgt.s32 @p3 v38, v41;
	v38 =	vperm.xlane @p4 v46, v6;
	vm6 =	vmmov @p5 vm3  }
0xa0: {  	vm3 =	vmmov @p4 vm4;
	v15 =	vshll.u32 @p0 v15, $0x5;
	v63 =	vmov s21  }
0xa1: {  	(xrf0) =	vmax.scan.msk.u32 @p3 $0xffff, v45;
	v45, _, _ =	vpop @p2 (xrf0);
	vm4 =	veq.f32 @p1 v28, v7;
	v42 =	vsel @p5 vm6, v44, v42;
	v44 =	vor.u32 @p0 v4, v15  }
0xa2: {  	vm6 =	veq.f32 @p1 v37, v7;
	v28 =	vxor.u32 @p2 $0x80000000, v45;
	v19 =	vnsel @p1 vm4, $0x7FFFFFFF, v19  }
0xa3: {  	v15 =	vor.u32 @p0 v5, v15;
	v37 =	vnsel @p1 vm6, $0x7FFFFFFF, v39;
	v28 =	vperm.xlane @p2 v28, v6;
	v39, _, _ =	vpop @p2 (xrf0)  }
0xa4: {  	v43 =	vxor.u32 @p3 $0x80000000, v43;
	vm4 =	vlt.s32 @p1 v37, v19;
	v39 =	vxor.u32 @p2 $0x80000000, v39  }
0xa5: {  	vm2 =	vmmov @p3 vm5;
	v37 =	vsel @p1 vm4, v37, v19;
	vm6 =	vgt.s32 @p2 v39, v28  }
0xa6: {  	v28 =	vsel @p2 vm6, v39, v28;
	vm6 =	veq.s32 @p1 v19, $0x7FFFFFFF;
	v19 =	vsub.s32 @p1 $0x0, v37  }
0xa7: {  	vm2 =	vmmov @p3 vm2;
	(xrf0) =	vmax.scan.msk.u32 @p3 $0xffff, v43;
	v43 =	vmovc @p2 v18;
	v16 =	vsel @p1 vm6, $0x7FFFFFFF, v16;
	v19 =	vperm.xlane @p1 v19, v6  }
0xa8: {  	v39, _, _ =	vpop @p3 (xrf0);
	v28 =	vsub.s32 @p2 $0x0, v28;
	vm6 =	vgt.s32 @p4 v40, v38;
	v43 =	vpsel p2, v43, v12  }
0xa9: {  	v16 =	vsel @p1 vm4, v17, v16;
	v17 =	vxor.u32 @p3 $0x80000000, v39;
	vm4 =	veq.s32 @p2 v23, v28  }
0xaa: {  	v38 =	vsel @p4 vm6, v40, v38;
	v21 =	vpsel p2, v28, v21;
	v19 =	vxor.u32 @p1 $0x80000000, v19  }
0xab: {  	v41 =	vld.idx.msk [tilespmem:v63+s26+$0x0], $0xffff;
	v30 =	vnsel @p2 vm4, $0x7FFFFFFF, v30;
	vm4 =	vlt.s32 @p2 v28, v18;
	v38 =	vsub.s32 @p4 $0x0, v38  }
0xac: {  	v17 =	vpsel p3, v17, v34;
	v16 =	vpsel p1, v16, v36;
	v40 =	vsub.s32 @p2 $0x0, v30  }
0xad: {  	v45 =	vld.idx.msk @p0 [tilespmem:v15+s28+$0x0], $0xffff;
	v18 =	vsel @p2 vm4, v28, v18;
	v28 =	vsub.s32 @p1 $0x80000000, v37;
	v30 =	vsub.s32 @p2 $0x80000000, v30  }
0xae: {  	v39 =	vld.idx.msk @p0 [tilespmem:v44+s28+$0x0], $0xffff;
	v46, _, _ =	vpop @p3 (xrf0);
	vm4 =	vmmov @p4 vm3;
	vm3 =	vgt.s32 @p2 v43, v21;
	v25 =	vpsel p2, v40, v25  }
0xaf: {  	v23 =	vld.idx.msk @p0 [tilespmem:v44+s19+$0x0], $0xffff;
	v46 =	vxor.u32 @p3 $0x80000000, v46;
	v27 =	vpsel p2, v30, v27;
	v18 =	vpsel p2, v18, v29  }
0xb0: {  	(xrf0) =	vmax.scan.msk.u32 @p1 $0xffff, v19;
	v29 =	vpsel p4, v38, v0;
	v38 =	vpsel p5, v42, v8;
	v48 =	vshll.u32 v41, $0x5  }
0xb1: {  	v40 =	vld.idx.msk @p0 [tilespmem:v15+s19+$0x0], $0xffff;
	v15 =	vpsel p0, v15, v22;
	vm4 =	vmmov @p4 vm4;
	vm3 =	vmmov @p2 vm3  }
0xb2: {  	(xrf0) =	vmax.scan.msk.u32 @p1 $0xffff, v28;
	v33 =	vpsel p3, v46, v33;
	v49 =	vor.u32 v4, v48;
	v25 =	vperm.xlane @p2 v25, v6  }
0xb3: {  	v50 =	vor.u32 v5, v48;
	v19 =	vpsel p0, v39, v24;
	v24 =	vpsel p0, v45, v31  }
0xb4: {  	v28 =	vsel @p4 vm4, v29, v38;
	vm3 =	vmmov @p2 vm3;
	v30 =	vmovc @p0 v44;
	v23 =	vpsel p0, v23, v26  }
0xb5: {  	v21 =	vperm.xlane @p3 v33, v6;
	vm3 =	vmmov @p2 vm3;
	v20 =	vpsel p0, v30, v20  }
0xb6: {  	vm5 =	veq.f32 @p0 v19, v7;
	vm6 =	veq.f32 @p0 v24, v7;
	v31 =	vpsel p0, v40, v35;
	v24, _, _ =	vpop @p1 (xrf0)  }
0xb7: {  	v19 =	vnsel @p0 vm5, $0x7FFFFFFF, v23;
	v23 =	vnsel @p0 vm6, $0x7FFFFFFF, v31;
	v24 =	vxor.u32 @p1 $0x80000000, v24;
	v51 =	vld.idx.msk [tilespmem:v49+s19+$0x0], $0xffff  }
0xb8: {  	v25 =	vxor.u32 @p2 $0x80000000, v25;
	v30, _, _ =	vpop @p1 (xrf0);
	v52 =	vld.idx.msk [tilespmem:v49+s28+$0x0], $0xffff;
	vm4 =	vlt.s32 @p0 v23, v19;
	v24 =	vperm.xlane @p1 v24, v6  }
0xb9: {  	vm5 =	veq.s32 @p0 v19, $0x7FFFFFFF;
	v53 =	vld.idx.msk [tilespmem:v50+s28+$0x0], $0xffff;
	v30 =	vxor.u32 @p1 $0x80000000, v30;
	v23 =	vsel @p0 vm4, v23, v19  }
0xba: {  	(xrf0) =	vmax.scan.msk.u32 @p2 $0xffff, v27;
	v20 =	vsel @p0 vm5, $0x7FFFFFFF, v20;
	v54 =	vld.idx.msk [tilespmem:v50+s19+$0x0], $0xffff;
	v19 =	vsub.s32 @p0 $0x0, v23;
	vm5 =	vgt.s32 @p1 v30, v24  }
0xbb: {  	v26 =	vmovc @p1 v37;
	v15 =	vsel @p0 vm4, v15, v20;
	v19 =	vperm.xlane @p0 v19, v6;
	v20 =	vsel @p1 vm5, v30, v24  }
0xbc: {  	v26 =	vpsel p1, v26, v32;
	(xrf0) =	vmax.scan.msk.u32 @p2 $0xffff, v25;
	vm4 =	vgt.s32 @p3 v17, v21;
	v20 =	vsub.s32 @p1 $0x0, v20  }
0xbd: {  	v17 =	vsel @p3 vm4, v17, v21;
	v19 =	vxor.u32 @p0 $0x80000000, v19;
	vm4 =	veq.s32 @p1 v26, v20  }
0xbe: {  	vm10 =	veq.f32 v52, v7;
	vm11 =	veq.f32 v53, v7;
	v16 =	vnsel @p1 vm4, $0x7FFFFFFF, v16;
	(xrf0) =	vmax.scan.msk.u32 @p0 $0xffff, v19  }
0xbf: {  	v55 =	vnsel vm10, $0x7FFFFFFF, v51;
	v56 =	vnsel vm11, $0x7FFFFFFF, v54;
	v25 =	vsub.s32 @p1 $0x0, v16  }
0xc0: {  	v19 =	vsub.s32 @p0 $0x80000000, v23;
	vm4 =	vlt.s32 v56, v55;
	v13 =	vpsel p1, v25, v13  }
0xc1: {  	v33, _, _ =	vpop @p2 (xrf0);
	v21 =	vsel vm4, v56, v55;
	v16 =	vsub.s32 @p1 $0x80000000, v16;
	v13 =	vperm.xlane @p1 v13, v6  }
0xc2: {  	vm3 =	vmmov @p2 vm3;
	v10 =	vpsel p0, v15, v10;
	v57 =	vsub.s32 $0x0, v21;
	v25, _, _ =	vpop @p2 (xrf0);
	(xrf0) =	vmax.scan.msk.u32 @p0 $0xffff, v19  }
0xc3: {  	v14 =	vpsel p1, v16, v14;
	v58 =	vperm.xlane v57, v6;
	v13 =	vxor.u32 @p1 $0x80000000, v13  }
0xc4: {  	v7 =	vsub.s32 @p3 $0x0, v17;
	vm5 =	vlt.s32 @p1 v20, v18;
	v11 =	vpsel p1, v20, v11;
	(xrf0) =	vmax.scan.msk.u32 @p1 $0xffff, v14;
	v16, _, _ =	vpop @p0 (xrf0)  }
0xc5: {  	v7 =	vpsel p3, v7, v0;
	v59 =	vxor.u32 $0x80000000, v58;
	(xrf0) =	vmax.scan.msk.u32 @p1 $0xffff, v13;
	v16 =	vxor.u32 @p0 $0x80000000, v16  }
0xc6: {  	v24 =	vxor.u32 @p2 $0x80000000, v33;
	v26 =	vsel @p1 vm5, v20, v18;
	v18 =	vpsel p1, v18, v8;
	(xrf0) =	vmax.scan.msk.u32 $0xffff, v59;
	v13 =	vmovc @p0 v23  }
0xc7: {  	v60 =	vsub.s32 $0x80000000, v21;
	v9 =	vpsel p0, v13, v9;
	v13 =	vperm.xlane @p0 v16, v6  }
0xc8: {  	vm5 =	vmmov @p3 vm2;
	v20 =	vpsel p4, v28, v8;
	vm12 =	veq.s32 v55, $0x7FFFFFFF;
	v16, _, _ =	vpop @p0 (xrf0);
	(xrf0) =	vmax.scan.msk.u32 $0xffff, v60  }
0xc9: {  	v12 =	vpsel p1, v26, v12;
	vm2 =	vgt.s32 @p1 v18, v11;
	v11 =	vxor.u32 @p0 $0x80000000, v16  }
0xca: {  	vm5 =	vmmov @p3 vm5;
	v17 =	vsel vm12, $0x7FFFFFFF, v49;
	v15, _, _ =	vpop @p1 (xrf0);
	vm6 =	vgt.s32 @p0 v11, v13  }
0xcb: {  	v7 =	vsel @p3 vm5, v7, v20;
	v25 =	vxor.u32 @p2 $0x80000000, v25;
	v11 =	vsel @p0 vm6, v11, v13;
	v13, _, _ =	vpop @p1 (xrf0)  }
0xcc: {  	v17 =	vsel vm4, v50, v17;
	v19 =	vpsel p2, v25, v0;
	v11 =	vsub.s32 @p0 $0x0, v11;
	v61, _, _ =	vpop (xrf0)  }
0xcd: {  	v14 =	vmovc @p2 v24;
	v16 =	vperm.xlane @p2 v19, v6;
	vm4 =	veq.s32 @p0 v9, v11;
	v9 =	vxor.u32 $0x80000000, v61  }
0xce: {  	v14 =	vpsel p2, v14, v0;
	v10 =	vnsel @p0 vm4, $0x7FFFFFFF, v10;
	v9 =	vperm.xlane v9, v6;
	v62, _, _ =	vpop (xrf0)  }
0xcf: {  	vm4 =	vgt.s32 @p2 v14, v16;
	v19 =	vsub.s32 @p0 $0x0, v10;
	v18 =	vxor.u32 $0x80000000, v62  }
0xd0: {  	v14 =	vsel @p2 vm4, v14, v16;
	v16 =	vpsel p0, v19, v0;
	vm13 =	vgt.s32 v18, v9  }
0xd1: {  	v10 =	vsub.s32 @p0 $0x80000000, v10;
	v16 =	vperm.xlane @p0 v16, v6;
	v9 =	vsel vm13, v18, v9  }
0xd2: {  	vm2 =	vmmov @p1 vm2;
	v10 =	vpsel p0, v10, v0;
	v9 =	vsub.s32 $0x0, v9  }
0xd3: {  	v7 =	vpsel p3, v7, v8;
	(xrf0) =	vmax.scan.msk.u32 @p0 $0xffff, v10;
	v10 =	vxor.u32 @p0 $0x80000000, v16;
	vm14 =	veq.s32 v21, v9  }
0xd4: {  	vm2 =	vmmov @p1 vm2;
	v13 =	vxor.u32 @p1 $0x80000000, v13;
	(xrf0) =	vmax.scan.msk.u32 @p0 $0xffff, v10;
	v10 =	vnsel vm14, $0x7FFFFFFF, v17  }
0xd5: {  	v13 =	vpsel p1, v13, v0;
	vm4 =	vlt.s32 @p0 v11, v12;
	v17 =	vsub.s32 $0x0, v10  }
0xd6: {  	v16 =	vmovc @p0 v12;
	v12 =	vsel @p0 vm4, v11, v12;
	v11 =	vpsel p0, v11, v0;
	v17 =	vperm.xlane v17, v6  }
0xd7: {  	v15 =	vxor.u32 @p1 $0x80000000, v15;
	v13 =	vperm.xlane @p1 v13, v6;
	v10 =	vsub.s32 $0x80000000, v10  }
0xd8: {  	v15 =	vpsel p1, v15, v0;
	v16 =	vpsel p0, v16, v0;
	(xrf0) =	vmax.scan.msk.u32 $0xffff, v10;
	v10 =	vxor.u32 $0x80000000, v17  }
0xd9: {  	v14 =	vsub.s32 @p2 $0x0, v14;
	vm5 =	vgt.s32 @p1 v15, v13;
	vm4 =	vgt.s32 @p0 v16, v11;
	v11, _, _ =	vpop @p0 (xrf0);
	(xrf0) =	vmax.scan.msk.u32 $0xffff, v10  }
0xda: {  	vm2 =	vmmov @p1 vm2;
	v14 =	vpsel p2, v14, v0;
	v13 =	vsel @p1 vm5, v15, v13  }
0xdb: {  	vm2 =	vmmov @p1 vm2;
	v7 =	vsel @p2 vm3, v14, v7;
	v13 =	vsub.s32 @p1 $0x0, v13;
	v10, _, _ =	vpop @p0 (xrf0)  }
0xdc: {  	v13 =	vpsel p1, v13, v0;
	v7 =	vpsel p2, v7, v8;
	v10 =	vxor.u32 @p0 $0x80000000, v10  }
0xdd: {  	v7 =	vsel @p1 vm2, v13, v7;
	v10 =	vpsel p0, v10, v0  }
0xde: {  	v12 =	vpsel p0, v12, v8;
	v11 =	vxor.u32 @p0 $0x80000000, v11;
	v63, _, _ =	vpop (xrf0);
	v10 =	vperm.xlane @p0 v10, v6  }
0xdf: {  	v7 =	vpsel p1, v7, v8;
	vm15 =	vgt.s32 v12, v9;
	v11 =	vpsel p0, v11, v0;
	v9, _, _ =	vpop (xrf0)  }
0xe0: {  	vm3 =	vmmov @p0 vm4;
	vm5 =	vgt.s32 @p0 v11, v10;
	v9 =	vxor.u32 $0x80000000, v9  }
0xe1: {  	vm3 =	vmmov @p0 vm3;
	v10 =	vsel @p0 vm5, v11, v10;
	v6 =	vperm.xlane v9, v6  }
0xe2: {  	vm2 =	vmmov @p0 vm3;
	v9 =	vxor.u32 $0x80000000, v63;
	v10 =	vsub.s32 @p0 $0x0, v10  }
0xe3: {  	vm2 =	vmmov @p0 vm2;
	v10 =	vpsel p0, v10, v0;
	vm3 =	vgt.s32 v9, v6  }
0xe4: {  	vm4 =	vmmov vm15;
	v7 =	vsel @p0 vm2, v10, v7;
	v6 =	vsel vm3, v9, v6  }
0xe5: {  	vm2 =	vmmov vm4;
	v6 =	vsub.s32 $0x0, v6;
	v7 =	vpsel p0, v7, v8  }
0xe6: {  	v8 =	vsel vm2, v6, v7  }
.LBB2_54:
0xe7: {  	_ =	sdelay $0x3  }
0xe8: {  	v6 =	vld.idx.msk [tilespmem:v8+s17+$0x0], $0xffff;
	s0 =	sadd.s32 $0x1, s0  }
0xe9: {  	v7 =	vld.idx.msk [tilespmem:v8+s18+$0x0], $0xffff;
	s3 =	smul.u32 $0x3, s0  }
0xea: {  	v8 =	vld.idx.msk [tilespmem:v8+s2+$0x0], $0xffff  }
0xeb: {  	p0 =	sne.s32 s0, $0x3FF;
	v9 =	vadd.s32 s3, v4  }
.Ltmp5:
0xec: {  	_ = 	snop;
	(pc) =	sbr.rel @!p0 .LBB2_55-.Ltmp5, $4  }
0xed: {  	_ = 	snop  }
0xee: {  	v10 =	vsel vm0, v7, v6  }
0xef: {  	v10 =	vsel vm1, v8, v10  }
0xf0: {  	[tilespmem:v9+s25+$0x0] =	vst.idx.msk $0x7, v10  }
.LBB2_6:
0xf1: {  	s5 =	simm.s32 $0xA020  }
0xf2: {  	s3 =	simm.s32 $0xA120;
	v9 =	vld [tilespmem:s5+$0xFFFFFFE0]  }
0xf3: {  	v10 =	vld [tilespmem:s3+$0xFFFFFFE0]  }
0xf4: {  	s6 =	simm.s32 $0xA220;
	v11 =	vld [tilespmem:s3+$0xFFFFFFF0]  }
0xf5: {  	v12 =	vld [tilespmem:s6+$0x10]  }
0xf6: {  	v13 =	vld [tilespmem:s6+$0xFFFFFFE0]  }
0xf7: {  	v15 =	vld [tilespmem:s3+$0x10]  }
0xf8: {  	v16 =	vld [tilespmem:s6+$0xFFFFFFF0]  }
0xf9: {  	v18 =	vld [tilespmem:s5+$0xFFFFFFF0]  }
0xfa: {  	v17 =	vld [tilespmem:s6+$0x0]  }
0xfb: {  	v19 =	vld [tilespmem:s5+$0x0];
	v9 =	vsub.f32 v9, v8;
	v13 =	vsub.f32 v13, v7  }
0xfc: {  	v20 =	vld [tilespmem:s5+$0x10];
	v10 =	vsub.f32 v10, v6;
	v11 =	vsub.f32 v11, v6  }
0xfd: {  	s20 =	simm.s32 $0xA420;
	v14 =	vld [tilespmem:s3+$0x0];
	v12 =	vsub.f32 v12, v7;
	v15 =	vsub.f32 v15, v6  }
0xfe: {  	s21 =	simm.s32 $0xA060;
	v21 =	vld [tilespmem:s20+$0xFFFFFFE0];
	v16 =	vsub.f32 v16, v7;
	v18 =	vsub.f32 v18, v8;
	v9 =	vmul.f32 v9, v9  }
0xff: {  	s22 =	simm.s32 $0xA160;
	v22 =	vld [tilespmem:s21+$0xFFFFFFE0];
	v17 =	vsub.f32 v17, v7;
	v13 =	vmul.f32 v13, v13;
	v10 =	vmul.f32 v10, v10  }
0x100: {  	v23 =	vld [tilespmem:s22+$0xFFFFFFF0];
	v19 =	vsub.f32 v19, v8;
	v18 =	vmul.f32 v18, v18;
	v16 =	vmul.f32 v16, v16  }
0x101: {  	v25 =	vld [tilespmem:s22+$0x10];
	v20 =	vsub.f32 v20, v8;
	v11 =	vmul.f32 v11, v11;
	v17 =	vmul.f32 v17, v17  }
0x102: {  	v27 =	vld [tilespmem:s21+$0xFFFFFFF0];
	v9 =	vadd.f32 v13, v9;
	v16 =	vadd.f32 v16, v18;
	v18 =	vmul.f32 v19, v19  }
0x103: {  	v24 =	vsub.f32 v14, v6;
	v12 =	vmul.f32 v12, v12;
	v20 =	vmul.f32 v20, v20;
	v13 =	vld [tilespmem:s20+$0xFFFFFFF0]  }
0x104: {  	s7 =	simm.s32 $0xA260;
	v9 =	vadd.f32 v9, v10;
	v10 =	vld [tilespmem:s22+$0xFFFFFFE0];
	v17 =	vadd.f32 v17, v18  }
0x105: {  	v16 =	vadd.f32 v16, v11;
	v18 =	vld [tilespmem:s7+$0xFFFFFFE0];
	v11 =	vadd.f32 v12, v20  }
0x106: {  	v12 =	vmul.f32 v15, v15;
	v15 =	vsub.f32 v22, v8;
	v22 =	vsub.f32 v23, v6;
	v23 =	vld [tilespmem:s7+$0x0]  }
0x107: {  	vm2 =	vlt.f32 v9, v21;
	v9 =	vld [tilespmem:s7+$0x10]  }
0x108: {  	v20 =	vmul.f32 v24, v24;
	v21 =	vld [tilespmem:s22+$0x0]  }
0x109: {  	v26 =	vadd.f32 v11, v12;
	v11 =	vsub.f32 v25, v6;
	v25 =	vld [tilespmem:s20+$0x0];
	v19 =	vsel vm2, $0x1, v3  }
0x10a: {  	v24 =	vmul.f32 v15, v15;
	v17 =	vadd.f32 v17, v20;
	v20 =	vsub.f32 v27, v8;
	(xrf0) =	vadd.scan.msk.s32 $0xffff, v19;
	v19 =	vld [tilespmem:s7+$0xFFFFFFF0]  }
0x10b: {  	v12 =	vmul.f32 v22, v22;
	vm3 =	vlt.f32 v16, v13;
	v10 =	vsub.f32 v10, v6  }
0x10c: {  	v14 =	vimm.s32 $0x0;
	v22 =	vld [tilespmem:s21+$0x0];
	v16 =	vmpcnt.ones.xlane vm3;
	v29 =	vmul.f32 v20, v20  }
0x10d: {  	v9 =	vsub.f32 v9, v7;
	v28 =	vmul.f32 v10, v10;
	v10 =	vsub.f32 v18, v7  }
0x10e: {  	v13 =	vsub.f32 v21, v6;
	v18 =	vsub.f32 v23, v7;
	v23 =	vld [tilespmem:s20+$0x10];
	vm4 =	vlt.f32 v17, v25  }
0x10f: {  	v25 =	vmpcnt.ones.xlane vm2;
	v15 =	vmul.f32 v9, v9;
	v19 =	vsub.f32 v19, v7  }
0x110: {  	v21 =	vsel vm3, $0x1, v3;
	v13 =	vmul.f32 v13, v13;
	v27 =	vmul.f32 v10, v10  }
0x111: {  	s24 =	simm.s32 $0x30;
	s8 =	simm.s32 $0xA0A0;
	s5 =	simm.s32 $0xA460;
	v20 =	vld [tilespmem:s21+$0x10];
	v22 =	vsub.f32 v22, v8;
	v18 =	vmul.f32 v18, v18;
	v9, _, _ =	vpop (xrf0);
	v19 =	vmul.f32 v19, v19;
	(xrf0) =	vadd.scan.msk.s32 $0xffff, v21  }
0x112: {  	s9 =	simm.s32 $0xA1A0;
	s10 =	simm.s32 $0xA2A0;
	s3 =	simm.s32 $0x4;
	v24 =	vadd.f32 v27, v24;
	v21 =	vld [tilespmem:s5+$0xFFFFFFE0];
	v27 =	vsel vm4, $0x1, v3;
	v9 =	vadd.s32 v9, v14  }
0x113: {  	s6 =	simm.s32 $0x80;
	s22 =	simm.s32 $0x40;
	s21 =	simm.s32 $0x0;
	vm5 =	vlt.f32 v26, v23;
	v10 =	vadd.s32 $0xFFFFFFFF, v9;
	v9 =	vor.u32 s24, v4  }
0x114: {  	s7 =	simm.s32 $0xA460;
	s20 =	simm.s32 $0x10;
	v17 =	vld [tilespmem:s5+$0xFFFFFFF0];
	(xrf0) =	vadd.scan.msk.s32 $0xffff, v27;
	s24 =	simm.s32 $0x50;
	v19 =	vadd.f32 v19, v29;
	v24 =	vadd.f32 v24, v28;
	v23 =	vsel vm5, $0x1, v3  }
.LBB2_7:
0x115: {  	v22 =	vmul.f32 v22, v22  }
0x116: {  	v26 =	vld [tilespmem:s8+$0xFFFFFFE0];
	s11 =	sadd.s32 $0x10, s6;
	s3 =	sadd.s32 $0x4, s3;
	v20 =	vsub.f32 v20, v8;
	v27 =	vor.u32 s21, v4;
	(xrf0) =	vadd.scan.msk.s32 $0xffff, v23;
	vm6 =	vmmov vm2  }
0x117: {  	v23 =	vld [tilespmem:s9+$0xFFFFFFE0];
	p0 =	slt.u32 s3, $0xC;
	vm2 =	vlt.f32 v24, v21;
	v14 =	vadd.s32 v14, v25;
	v21 =	vor.u32 s20, v4;
	v24, _, _ =	vpop (xrf0);
	s20 =	smov.u32 s24;
	s24 =	smov.u32 s11  }
0x118: {  	v25 =	vld [tilespmem:s9+$0xFFFFFFF0];
	v18 =	vadd.f32 v18, v22;
	v20 =	vmul.f32 v20, v20;
	v22 =	vadd.s32 v24, v14  }
0x119: {  	v31 =	vmpcnt.ones.xlane vm4;
	v28 =	vsel vm2, $0x1, v3;
	v24 =	vld [tilespmem:s10+$0x10];
	v22 =	vadd.s32 $0xFFFFFFFF, v22  }
0x11a: {  	v19 =	vadd.f32 v19, v12;
	v11 =	vmul.f32 v11, v11;
	v30 =	vld [tilespmem:s9+$0x0];
	v12 =	vadd.f32 v15, v20  }
0x11b: {  	v14 =	vadd.s32 v14, v16;
	v16 =	vmpcnt.ones.xlane vm5;
	v15 =	vsub.f32 v26, v8;
	v20 =	vld [tilespmem:s9+$0x10];
	(xrf0) =	vadd.scan.msk.s32 $0xffff, v28;
	v26, _, _ =	vpop (xrf0)  }
0x11c: {  	v28 =	vld [tilespmem:s10+$0xFFFFFFE0];
	v23 =	vsub.f32 v23, v6;
	v26 =	vadd.s32 v26, v14;
	v14 =	vadd.s32 v14, v31;
	v29, _, _ =	vpop (xrf0)  }
0x11d: {  	s5 =	sadd.s32 $0x40, s5;
	v33 =	vadd.f32 v12, v11;
	v31 =	vmul.f32 v15, v15;
	v32 =	vld [tilespmem:s10+$0xFFFFFFF0];
	v11 =	vadd.s32 v29, v14  }
0x11e: {  	v12 =	vsub.f32 v25, v6;
	v23 =	vmul.f32 v23, v23;
	v25 =	vld [tilespmem:s10+$0x0];
	[tilespmem:v22+s26+$0x0] =	vst.idx.msk vm3, v21;
	v21 =	vadd.s32 $0xFFFFFFFF, v26  }
0x11f: {  	v14 =	vadd.s32 v14, v16;
	v15 =	vsub.f32 v24, v7;
	v24 =	vadd.s32 $0xFFFFFFFF, v11;
	v22 =	vld [tilespmem:s8+$0xFFFFFFF0]  }
0x120: {  	v26 =	vadd.f32 v18, v13;
	v12 =	vmul.f32 v12, v12;
	v11 =	vsub.f32 v20, v6  }
0x121: {  	s11 =	sadd.s32 $0x20, s21;
	s21 =	smov.u32 s22;
	s22 =	smov.u32 s6;
	vm3 =	vlt.f32 v19, v17;
	v15 =	vmul.f32 v15, v15;
	v18 =	vsub.f32 v28, v7;
	v17 =	vld [tilespmem:s7+$0x0];
	v13, _, _ =	vpop (xrf0)  }
0x122: {  	v16 =	vsub.f32 v30, v6;
	v19 =	vld [tilespmem:s8+$0x0];
	v28 =	vadd.s32 v13, v14;
	[tilespmem:v10+s26+$0x0] =	vst.idx.msk vm6, v27;
	v10 =	vor.u32 s11, v4  }
0x123: {  	v27 =	vsub.f32 v32, v7;
	v20 =	vsub.f32 v25, v7;
	v25 =	vsel vm3, $0x1, v3;
	v29 =	vld [tilespmem:s7+$0x10];
	[tilespmem:v21+s26+$0x0] =	vst.idx.msk vm4, v10;
	s7 =	smov.u32 s5  }
0x124: {  	v13 =	vmul.f32 v16, v16;
	v16 =	vmpcnt.ones.xlane vm3;
	v22 =	vsub.f32 v22, v8;
	[tilespmem:v24+s26+$0x0] =	vst.idx.msk vm5, v9  }
.Ltmp6:
0x125: {  	s11 =	sadd.s32 $0x30, s21;
	v10 =	vadd.s32 $0xFFFFFFFF, v28;
	v24 =	vmul.f32 v18, v18;
	v18 =	vmul.f32 v20, v20;
	v20 =	vld [tilespmem:s8+$0x10];
	(xrf0) =	vadd.scan.msk.s32 $0xffff, v25;
	(pc) =	sbr.rel @p0 .LBB2_7-.Ltmp6, $4  }
0x126: {  	v27 =	vmul.f32 v27, v27;
	v9 =	vor.u32 s11, v4;
	v21 =	vld [tilespmem:s5+$0xFFFFFFE0];
	v25 =	vmul.f32 v22, v22  }
0x127: {  	v24 =	vadd.f32 v24, v31;
	vm4 =	vlt.f32 v26, v17;
	v22 =	vsub.f32 v19, v8  }
0x128: {  	s6 =	sadd.s32 $0x40, s6;
	v26 =	vsel vm4, $0x1, v3;
	v19 =	vadd.f32 v27, v25;
	vm5 =	vlt.f32 v33, v29  }
0x129: {  	s9 =	sadd.s32 $0x40, s9;
	s10 =	sadd.s32 $0x40, s10;
	s8 =	sadd.s32 $0x40, s8;
	v24 =	vadd.f32 v24, v23;
	v25 =	vmpcnt.ones.xlane vm2;
	v17 =	vld [tilespmem:s5+$0xFFFFFFF0];
	v23 =	vsel vm5, $0x1, v3;
	(xrf0) =	vadd.scan.msk.s32 $0xffff, v26  }
0x12a: {  	v20 =	vsub.f32 v20, v8  }
0x12b: {  	v22 =	vmul.f32 v22, v22;
	v42 =	vmpcnt.ones.xlane vm4  }
0x12c: {  	v40 =	vld [tilespmem:s7+$0x0];
	v12 =	vadd.f32 v19, v12;
	v11 =	vmul.f32 v11, v11;
	v20 =	vmul.f32 v20, v20  }
0x12d: {  	v43 =	vld [tilespmem:s7+$0x10];
	v44 =	vmpcnt.ones.xlane vm5;
	vm9 =	vlt.f32 v24, v21;
	v18 =	vadd.f32 v18, v22  }
0x12e: {  	v14 =	vadd.s32 v14, v25;
	v41 =	vsel vm9, $0x1, v3;
	v15 =	vadd.f32 v15, v20  }
0x12f: {  	v16 =	vadd.s32 v14, v16;
	v45 =	vmpcnt.ones.xlane vm9;
	v13 =	vadd.f32 v18, v13  }
0x130: {  	v24 =	vadd.s32 v16, v42;
	vm8 =	vlt.f32 v12, v17;
	v11 =	vadd.f32 v15, v11  }
0x131: {  	v46 =	vadd.s32 v24, v44;
	v17 =	vmpcnt.ones.xlane vm8;
	vm6 =	vlt.f32 v13, v40  }
0x132: {  	(xrf0) =	vadd.scan.msk.s32 $0xffff, v23;
	v47 =	vmpcnt.ones.xlane vm6;
	vm7 =	vlt.f32 v11, v43;
	v11 =	vadd.s32 v46, v45  }
0x133: {  	(xrf0) =	vadd.scan.msk.s32 $0xffff, v41;
	v48 =	vsel vm8, $0x1, v3;
	v17 =	vadd.s32 v11, v17;
	v49 =	vmpcnt.ones.xlane vm7  }
0x134: {  	(xrf0) =	vadd.scan.msk.s32 $0xffff, v48;
	v50 =	vsel vm6, $0x1, v3;
	v12 =	vadd.s32 v17, v47  }
0x135: {  	(xrf0) =	vadd.scan.msk.s32 $0xffff, v50;
	v19 =	vsel vm7, $0x1, v3;
	v51 =	vadd.s32 v12, v49  }
0x136: {  	v52, _, _ =	vpop (xrf0);
	(xrf0) =	vadd.scan.msk.s32 $0xffff, v19;
	v13 =	vxor.u32 $0x80000000, v51  }
0x137: {  	v53, _, _ =	vpop (xrf0);
	(xrf0) =	vmax.scan.msk.u32 $0xffff, v13  }
0x138: {  	v54, _, _ =	vpop (xrf0)  }
0x139: {  	v55, _, _ =	vpop (xrf0)  }
0x13a: {  	v56, _, _ =	vpop (xrf0)  }
0x13b: {  	v57, _, _ =	vpop (xrf0)  }
0x13c: {  	v58, _, _ =	vpop (xrf0)  }
0x13d: {  	v59, _, _ =	vpop (xrf0)  }
0x13e: {  	(v2sf) =	vpush v59, $0xF;
	_ =	sdelay $0xa  }
0x13f: {  	v13 =	vadd.s32 v54, v24  }
0x140: {  	vm2 =	vmmov vm2;
	v13 =	vadd.s32 $0xFFFFFFFF, v13;
	_ =	sdelay $0x1  }
0x141: {  	v60 =	vor.u32 s20, v4;
	v16 =	vadd.s32 v53, v16  }
0x142: {  	v61 =	vor.u32 s21, v4;
	v14 =	vadd.s32 v52, v14;
	v16 =	vadd.s32 $0xFFFFFFFF, v16;
	s20 =	spop (v2sf)  }
0x143: {  	s3 =	sadd.s32 $0x20, s21;
	vm9 =	vmmov vm9;
	v14 =	vadd.s32 $0xFFFFFFFF, v14;
	v15 =	vadd.s32 v55, v46;
	s21 =	sxor.u32 $0x80000000, s20  }
0x144: {  	v15 =	vadd.s32 $0xFFFFFFFF, v15;
	v11 =	vadd.s32 v56, v11;
	[tilespmem:v13+s26+$0x0] =	vst.idx.msk vm5, v9;
	v9 =	vor.u32 s24, v4;
	s24 =	sshrl.u32 s21, $0x1F  }
0x145: {  	[tilespmem:v10+s26+$0x0] =	vst.idx.msk vm2, v61;
	v10 =	vor.u32 s3, v4;
	v11 =	vadd.s32 $0xFFFFFFFF, v11;
	v17 =	vadd.s32 v57, v17;
	s3 =	sadd.s32 s24, s21  }
0x146: {  	v63 =	vor.u32 s22, v4;
	s5 =	sadd.s32 $0x20, s22;
	s6 =	sadd.s32 $0x30, s22;
	v62 =	vadd.s32 $0xFFFFFFFF, v17;
	v12 =	vadd.s32 v58, v12;
	s22 =	sand.u32 $0xFFFFFFFE, s3  }
0x147: {  	[tilespmem:v16+s26+$0x0] =	vst.idx.msk vm4, v10;
	v10 =	vadd.s32 $0xFFFFFFFF, v12;
	p0 =	slt.s32 s22, $0x1  }
.Ltmp7:
0x148: {  	[tilespmem:v14+s26+$0x0] =	vst.idx.msk vm3, v60;
	(pc) =	sbr.rel @p0 .LBB2_11-.Ltmp7, $4  }
0x149: {  	[tilespmem:v15+s26+$0x0] =	vst.idx.msk vm9, v63  }
0x14a: {  	[tilespmem:v11+s26+$0x0] =	vst.idx.msk vm8, v9;
	v9 =	vor.u32 s5, v4  }
0x14b: {  	v11 =	vor.u32 s6, v4;
	[tilespmem:v62+s26+$0x0] =	vst.idx.msk vm6, v9  }
0x14c: {  	[tilespmem:v10+s26+$0x0] =	vst.idx.msk vm7, v11  }
0x14d: {  	s5 =	simm.s32 $0x1  }
0x14e: {  	v9 =	vmov s5;
	_ =	sdelay $0x1  }
0x14f: {  	s3 =	simm.s32 $0x0  }
0x150: {  	v10 =	vmov s3  }
0x151: {  	v10 =	vand.u32 $0xFFFFFFFE, v10  }
0x152: {  	v10 =	vbroadcast v10, $0x0;
	v9 =	vld.idx.msk [tilespmem:v9+s26+$0x0], $0xffff  }
0x153: {  	p3 =	sgt.s32 s22, $0x2  }
.Ltmp8:
0x154: {  	_ = 	snop;
	(pc) =	sbr.rel @!p3 .LBB2_10-.Ltmp8, $3  }
0x155: {  	_ =	sdelay $0x1  }
0x156: {  	p0 =	por $0x0, $0x0;
	v12 =	vshll.u32 v9, $0x5;
	v9 =	vshll.u32 v9, $0x4  }
0x157: {  	p1 =	por $0x0, $0x0;
	p2 =	por $0x0, $0x0;
	s3 =	simm.s32 $0x2;
	v31 =	vld.idx.msk [tilespmem:v10+s26+$0x0], $0xffff;
	v19 =	vor.u32 v4, v12;
	v10 =	vor.u32 v4, v9  }
0x158: {  	_ =	sdelay $0x2  }
0x159: {  	s5 =	simm.s32 $0x3  }
0x15a: {  	v9 =	vmov s5;
	v24 =	vshll.u32 v31, $0x5  }
0x15b: {  	v11 =	vld.idx.msk [tilespmem:v19+s2+$0x0], $0xffff;
	v14 =	vor.u32 v4, v24  }
0x15c: {  	v13 =	vld.idx.msk [tilespmem:v19+s18+$0x0], $0xffff;
	_ =	sdelay $0x1  }
0x15d: {  	v15 =	vld.idx.msk [tilespmem:v19+s17+$0x0], $0xffff  }
0x15e: {  	v9 =	vld.idx.msk [tilespmem:v9+s26+$0x0], $0xffff  }
0x15f: {  	v17 =	vmov s3;
	v16 =	vld.idx.msk [tilespmem:v14+s17+$0x0], $0xffff  }
0x160: {  	v17 =	vand.u32 $0xFFFFFFFE, v17;
	v21 =	vsub.f32 v13, v7;
	v22 =	vsub.f32 v11, v8;
	v18 =	vld.idx.msk [tilespmem:v14+s18+$0x0], $0xffff  }
0x161: {  	v17 =	vbroadcast v17, $0x0  }
0x162: {  	p3 =	sgt.s32 s22, $0x4;
	v15 =	vsub.f32 v15, v6;
	v21 =	vmul.f32 v21, v21;
	v22 =	vmul.f32 v22, v22;
	v20 =	vld.idx.msk [tilespmem:v14+s2+$0x0], $0xffff  }
.Ltmp9:
0x163: {  	v11 =	vshll.u32 v31, $0x4;
	v13 =	vor.u32 v5, v12;
	(pc) =	sbr.rel @!p3 .LBB2_18-.Ltmp9, $4  }
0x164: {  	v15 =	vmul.f32 v15, v15;
	v21 =	vadd.f32 v21, v22;
	v12 =	vshll.u32 v9, $0x5  }
0x165: {  	v9 =	vshll.u32 v9, $0x4;
	v16 =	vsub.f32 v16, v6;
	v18 =	vsub.f32 v18, v7  }
0x166: {  	v30 =	vld.idx.msk [tilespmem:v19+s28+$0x0], $0xffff;
	v46 =	vadd.f32 v21, v15;
	v36 =	vor.u32 v4, v12;
	v9 =	vor.u32 v4, v9  }
0x167: {  	s3 =	simm.s32 $0x4;
	p0 =	por $0x1, $0x1;
	v31 =	vld.idx.msk [tilespmem:v17+s26+$0x0], $0xffff;
	v41 =	vsub.f32 v20, v8;
	v34 =	vmul.f32 v16, v16;
	v40 =	vmul.f32 v18, v18  }
0x168: {  	_ =	sdelay $0x3  }
0x169: {  	v18 =	vld.idx.msk [tilespmem:v36+s17+$0x0], $0xffff  }
0x16a: {  	s5 =	simm.s32 $0x5;
	v22 =	vld.idx.msk [tilespmem:v36+s18+$0x0], $0xffff;
	v16 =	vmul.f32 v41, v41  }
0x16b: {  	v17 =	vld.idx.msk [tilespmem:v14+s28+$0x0], $0xffff;
	v15 =	vmov s5  }
0x16c: {  	v20 =	vld.idx.msk [tilespmem:v36+s2+$0x0], $0xffff;
	v21 =	vmin.f32 v30, v46;
	v26 =	vadd.f32 v40, v16;
	v44 =	vshll.u32 v31, $0x5  }
0x16d: {  	v23 =	vmov s3;
	v30 =	vld.idx.msk [tilespmem:v36+s28+$0x0], $0xffff;
	[tilespmem:v19+s28+$0x0] =	vst.idx.msk $0xffff, v21;
	v37 =	vor.u32 v4, v44  }
0x16e: {  	v23 =	vand.u32 $0xFFFFFFFE, v23;
	v16 =	vor.u32 v5, v24;
	v19 =	vld.idx.msk [tilespmem:v13+s2+$0x0], $0xffff;
	v24 =	vadd.f32 v26, v34  }
0x16f: {  	v23 =	vbroadcast v23, $0x0;
	v25 =	vld.idx.msk [tilespmem:v13+s18+$0x0], $0xffff;
	v32 =	vsub.f32 v18, v6;
	v18 =	vsub.f32 v22, v7  }
0x170: {  	v28 =	vld.idx.msk [tilespmem:v15+s26+$0x0], $0xffff;
	v17 =	vmin.f32 v17, v24  }
0x171: {  	[tilespmem:v14+s28+$0x0] =	vst.idx.msk $0xffff, v17;
	v14 =	vmul.f32 v18, v18;
	v18 =	vld.idx.msk [tilespmem:v13+s17+$0x0], $0xffff  }
0x172: {  	v27 =	vld.idx.msk [tilespmem:v37+s17+$0x0], $0xffff  }
0x173: {  	v29 =	vor.u32 v5, v12;
	v33 =	vld.idx.msk [tilespmem:v37+s18+$0x0], $0xffff;
	v12 =	vsub.f32 v19, v8;
	v19 =	vsub.f32 v20, v8  }
0x174: {  	v15 =	vshll.u32 v31, $0x4;
	v26 =	vld.idx.msk [tilespmem:v37+s2+$0x0], $0xffff  }
0x175: {  	p3 =	sgt.s32 s22, $0x6;
	v32 =	vmul.f32 v32, v32;
	v31 =	vld.idx.msk [tilespmem:v23+s26+$0x0], $0xffff;
	v22 =	vsub.f32 v25, v7;
	v25 =	vmul.f32 v19, v19  }
.Ltmp10:
0x176: {  	v20 =	vld.idx.msk [tilespmem:v16+s2+$0x0], $0xffff;
	v23 =	vshll.u32 v28, $0x4;
	v24 =	vmul.f32 v12, v12;
	v12 =	vshll.u32 v28, $0x5;
	(pc) =	sbr.rel @!p3 .LBB2_20-.Ltmp10, $4  }
0x177: {  	v38 =	vor.u32 v4, v23;
	v28 =	vmul.f32 v22, v22;
	v22 =	vld.idx.msk [tilespmem:v16+s18+$0x0], $0xffff;
	v14 =	vadd.f32 v14, v25  }
0x178: {  	v23 =	vmax.f32 v21, $-1.000000000e+00;
	v21 =	vld.idx.msk [tilespmem:v16+s28+$0x0], $0xffff;
	v27 =	vsub.f32 v27, v6;
	v33 =	vsub.f32 v33, v7  }
0x179: {  	v19 =	vor.u32 v4, v12;
	v25 =	vld.idx.msk [tilespmem:v13+s28+$0x0], $0xffff;
	v41 =	vsub.f32 v26, v8;
	v26 =	vadd.f32 v28, v24  }
0x17a: {  	s3 =	simm.s32 $0x6;
	p1 =	por $0x1, $0x1;
	v46 =	vadd.f32 v14, v32;
	v34 =	vmul.f32 v27, v27;
	v40 =	vmul.f32 v33, v33;
	v27 =	vld.idx.msk [tilespmem:v16+s17+$0x0], $0xffff  }
0x17b: {  	_ =	sdelay $0x3  }
0x17c: {  	s5 =	simm.s32 $0x7;
	v24 =	vshll.u32 v31, $0x5;
	v28 =	vld.idx.msk [tilespmem:v37+s28+$0x0], $0xffff;
	v43 =	vshll.u32 v31, $0x4;
	v35 =	vsub.f32 v18, v6  }
0x17d: {  	v33 =	vld.idx.msk [tilespmem:v19+s17+$0x0], $0xffff;
	v41 =	vmul.f32 v41, v41;
	v60 =	vmov s3;
	v31 =	vmov s5  }
0x17e: {  	v39 =	vld.idx.msk [tilespmem:v19+s2+$0x0], $0xffff;
	v46 =	vmin.f32 v30, v46;
	v30 =	vsub.f32 v20, v8;
	v58 =	vsub.f32 v22, v7  }
0x17f: {  	v42 =	vld.idx.msk [tilespmem:v19+s18+$0x0], $0xffff;
	v14 =	vor.u32 v4, v24;
	v40 =	vadd.f32 v40, v41;
	v35 =	vmul.f32 v35, v35  }
0x180: {  	v61 =	vand.u32 $0xFFFFFFFE, v60;
	[tilespmem:v36+s28+$0x0] =	vst.idx.msk $0xffff, v46;
	v30 =	vmul.f32 v30, v30;
	v45 =	vmul.f32 v58, v58  }
0x181: {  	v48 =	vbroadcast v61, $0x0;
	v59 =	vld.idx.msk [tilespmem:v29+s2+$0x0], $0xffff;
	v34 =	vadd.f32 v40, v34;
	v62 =	vadd.f32 v26, v35  }
0x182: {  	v47 =	vld.idx.msk [tilespmem:v29+s18+$0x0], $0xffff;
	v50 =	vsub.f32 v33, v6;
	v63 =	vadd.f32 v45, v30;
	v33 =	vor.u32 v5, v12  }
0x183: {  	v39 =	vsub.f32 v39, v8;
	v30 =	vld.idx.msk [tilespmem:v19+s28+$0x0], $0xffff;
	v36 =	vmin.f32 v28, v34;
	v28 =	vmin.f32 v25, v62  }
0x184: {  	v45 =	vld.idx.msk [tilespmem:v29+s17+$0x0], $0xffff;
	v12 =	vmax.f32 v23, v28;
	[tilespmem:v13+s28+$0x0] =	vst.idx.msk $0xffff, v28;
	v28 =	vsub.f32 v42, v7  }
0x185: {  	v32 =	vor.u32 v5, v44;
	v44 =	vld.idx.msk [tilespmem:v14+s17+$0x0], $0xffff  }
0x186: {  	v49 =	vld.idx.msk [tilespmem:v31+s26+$0x0], $0xffff;
	v39 =	vmul.f32 v39, v39;
	v53 =	vmul.f32 v28, v28  }
0x187: {  	v31 =	vsub.f32 v27, v6;
	v51 =	vld.idx.msk [tilespmem:v14+s2+$0x0], $0xffff  }
0x188: {  	v35 =	vor.u32 v4, v11;
	v60 =	vld.idx.msk [tilespmem:v14+s18+$0x0], $0xffff;
	v41 =	vsub.f32 v59, v8;
	v39 =	vadd.f32 v53, v39  }
0x189: {  	v42 =	vmax.f32 v17, $-1.000000000e+00;
	[tilespmem:v37+s28+$0x0] =	vst.idx.msk $0xffff, v36;
	v52 =	vmul.f32 v31, v31;
	v47 =	vsub.f32 v47, v7  }
0x18a: {  	p3 =	sgt.s32 s22, $0x8;
	v50 =	vmul.f32 v50, v50;
	[tilespmem:v10+s29+$0x0] =	vst.idx.msk $0xffff, v12;
	v31 =	vld.idx.msk [tilespmem:v48+s26+$0x0], $0xffff;
	v54 =	vmul.f32 v41, v41  }
.Ltmp11:
0x18b: {  	v48 =	vld.idx.msk [tilespmem:v32+s2+$0x0], $0xffff;
	v55 =	vmul.f32 v47, v47;
	v63 =	vadd.f32 v63, v52;
	v12 =	vshll.u32 v49, $0x5;
	(pc) =	sbr.rel @!p3 .LBB2_22-.Ltmp11, $4  }
0x18c: {  	v37 =	vld.idx.msk [tilespmem:v32+s28+$0x0], $0xffff;
	v62 =	vsub.f32 v44, v6;
	v44 =	vmax.f32 v46, $-1.000000000e+00;
	v46 =	vadd.f32 v39, v50;
	v39 =	vmovc v16  }
0x18d: {  	v47 =	vld.idx.msk [tilespmem:v29+s28+$0x0], $0xffff;
	v61 =	vshll.u32 v49, $0x4;
	v40 =	vsub.f32 v60, v7;
	v28 =	vor.u32 v4, v12  }
0x18e: {  	v49 =	vld.idx.msk [tilespmem:v32+s18+$0x0], $0xffff;
	v41 =	vsub.f32 v51, v8;
	v56 =	vor.u32 v4, v61;
	v53 =	vmin.f32 v21, v63  }
0x18f: {  	s3 =	simm.s32 $0x8;
	p2 =	por $0x1, $0x1;
	v52 =	vadd.f32 v55, v54;
	v34 =	vmul.f32 v62, v62;
	v40 =	vmul.f32 v40, v40;
	v50 =	vld.idx.msk [tilespmem:v32+s17+$0x0], $0xffff  }
.LBB2_23:
0x190: {  	v51 =	vshll.u32 v31, $0x5;
	v31 =	vshll.u32 v31, $0x4;
	v54 =	vld.idx.msk [tilespmem:v14+s28+$0x0], $0xffff;
	v42 =	vmax.f32 v42, v53  }
0x191: {  	s5 =	sadd.s32 $0x1, s3;
	[tilespmem:v39+s28+$0x0] =	vst.idx.msk $0xffff, v53;
	v39 =	vmovc v32;
	v53 =	vmovc v33;
	v55 =	vmov v9;
	v9 =	vmov v38;
	v38 =	vmov v56;
	s6 =	smov.u32 s3;
	s3 =	sadd.s32 $0x2, s3  }
0x192: {  	v45 =	vsub.f32 v45, v6;
	v56 =	vmov s5;
	p3 =	slt.s32 s3, s22;
	v57 =	vor.u32 v4, v51;
	v58 =	vld.idx.msk [tilespmem:v28+s17+$0x0], $0xffff;
	[tilespmem:v35+s29+$0x0] =	vst.idx.msk $0xffff, v42  }
0x193: {  	v35 =	vmul.f32 v41, v41;
	v41 =	vmin.f32 v30, v46;
	v30 =	vsub.f32 v48, v8;
	v59 =	vld.idx.msk [tilespmem:v28+s2+$0x0], $0xffff  }
0x194: {  	v32 =	vor.u32 v5, v24;
	v42 =	vld.idx.msk [tilespmem:v28+s18+$0x0], $0xffff;
	[tilespmem:v19+s28+$0x0] =	vst.idx.msk $0xffff, v41;
	v19 =	vsub.f32 v49, v7  }
0x195: {  	v40 =	vadd.f32 v40, v35;
	v30 =	vmul.f32 v30, v30;
	v46 =	vld.idx.msk [tilespmem:v33+s2+$0x0], $0xffff;
	v33 =	vmul.f32 v45, v45  }
0x196: {  	v24 =	vmovc v51;
	v35 =	vor.u32 v4, v15;
	v15 =	vmovc v43;
	v45 =	vmov s6;
	v48 =	vld.idx.msk [tilespmem:v53+s18+$0x0], $0xffff;
	v49 =	vmul.f32 v19, v19  }
0x197: {  	v43 =	vmovc v31;
	v60 =	vand.u32 $0xFFFFFFFE, v45;
	v34 =	vadd.f32 v40, v34;
	v51 =	vld.idx.msk [tilespmem:v57+s17+$0x0], $0xffff;
	v33 =	vadd.f32 v52, v33  }
0x198: {  	v45 =	vsub.f32 v50, v6;
	v31 =	vbroadcast v60, $0x0;
	v52 =	vsub.f32 v58, v6;
	v40 =	vld.idx.msk [tilespmem:v56+s26+$0x0], $0xffff;
	v19 =	vmovc v28  }
0x199: {  	v34 =	vmin.f32 v54, v34;
	v54 =	vadd.f32 v49, v30;
	v50 =	vld.idx.msk [tilespmem:v57+s2+$0x0], $0xffff;
	v30 =	vmin.f32 v47, v33  }
0x19a: {  	v33 =	vor.u32 v5, v12;
	v47 =	vld.idx.msk [tilespmem:v57+s18+$0x0], $0xffff;
	[tilespmem:v29+s28+$0x0] =	vst.idx.msk $0xffff, v30;
	v12 =	vmax.f32 v44, v30  }
0x19b: {  	v29 =	vsub.f32 v42, v7;
	v44 =	vsub.f32 v46, v8;
	v42 =	vmax.f32 v36, $-1.000000000e+00;
	[tilespmem:v55+s29+$0x0] =	vst.idx.msk $0xffff, v12  }
0x19c: {  	v49 =	vsub.f32 v59, v8;
	v46 =	vmul.f32 v45, v45;
	v30 =	vld.idx.msk [tilespmem:v28+s28+$0x0], $0xffff;
	[tilespmem:v14+s28+$0x0] =	vst.idx.msk $0xffff, v34  }
0x19d: {  	v60 =	vsub.f32 v48, v7;
	v55 =	vmul.f32 v29, v29;
	v58 =	vmul.f32 v44, v44;
	v45 =	vld.idx.msk [tilespmem:v53+s17+$0x0], $0xffff  }
0x19e: {  	v59 =	vmul.f32 v49, v49;
	v36 =	vmovc v34;
	v14 =	vmovc v57;
	v12 =	vshll.u32 v40, $0x5;
	v40 =	vshll.u32 v40, $0x4;
	v31 =	vld.idx.msk [tilespmem:v31+s26+$0x0], $0xffff  }
.Ltmp12:
0x19f: {  	v57 =	vmul.f32 v60, v60;
	v28 =	vor.u32 v4, v12;
	v56 =	vor.u32 v4, v40;
	v48 =	vld.idx.msk [tilespmem:v32+s2+$0x0], $0xffff;
	(pc) =	sbr.rel @p3 .LBB2_23-.Ltmp12, $4  }
0x1a0: {  	v34 =	vsub.f32 v51, v6;
	v44 =	vmax.f32 v41, $-1.000000000e+00;
	v40 =	vadd.f32 v54, v46;
	v29 =	vmovc v53;
	v49 =	vld.idx.msk [tilespmem:v32+s18+$0x0], $0xffff  }
0x1a1: {  	v52 =	vmul.f32 v52, v52;
	v51 =	vadd.f32 v55, v59;
	v46 =	vsub.f32 v47, v7;
	v47 =	vld.idx.msk [tilespmem:v53+s28+$0x0], $0xffff  }
0x1a2: {  	v41 =	vsub.f32 v50, v8;
	v34 =	vmul.f32 v34, v34;
	v53 =	vmin.f32 v37, v40;
	v37 =	vld.idx.msk [tilespmem:v32+s28+$0x0], $0xffff  }
0x1a3: {  	v40 =	vmul.f32 v46, v46;
	v46 =	vadd.f32 v51, v52;
	v52 =	vadd.f32 v57, v58;
	v50 =	vld.idx.msk [tilespmem:v32+s17+$0x0], $0xffff  }
0x1a4: {  	v54 =	vmovc v9;
	v55 =	vmovc v15;
	v51 =	vmov v38;
	v9 =	vmov v56;
	v15 =	vmov v43  }
.LBB2_25:
0x1a5: {  	_ =	sdelay $0x3  }
0x1a6: {  	v38 =	vshll.u32 v31, $0x5;
	[tilespmem:v39+s28+$0x0] =	vst.idx.msk @p2 $0xffff, v53  }
0x1a7: {  	v39 =	vmax.f32 @p2 v42, v53;
	v45 =	vsub.f32 @p1 v45, v6;
	v41 =	vmul.f32 @p0 v41, v41  }
0x1a8: {  	v30 =	vmin.f32 @p0 v30, v46;
	v24 =	vor.u32 @p0 v5, v24;
	v46 =	vor.u32 @p1 v4, v55  }
0x1a9: {  	v42 =	vmovc @p0 v33;
	v12 =	vor.u32 v5, v12;
	v32 =	vpsel p1, v32, v0;
	v11 =	vpsel p0, v15, v11  }
0x1aa: {  	v63 =	vld.idx.msk [tilespmem:v28+s17+$0x0], $0xffff;
	v56 =	vor.u32 v4, v38;
	[tilespmem:v35+s29+$0x0] =	vst.idx.msk @p2 $0xffff, v39;
	v39 =	vsub.f32 @p1 v48, v8  }
0x1ab: {  	v60 =	vld.idx.msk [tilespmem:v28+s2+$0x0], $0xffff;
	[tilespmem:v19+s28+$0x0] =	vst.idx.msk @p0 $0xffff, v30;
	v19 =	vsub.f32 @p1 v49, v7;
	v16 =	vpsel p0, v24, v16  }
0x1ac: {  	v61 =	vld.idx.msk [tilespmem:v28+s18+$0x0], $0xffff;
	v13 =	vpsel p0, v42, v13;
	v30 =	vmax.f32 @p0 v30, $-1.000000000e+00;
	v11 =	vor.u32 @p0 v4, v11  }
0x1ad: {  	v43 =	vld.idx.msk @p0 [tilespmem:v14+s28+$0x0], $0xffff;
	v40 =	vadd.f32 @p0 v40, v41;
	v41 =	vmul.f32 @p1 v45, v45;
	v23 =	vpsel p0, v30, v23  }
0x1ae: {  	v33 =	vld.idx.msk @p0 [tilespmem:v33+s2+$0x0], $0xffff;
	v39 =	vmul.f32 @p1 v39, v39;
	v19 =	vmul.f32 @p1 v19, v19;
	v50 =	vsub.f32 @p1 v50, v6  }
0x1af: {  	v16 =	vpsel p0, v16, v0;
	v34 =	vadd.f32 @p0 v40, v34;
	v40 =	vadd.f32 @p1 v52, v41;
	v41 =	vld.idx.msk @p0 [tilespmem:v42+s18+$0x0], $0xffff  }
0x1b0: {  	v11 =	vpsel p0, v11, v0;
	v62 =	vsub.f32 v63, v6;
	v19 =	vadd.f32 @p1 v19, v39;
	v48 =	vld.idx.msk @p0 [tilespmem:v42+s28+$0x0], $0xffff  }
0x1b1: {  	v55 =	vsub.f32 v61, v7;
	v35 =	vsub.f32 v60, v8;
	v63 =	vld.idx.msk [tilespmem:v56+s17+$0x0], $0xffff;
	v40 =	vmin.f32 @p1 v47, v40  }
0x1b2: {  	v34 =	vmin.f32 @p0 v43, v34;
	v52 =	vld.idx.msk [tilespmem:v56+s18+$0x0], $0xffff;
	[tilespmem:v29+s28+$0x0] =	vst.idx.msk @p1 $0xffff, v40;
	v29 =	vmax.f32 @p1 v44, v40  }
0x1b3: {  	v53 =	vld.idx.msk [tilespmem:v56+s2+$0x0], $0xffff;
	[tilespmem:v14+s28+$0x0] =	vst.idx.msk @p0 $0xffff, v34;
	v43 =	vmul.f32 v55, v55;
	v35 =	vmul.f32 v35, v35  }
0x1b4: {  	v14 =	vmov @p0 v51;
	v59 =	vmul.f32 v62, v62;
	[tilespmem:v54+s29+$0x0] =	vst.idx.msk @p1 $0xffff, v29;
	v29 =	vsub.f32 @p0 v33, v8  }
0x1b5: {  	v44 =	vld.idx.msk @p0 [tilespmem:v42+s17+$0x0], $0xffff;
	v33 =	vmax.f32 @p1 v36, $-1.000000000e+00;
	v36 =	vmul.f32 @p1 v50, v50;
	v10 =	vpsel p0, v14, v10  }
0x1b6: {  	v47 =	vld.idx.msk @p0 [tilespmem:v24+s2+$0x0], $0xffff;
	v35 =	vadd.f32 v43, v35;
	v33 =	vpsel p1, v33, v0;
	v41 =	vsub.f32 @p0 v41, v7  }
0x1b7: {  	v39 =	vld.idx.msk @p0 [tilespmem:v24+s18+$0x0], $0xffff;
	v29 =	vmul.f32 @p0 v29, v29;
	v19 =	vadd.f32 @p1 v19, v36;
	v57 =	vsub.f32 v63, v6  }
0x1b8: {  	v60 =	vld.idx.msk [tilespmem:v28+s28+$0x0], $0xffff;
	v25 =	vpsel p0, v48, v25;
	v58 =	vsub.f32 v52, v7;
	v40 =	vsub.f32 v53, v8  }
0x1b9: {  	v35 =	vadd.f32 v35, v59;
	v41 =	vmul.f32 @p0 v41, v41;
	v19 =	vmin.f32 @p1 v37, v19  }
0x1ba: {  	v62 =	vld.idx.msk [tilespmem:v56+s28+$0x0], $0xffff;
	v14 =	vpsel p0, v44, v18;
	v36 =	vmul.f32 v58, v58;
	v61 =	vmul.f32 v40, v40  }
0x1bb: {  	v37 =	vld.idx.msk @p0 [tilespmem:v24+s17+$0x0], $0xffff;
	v45 =	vmul.f32 v57, v57;
	v19 =	vpsel p1, v19, v0;
	v20 =	vpsel p0, v47, v20  }
0x1bc: {  	v22 =	vpsel p0, v39, v22;
	v14 =	vsub.f32 @p0 v14, v6;
	v63 =	vadd.f32 v36, v61  }
0x1bd: {  	v35 =	vmin.f32 v60, v35;
	v29 =	vadd.f32 @p0 v41, v29;
	v36 =	vor.u32 v5, v38  }
0x1be: {  	v24 =	vld.idx.msk @p0 [tilespmem:v24+s28+$0x0], $0xffff;
	v20 =	vsub.f32 @p0 v20, v8;
	[tilespmem:v28+s28+$0x0] =	vst.idx.msk $0xffff, v35;
	v40 =	vadd.f32 v63, v45  }
0x1bf: {  	v22 =	vsub.f32 @p0 v22, v7;
	[tilespmem:v32+s28+$0x0] =	vst.idx.msk @p1 $0xffff, v19;
	v41 =	vld.idx.msk [tilespmem:v12+s2+$0x0], $0xffff;
	v14 =	vmul.f32 @p0 v14, v14  }
0x1c0: {  	v42 =	vld.idx.msk [tilespmem:v12+s18+$0x0], $0xffff;
	v15 =	vpsel p0, v29, v26;
	v26 =	vpsel p0, v37, v27;
	v27 =	vmin.f32 v62, v40  }
0x1c1: {  	v18 =	vpsel p1, v46, v0;
	v19 =	vmax.f32 @p1 v33, v19;
	v43 =	vld.idx.msk [tilespmem:v12+s17+$0x0], $0xffff;
	[tilespmem:v56+s28+$0x0] =	vst.idx.msk $0xffff, v27  }
0x1c2: {  	v20 =	vmul.f32 @p0 v20, v20;
	v22 =	vmul.f32 @p0 v22, v22;
	v14 =	vadd.f32 @p0 v15, v14;
	v44 =	vld.idx.msk [tilespmem:v36+s2+$0x0], $0xffff  }
0x1c3: {  	v21 =	vpsel p0, v24, v21;
	v29 =	vmov @p0 v34;
	v26 =	vsub.f32 @p0 v26, v6;
	v45 =	vld.idx.msk [tilespmem:v36+s18+$0x0], $0xffff  }
0x1c4: {  	v15 =	vadd.f32 @p0 v22, v20;
	v17 =	vpsel p0, v29, v17;
	v14 =	vmin.f32 @p0 v25, v14  }
0x1c5: {  	v20 =	vmul.f32 @p0 v26, v26;
	v46 =	vsub.f32 v41, v8;
	v47 =	vsub.f32 v42, v7;
	v48 =	vld.idx.msk [tilespmem:v36+s17+$0x0], $0xffff  }
0x1c6: {  	v31 =	vshll.u32 v31, $0x4;
	[tilespmem:v13+s28+$0x0] =	vst.idx.msk @p0 $0xffff, v14;
	v13 =	vmax.f32 @p0 v23, v14;
	v52 =	vsub.f32 v43, v6  }
0x1c7: {  	v15 =	vadd.f32 @p0 v15, v20;
	v49 =	vmul.f32 v46, v46;
	v50 =	vmul.f32 v47, v47  }
0x1c8: {  	[tilespmem:v18+s29+$0x0] =	vst.idx.msk @p1 $0xffff, v19;
	v14 =	vmax.f32 @p0 v17, $-1.000000000e+00;
	v51 =	vsub.f32 v44, v8;
	v22 =	vsub.f32 v45, v7  }
0x1c9: {  	v53 =	vld.idx.msk [tilespmem:v12+s28+$0x0], $0xffff;
	v55 =	vmul.f32 v52, v52;
	v15 =	vmin.f32 @p0 v21, v15;
	v17 =	vadd.f32 v50, v49  }
0x1ca: {  	v20 =	vsub.f32 v48, v6;
	v54 =	vmul.f32 v51, v51;
	v56 =	vmul.f32 v22, v22  }
0x1cb: {  	[tilespmem:v10+s29+$0x0] =	vst.idx.msk @p0 $0xffff, v13;
	v10 =	vld.idx.msk [tilespmem:v36+s28+$0x0], $0xffff;
	v14 =	vpsel p0, v14, v0;
	v13 =	vpsel p0, v15, v0  }
0x1cc: {  	v57 =	vadd.f32 v17, v55;
	v59 =	vmul.f32 v20, v20;
	v58 =	vadd.f32 v56, v54  }
0x1cd: {  	v60 =	vor.u32 v4, v31;
	[tilespmem:v16+s28+$0x0] =	vst.idx.msk @p0 $0xffff, v13;
	v13 =	vmax.f32 @p0 v14, v13  }
0x1ce: {  	v61 =	vmax.f32 v35, $-1.000000000e+00;
	[tilespmem:v11+s29+$0x0] =	vst.idx.msk @p0 $0xffff, v13;
	v11 =	vmin.f32 v53, v57;
	v62 =	vadd.f32 v58, v59  }
0x1cf: {  	[tilespmem:v12+s28+$0x0] =	vst.idx.msk $0xffff, v11;
	v11 =	vmax.f32 v61, v11  }
0x1d0: {  	v63 =	vmax.f32 v27, $-1.000000000e+00;
	[tilespmem:v9+s29+$0x0] =	vst.idx.msk $0xffff, v11;
	v9 =	vmin.f32 v10, v62  }
0x1d1: {  	[tilespmem:v36+s28+$0x0] =	vst.idx.msk $0xffff, v9;
	v9 =	vmax.f32 v63, v9  }
0x1d2: {  	[tilespmem:v60+s29+$0x0] =	vst.idx.msk $0xffff, v9  }
.LBB2_11:
0x1d3: {  	p0 =	sge.s32 s22, s21  }
.Ltmp13:
0x1d4: {  	_ = 	snop;
	(pc) =	sbr.rel @p0 .LBB2_14-.Ltmp13, $1  }
0x1d5: {  	_ =	sdelay $0x3  }
0x1d6: {  	s3 =	ssub.s32 s21, s22  }
0x1d7: {  	s3 =	ssub.s32 $0x0, s3  }
.LBB2_13:
0x1d8: {  	s5 =	sadd.s32 s3, s21  }
0x1d9: {  	v9 =	vmov s5;
	_ =	sdelay $0x4  }
0x1da: {  	v9 =	vld.idx.msk [tilespmem:v9+s26+$0x0], $0xffff;
	_ =	sdelay $0x4  }
0x1db: {  	v10 =	vshll.u32 v9, $0x5  }
0x1dc: {  	v11 =	vor.u32 v4, v10;
	_ =	sdelay $0x4  }
0x1dd: {  	v12 =	vld.idx.msk [tilespmem:v11+s2+$0x0], $0xffff  }
0x1de: {  	v13 =	vld.idx.msk [tilespmem:v11+s18+$0x0], $0xffff;
	_ =	sdelay $0x1  }
0x1df: {  	v14 =	vld.idx.msk [tilespmem:v11+s17+$0x0], $0xffff;
	_ =	sdelay $0x2  }
0x1e0: {  	v12 =	vsub.f32 v12, v8;
	v13 =	vsub.f32 v13, v7;
	_ =	sdelay $0x1  }
0x1e1: {  	v14 =	vsub.f32 v14, v6;
	v12 =	vmul.f32 v12, v12;
	v13 =	vmul.f32 v13, v13  }
0x1e2: {  	v15 =	vld.idx.msk [tilespmem:v11+s28+$0x0], $0xffff  }
0x1e3: {  	v59 =	vmul.f32 v14, v14;
	v12 =	vadd.f32 v13, v12  }
0x1e4: {  	v10 =	vor.u32 v5, v10  }
0x1e5: {  	v12 =	vadd.f32 v12, v59;
	_ =	sdelay $0x1  }
0x1e6: {  	v12 =	vmin.f32 v15, v12  }
0x1e7: {  	[tilespmem:v11+s28+$0x0] =	vst.idx.msk $0xffff, v12  }
0x1e8: {  	v11 =	vld.idx.msk [tilespmem:v10+s2+$0x0], $0xffff  }
0x1e9: {  	v60 =	vld.idx.msk [tilespmem:v10+s18+$0x0], $0xffff;
	_ =	sdelay $0x1  }
0x1ea: {  	v61 =	vld.idx.msk [tilespmem:v10+s17+$0x0], $0xffff;
	_ =	sdelay $0x2  }
0x1eb: {  	v11 =	vsub.f32 v11, v8;
	v13 =	vsub.f32 v60, v7;
	_ =	sdelay $0x1  }
0x1ec: {  	v14 =	vsub.f32 v61, v6;
	v11 =	vmul.f32 v11, v11;
	v13 =	vmul.f32 v13, v13  }
0x1ed: {  	v62 =	vld.idx.msk [tilespmem:v10+s28+$0x0], $0xffff  }
0x1ee: {  	s3 =	sadd.s32 $0x1, s3;
	v9 =	vshll.u32 v9, $0x4;
	v63 =	vmul.f32 v14, v14;
	v11 =	vadd.f32 v13, v11  }
0x1ef: {  	p0 =	seq.s32 s3, $0x0;
	v9 =	vor.u32 v4, v9  }
.Ltmp14:
0x1f0: {  	v11 =	vadd.f32 v11, v63;
	(pc) =	sbr.rel @!p0 .LBB2_13-.Ltmp14, $4  }
0x1f1: {  	_ = 	snop  }
0x1f2: {  	v12 =	vmax.f32 v12, $-1.000000000e+00;
	v11 =	vmin.f32 v62, v11  }
0x1f3: {  	[tilespmem:v10+s28+$0x0] =	vst.idx.msk $0xffff, v11;
	v10 =	vmax.f32 v12, v11  }
0x1f4: {  	[tilespmem:v9+s29+$0x0] =	vst.idx.msk $0xffff, v10  }
.LBB2_14:
0x1f5: {  	s3 =	sadd.s32 $0x8000000F, s20  }
0x1f6: {  	s5 =	sand.u32 $0xF, s3  }
0x1f7: {  	s6 =	sshra.s32 s3, $0x1F;
	p0 =	slt.s32 s3, $0x1;
	p1 =	sne.s32 s5, $0x0  }
0x1f8: {  	s24 =	sshrl.u32 s6, $0x1C;
	p0 =	por !p0, !p1  }
0x1f9: {  	s5 =	simm.s32 $0x1;
	s3 =	sadd.s32 s24, s3;
	p0 =	por !p0, !p0  }
0x1fa: {  	s3 =	sshra.s32 s3, $0x4;
	s5 =	simm.s32 @!p0 $0x0  }
0x1fb: {  	s3 =	ssub.s32 s3, s5  }
0x1fc: {  	p0 =	slt.s32 s3, $0x1  }
.Ltmp15:
0x1fd: {  	_ = 	snop;
	(pc) =	sbr.rel @p0 .LBB2_35-.Ltmp15, $1  }
0x1fe: {  	_ =	sdelay $0x3  }
0x1ff: {  	s5 =	simm.s32 $0x0  }
0x200: {  	p3 =	seq.s32 s3, $0x1;
	v6 =	vor.u32 s5, v4  }
.Ltmp16:
0x201: {  	_ = 	snop;
	(pc) =	sbr.rel @p3 .LBB2_16-.Ltmp16, $3  }
0x202: {  	_ =	sdelay $0x1  }
0x203: {  	s3 =	sadd.s32 $0xFFFFFFFF, s3  }
0x204: {  	p0 =	por $0x0, $0x0;
	p1 =	por $0x0, $0x0;
	p2 =	por $0x0, $0x0;
	v6 =	vld.idx.msk [tilespmem:v6+s26+$0x0], $0xffff  }
0x205: {  	_ =	sdelay $0x1  }
0x206: {  	s5 =	simm.s32 $0x10  }
0x207: {  	v7 =	vor.u32 s5, v4  }
0x208: {  	v10 =	vshll.u32 v6, $0x4  }
0x209: {  	v8 =	vor.u32 $0x1, v10  }
0x20a: {  	p3 =	seq.s32 s3, $0x1;
	v9 =	vor.u32 $0x2, v10  }
.Ltmp17:
0x20b: {  	_ = 	snop;
	(pc) =	sbr.rel @p3 .LBB2_27-.Ltmp17, $4  }
0x20c: {  	v7 =	vld.idx.msk [tilespmem:v7+s26+$0x0], $0xffff  }
0x20d: {  	v16 =	vld.idx.msk [tilespmem:v10+s29+$0x0], $0xffff  }
0x20e: {  	v22 =	vor.u32 $0x3, v10;
	v23 =	vor.u32 $0x4, v10;
	v19 =	vld.idx.msk [tilespmem:v8+s29+$0x0], $0xffff  }
0x20f: {  	s3 =	sadd.s32 $0xFFFFFFFF, s3;
	p0 =	por $0x1, $0x1;
	v25 =	vor.u32 $0x5, v10;
	v26 =	vor.u32 $0x6, v10;
	v27 =	vor.u32 $0x7, v10;
	v21 =	vld.idx.msk [tilespmem:v9+s29+$0x0], $0xffff  }
0x210: {  	_ =	sdelay $0x3  }
0x211: {  	v8 =	vld.idx.msk [tilespmem:v22+s29+$0x0], $0xffff;
	v9 =	vor.u32 $0x8, v10  }
0x212: {  	v11 =	vor.u32 $0x9, v10;
	v12 =	vld.idx.msk [tilespmem:v23+s29+$0x0], $0xffff  }
0x213: {  	v13 =	vld.idx.msk [tilespmem:v25+s29+$0x0], $0xffff;
	v14 =	vor.u32 $0xA, v10  }
0x214: {  	v15 =	vld.idx.msk [tilespmem:v26+s29+$0x0], $0xffff;
	v17 =	vor.u32 $0xB, v10;
	v16 =	vmax.f32 v16, v19  }
0x215: {  	v18 =	vld.idx.msk [tilespmem:v27+s29+$0x0], $0xffff;
	v19 =	vor.u32 $0xC, v10;
	v16 =	vmax.f32 v16, v21  }
0x216: {  	v20 =	vor.u32 $0xD, v10;
	v9 =	vld.idx.msk [tilespmem:v9+s29+$0x0], $0xffff;
	v8 =	vmax.f32 v16, v8  }
0x217: {  	v11 =	vld.idx.msk [tilespmem:v11+s29+$0x0], $0xffff;
	v16 =	vor.u32 $0xE, v10;
	v8 =	vmax.f32 v8, v12  }
0x218: {  	v12 =	vld.idx.msk [tilespmem:v14+s29+$0x0], $0xffff;
	v14 =	vor.u32 $0xF, v10;
	v8 =	vmax.f32 v8, v13  }
0x219: {  	s5 =	simm.s32 $0x20;
	v17 =	vld.idx.msk [tilespmem:v17+s29+$0x0], $0xffff;
	v10 =	vshll.u32 v7, $0x4;
	v8 =	vmax.f32 v8, v15  }
0x21a: {  	v13 =	vor.u32 s5, v4;
	v19 =	vld.idx.msk [tilespmem:v19+s29+$0x0], $0xffff;
	v8 =	vmax.f32 v8, v18  }
0x21b: {  	v20 =	vld.idx.msk [tilespmem:v20+s29+$0x0], $0xffff;
	v21 =	vor.u32 $0x2, v10;
	v8 =	vmax.f32 v8, v9  }
0x21c: {  	p3 =	seq.s32 s3, $0x1;
	v18 =	vor.u32 $0x1, v10;
	v24 =	vld.idx.msk [tilespmem:v16+s29+$0x0], $0xffff;
	v8 =	vmax.f32 v8, v11  }
.Ltmp18:
0x21d: {  	v9 =	vld.idx.msk [tilespmem:v14+s29+$0x0], $0xffff;
	v8 =	vmax.f32 v8, v12;
	(pc) =	sbr.rel @p3 .LBB2_29-.Ltmp18, $4  }
0x21e: {  	v16 =	vld.idx.msk [tilespmem:v10+s29+$0x0], $0xffff;
	v8 =	vmax.f32 v8, v17  }
0x21f: {  	v22 =	vor.u32 $0x3, v10;
	v15 =	vld.idx.msk [tilespmem:v13+s26+$0x0], $0xffff;
	v8 =	vmax.f32 v8, v19  }
0x220: {  	v23 =	vor.u32 $0x4, v10;
	v25 =	vor.u32 $0x5, v10;
	v21 =	vld.idx.msk [tilespmem:v21+s29+$0x0], $0xffff;
	v8 =	vmax.f32 v8, v20  }
0x221: {  	p1 =	por $0x1, $0x1;
	v26 =	vor.u32 $0x6, v10;
	s5 =	sadd.s32 $0xFFFFFFFF, s3;
	v27 =	vor.u32 $0x7, v10;
	v19 =	vld.idx.msk [tilespmem:v18+s29+$0x0], $0xffff;
	v11 =	vmax.f32 v8, v24  }
0x222: {  	_ =	sdelay $0x3  }
0x223: {  	v12 =	vld.idx.msk [tilespmem:v22+s29+$0x0], $0xffff;
	v13 =	vor.u32 $0x8, v10;
	v8 =	vmax.f32 v11, v9  }
0x224: {  	v14 =	vor.u32 $0x9, v10;
	v17 =	vld.idx.msk [tilespmem:v23+s29+$0x0], $0xffff;
	v18 =	vshra.s32 v8, $0x1;
	v20 =	vmul.f32 $5.000000000e-01, v8  }
0x225: {  	v22 =	vld.idx.msk [tilespmem:v25+s29+$0x0], $0xffff;
	v23 =	vor.u32 $0xA, v10;
	v18 =	vsub.s32 $0x5F3759DF, v18  }
0x226: {  	v24 =	vld.idx.msk [tilespmem:v26+s29+$0x0], $0xffff;
	v25 =	vor.u32 $0xB, v10;
	v26 =	vmul.f32 v18, v20  }
0x227: {  	v16 =	vmax.f32 v16, v19;
	v19 =	vld.idx.msk [tilespmem:v27+s29+$0x0], $0xffff;
	v27 =	vor.u32 $0xC, v10  }
0x228: {  	v28 =	vor.u32 $0xD, v10;
	v16 =	vmax.f32 v16, v21;
	v13 =	vld.idx.msk [tilespmem:v13+s29+$0x0], $0xffff;
	v21 =	vmul.f32 v18, v26  }
0x229: {  	v14 =	vld.idx.msk [tilespmem:v14+s29+$0x0], $0xffff;
	v12 =	vmax.f32 v16, v12;
	v16 =	vor.u32 $0xE, v10  }
0x22a: {  	s3 =	simm.s32 $0x30;
	v23 =	vld.idx.msk [tilespmem:v23+s29+$0x0], $0xffff;
	v12 =	vmax.f32 v12, v17;
	v17 =	vor.u32 $0xF, v10;
	v10 =	vsub.f32 $1.500000000e+00, v21  }
0x22b: {  	v25 =	vld.idx.msk [tilespmem:v25+s29+$0x0], $0xffff;
	v21 =	vor.u32 s3, v4;
	v12 =	vmax.f32 v12, v22  }
0x22c: {  	v12 =	vmax.f32 v12, v24;
	v24 =	vld.idx.msk [tilespmem:v27+s29+$0x0], $0xffff;
	v18 =	vmul.f32 v18, v10  }
0x22d: {  	v10 =	vshll.u32 v15, $0x4;
	v27 =	vld.idx.msk [tilespmem:v28+s29+$0x0], $0xffff;
	v12 =	vmax.f32 v12, v19  }
0x22e: {  	v19 =	vor.u32 $0x1, v10;
	v12 =	vmax.f32 v12, v13;
	v13 =	vld.idx.msk [tilespmem:v16+s29+$0x0], $0xffff;
	v16 =	vmul.f32 v18, v20  }
0x22f: {  	p3 =	seq.s32 s5, $0x1;
	v20 =	vor.u32 $0x2, v10;
	v14 =	vmax.f32 v12, v14;
	v17 =	vld.idx.msk [tilespmem:v17+s29+$0x0], $0xffff  }
.Ltmp19:
0x230: {  	v22 =	vor.u32 $0x3, v10;
	v12 =	vld.idx.msk [tilespmem:v21+s26+$0x0], $0xffff;
	v14 =	vmax.f32 v14, v23;
	v21 =	vmul.f32 v16, v18;
	(pc) =	sbr.rel @p3 .LBB2_31-.Ltmp19, $4  }
0x231: {  	v23 =	vor.u32 $0x4, v10;
	v25 =	vmax.f32 v14, v25;
	v14 =	vld.idx.msk [tilespmem:v6+s23+$0x0], $0xffff  }
0x232: {  	v16 =	vld.idx.msk [tilespmem:v10+s29+$0x0], $0xffff;
	v24 =	vmax.f32 v25, v24;
	v28 =	vsub.f32 $1.500000000e+00, v21;
	v25 =	vor.u32 $0x5, v10  }
0x233: {  	v26 =	vor.u32 $0x6, v10;
	v19 =	vld.idx.msk [tilespmem:v19+s29+$0x0], $0xffff;
	v24 =	vmax.f32 v24, v27  }
0x234: {  	s5 =	sadd.s32 $0xFFFFFFFF, s5;
	p2 =	por $0x1, $0x1;
	v21 =	vld.idx.msk [tilespmem:v20+s29+$0x0], $0xffff;
	v27 =	vor.u32 $0x7, v10;
	v24 =	vmax.f32 v24, v13;
	v18 =	vmul.f32 v28, v18;
	v13 =	vmovc v6  }
.LBB2_32:
0x235: {  	p3 =	seq.s32 s5, $0x1;
	v20 =	vld.idx.msk [tilespmem:v22+s29+$0x0], $0xffff;
	v22 =	vor.u32 $0x8, v10;
	v28 =	vor.u32 $0x9, v10;
	v24 =	vmax.f32 v24, v17;
	v29 =	vmovc v12  }
0x236: {  	v12 =	vld.idx.msk [tilespmem:v23+s29+$0x0], $0xffff;
	v17 =	vshra.s32 v24, $0x1;
	v23 =	vmul.f32 $5.000000000e-01, v24;
	v18 =	vmul.f32 v18, v8  }
0x237: {  	v30 =	vor.u32 $0xA, v10;
	v25 =	vld.idx.msk [tilespmem:v25+s29+$0x0], $0xffff;
	v17 =	vsub.s32 $0x5F3759DF, v17  }
0x238: {  	v31 =	vor.u32 $0xB, v10;
	v26 =	vld.idx.msk [tilespmem:v26+s29+$0x0], $0xffff;
	v32 =	vmul.f32 v17, v23;
	v18 =	vmul.f32 $1.000100020e+00, v18  }
0x239: {  	v33 =	vor.u32 $0xD, v10;
	v16 =	vmax.f32 v16, v19;
	v19 =	vld.idx.msk [tilespmem:v27+s29+$0x0], $0xffff;
	v27 =	vor.u32 $0xC, v10  }
0x23a: {  	v16 =	vmax.f32 v16, v21;
	v21 =	vld.idx.msk [tilespmem:v22+s29+$0x0], $0xffff;
	v22 =	vmul.f32 v17, v32;
	v18 =	vmax.f32 v18, $1.199999960e-19  }
0x23b: {  	v16 =	vmax.f32 v16, v20;
	v20 =	vld.idx.msk [tilespmem:v28+s29+$0x0], $0xffff;
	v28 =	vor.u32 $0xE, v10;
	v14 =	vadd.f32 v18, v14  }
0x23c: {  	s3 =	sadd.s32 $0x10, s3;
	v12 =	vmax.f32 v16, v12;
	v18 =	vor.u32 $0xF, v10;
	v16 =	vld.idx.msk [tilespmem:v30+s29+$0x0], $0xffff;
	v22 =	vsub.f32 $1.500000000e+00, v22  }
0x23d: {  	v30 =	vor.u32 s3, v4;
	v12 =	vmax.f32 v12, v25;
	v25 =	vld.idx.msk [tilespmem:v31+s29+$0x0], $0xffff;
	v14 =	vmul.f32 v14, v14  }
0x23e: {  	v10 =	vshll.u32 v29, $0x4;
	v12 =	vmax.f32 v12, v26;
	v26 =	vld.idx.msk [tilespmem:v27+s29+$0x0], $0xffff;
	v31 =	vmul.f32 v17, v22  }
0x23f: {  	v27 =	vor.u32 $0x1, v10;
	v12 =	vmax.f32 v12, v19;
	v32 =	vld.idx.msk [tilespmem:v33+s29+$0x0], $0xffff;
	v14 =	vmul.f32 $1.000100020e+00, v14  }
0x240: {  	v12 =	vmax.f32 v12, v21;
	v28 =	vld.idx.msk [tilespmem:v28+s29+$0x0], $0xffff;
	v19 =	vmul.f32 v31, v23;
	[tilespmem:v13+s30+$0x0] =	vst.idx.msk $0xffff, v8  }
0x241: {  	v21 =	vor.u32 $0x2, v10;
	v20 =	vmax.f32 v12, v20;
	v8 =	vmov v24;
	v17 =	vld.idx.msk [tilespmem:v18+s29+$0x0], $0xffff;
	[tilespmem:v13+s31+$0x0] =	vst.idx.msk $0xffff, v14  }
.Ltmp20:
0x242: {  	v22 =	vor.u32 $0x3, v10;
	v14 =	vmax.f32 v20, v16;
	v13 =	vmovc v7;
	v12 =	vld.idx.msk [tilespmem:v30+s26+$0x0], $0xffff;
	v18 =	vmul.f32 v19, v31;
	(pc) =	sbr.rel @!p3 .LBB2_32-.Ltmp20, $4  }
0x243: {  	v23 =	vor.u32 $0x4, v10;
	v19 =	vmax.f32 v14, v25;
	v14 =	vld.idx.msk [tilespmem:v7+s23+$0x0], $0xffff;
	v7 =	vmovc v15;
	v15 =	vmov v29  }
0x244: {  	v25 =	vor.u32 $0x5, v10;
	v20 =	vmax.f32 v19, v26;
	v16 =	vld.idx.msk [tilespmem:v10+s29+$0x0], $0xffff;
	v18 =	vsub.f32 $1.500000000e+00, v18  }
0x245: {  	v26 =	vor.u32 $0x6, v10;
	v20 =	vmax.f32 v20, v32;
	v19 =	vld.idx.msk [tilespmem:v27+s29+$0x0], $0xffff  }
0x246: {  	s5 =	sadd.s32 $0xFFFFFFFF, s5;
	v27 =	vor.u32 $0x7, v10;
	v24 =	vmax.f32 v20, v28;
	v21 =	vld.idx.msk [tilespmem:v21+s29+$0x0], $0xffff;
	v18 =	vmul.f32 v18, v31  }
0x247: {  	v20 =	vmov v7;
	v7 =	vmov v15  }
.LBB2_34:
0x248: {  	_ =	sdelay $0x3  }
0x249: {  	v15 =	vld.idx.msk @p0 [tilespmem:v22+s29+$0x0], $0xffff;
	v22 =	vor.u32 @p0 $0x8, v10  }
0x24a: {  	v28 =	vor.u32 @p0 $0x9, v10;
	v23 =	vld.idx.msk @p0 [tilespmem:v23+s29+$0x0], $0xffff  }
0x24b: {  	v25 =	vld.idx.msk @p0 [tilespmem:v25+s29+$0x0], $0xffff;
	v29 =	vor.u32 @p0 $0xA, v10  }
0x24c: {  	v26 =	vld.idx.msk @p0 [tilespmem:v26+s29+$0x0], $0xffff;
	v30 =	vor.u32 @p0 $0xB, v10  }
0x24d: {  	v27 =	vld.idx.msk @p0 [tilespmem:v27+s29+$0x0], $0xffff;
	v31 =	vor.u32 @p0 $0xC, v10  }
0x24e: {  	v32 =	vor.u32 @p0 $0xD, v10;
	v22 =	vld.idx.msk @p0 [tilespmem:v22+s29+$0x0], $0xffff  }
0x24f: {  	v33 =	vor.u32 @p0 $0xE, v10;
	v28 =	vld.idx.msk @p0 [tilespmem:v28+s29+$0x0], $0xffff  }
0x250: {  	v10 =	vor.u32 @p0 $0xF, v10;
	v29 =	vld.idx.msk @p0 [tilespmem:v29+s29+$0x0], $0xffff  }
0x251: {  	v34 =	vshll.u32 v12, $0x4;
	v30 =	vld.idx.msk @p0 [tilespmem:v30+s29+$0x0], $0xffff  }
0x252: {  	v35 =	vor.u32 $0x1, v34;
	v31 =	vld.idx.msk @p0 [tilespmem:v31+s29+$0x0], $0xffff  }
0x253: {  	v36 =	vor.u32 $0x2, v34;
	v32 =	vld.idx.msk @p0 [tilespmem:v32+s29+$0x0], $0xffff  }
0x254: {  	v37 =	vor.u32 $0x3, v34;
	v33 =	vld.idx.msk @p0 [tilespmem:v33+s29+$0x0], $0xffff  }
0x255: {  	v38 =	vor.u32 $0x4, v34;
	v10 =	vld.idx.msk @p0 [tilespmem:v10+s29+$0x0], $0xffff  }
0x256: {  	v40 =	vor.u32 $0x5, v34;
	v39 =	vld.idx.msk [tilespmem:v34+s29+$0x0], $0xffff  }
0x257: {  	v41 =	vor.u32 $0x6, v34;
	v35 =	vld.idx.msk [tilespmem:v35+s29+$0x0], $0xffff  }
0x258: {  	v61 =	vor.u32 $0x7, v34;
	v16 =	vmax.f32 @p0 v16, v19;
	v60 =	vld.idx.msk [tilespmem:v36+s29+$0x0], $0xffff  }
0x259: {  	v63 =	vor.u32 $0x8, v34;
	v16 =	vmax.f32 @p0 v16, v21;
	v62 =	vld.idx.msk [tilespmem:v37+s29+$0x0], $0xffff  }
0x25a: {  	v44 =	vor.u32 $0x9, v34;
	v15 =	vmax.f32 @p0 v16, v15;
	v38 =	vld.idx.msk [tilespmem:v38+s29+$0x0], $0xffff  }
0x25b: {  	v46 =	vor.u32 $0xA, v34;
	v15 =	vmax.f32 @p0 v15, v23;
	v45 =	vld.idx.msk [tilespmem:v40+s29+$0x0], $0xffff  }
0x25c: {  	v48 =	vor.u32 $0xB, v34;
	v47 =	vld.idx.msk [tilespmem:v41+s29+$0x0], $0xffff;
	v15 =	vmax.f32 @p0 v15, v25;
	v35 =	vmax.f32 v39, v35  }
0x25d: {  	v50 =	vor.u32 $0xC, v34;
	v49 =	vld.idx.msk [tilespmem:v61+s29+$0x0], $0xffff;
	v15 =	vmax.f32 @p0 v15, v26;
	v19 =	vmax.f32 v35, v60  }
0x25e: {  	v51 =	vor.u32 $0xD, v34;
	v52 =	vld.idx.msk [tilespmem:v63+s29+$0x0], $0xffff;
	v15 =	vmax.f32 @p0 v15, v27;
	v19 =	vmax.f32 v19, v62  }
0x25f: {  	v53 =	vor.u32 $0xE, v34;
	v16 =	vld.idx.msk [tilespmem:v44+s29+$0x0], $0xffff;
	v15 =	vmax.f32 @p0 v15, v22;
	v19 =	vmax.f32 v19, v38  }
0x260: {  	v55 =	vor.u32 $0xF, v34;
	v54 =	vld.idx.msk [tilespmem:v46+s29+$0x0], $0xffff;
	v15 =	vmax.f32 @p0 v15, v28;
	v19 =	vmax.f32 v19, v45  }
0x261: {  	v56 =	vld.idx.msk [tilespmem:v48+s29+$0x0], $0xffff;
	v15 =	vmax.f32 @p0 v15, v29;
	v19 =	vmax.f32 v19, v47  }
0x262: {  	v17 =	vmax.f32 @p1 v24, v17;
	v57 =	vld.idx.msk [tilespmem:v50+s29+$0x0], $0xffff;
	v15 =	vmax.f32 @p0 v15, v30;
	v19 =	vmax.f32 v19, v49  }
0x263: {  	v21 =	vld.idx.msk [tilespmem:v51+s29+$0x0], $0xffff;
	v26 =	vshra.s32 @p1 v17, $0x1;
	v15 =	vmax.f32 @p0 v15, v31;
	v19 =	vmax.f32 v19, v52  }
0x264: {  	v27 =	vmul.f32 @p1 $5.000000000e-01, v17;
	v22 =	vld.idx.msk [tilespmem:v53+s29+$0x0], $0xffff;
	v15 =	vmax.f32 @p0 v15, v32;
	v16 =	vmax.f32 v19, v16  }
0x265: {  	v58 =	vld.idx.msk [tilespmem:v55+s29+$0x0], $0xffff;
	v9 =	vpsel p0, v10, v9;
	v15 =	vmax.f32 @p0 v15, v33;
	v16 =	vmax.f32 v16, v54  }
0x266: {  	v11 =	vpsel p0, v15, v11;
	v19 =	vsub.s32 @p1 $0x5F3759DF, v26;
	v59 =	vmax.f32 v16, v56  }
0x267: {  	v9 =	vmax.f32 @p0 v11, v9;
	v15 =	vmul.f32 @p1 v19, v27;
	v10 =	vmax.f32 v59, v57  }
0x268: {  	v11 =	vshra.s32 @p0 v9, $0x1;
	v16 =	vmul.f32 @p0 $5.000000000e-01, v9;
	v10 =	vmax.f32 v10, v21  }
0x269: {  	v11 =	vsub.s32 @p0 $0x5F3759DF, v11;
	v15 =	vmul.f32 @p1 v19, v15;
	v10 =	vmax.f32 v10, v22  }
0x26a: {  	v21 =	vmul.f32 @p0 v11, v16;
	v10 =	vmax.f32 v10, v58  }
0x26b: {  	v15 =	vsub.f32 @p1 $1.500000000e+00, v15;
	v60 =	vshra.s32 v10, $0x1;
	v61 =	vmul.f32 $5.000000000e-01, v10  }
0x26c: {  	v21 =	vmul.f32 @p0 v11, v21;
	v22 =	vsub.s32 $0x5F3759DF, v60  }
0x26d: {  	v15 =	vmul.f32 @p1 v19, v15;
	v62 =	vmul.f32 v22, v61  }
0x26e: {  	v21 =	vsub.f32 @p0 $1.500000000e+00, v21  }
0x26f: {  	v24 =	vmul.f32 @p1 v15, v27;
	v19 =	vmul.f32 v22, v62  }
0x270: {  	v11 =	vmul.f32 @p0 v11, v21  }
0x271: {  	v21 =	vmul.f32 @p1 v24, v15;
	v19 =	vsub.f32 $1.500000000e+00, v19  }
0x272: {  	v16 =	vmul.f32 @p0 v11, v16  }
0x273: {  	v21 =	vsub.f32 @p1 $1.500000000e+00, v21;
	v19 =	vmul.f32 v22, v19  }
0x274: {  	v18 =	vmul.f32 @p2 v18, v8;
	v16 =	vmul.f32 @p0 v16, v11  }
0x275: {  	v6 =	vpsel p0, v7, v6;
	v15 =	vmul.f32 @p1 v21, v15;
	v7 =	vmul.f32 v19, v61  }
0x276: {  	v18 =	vmul.f32 @p2 $1.000100020e+00, v18;
	v16 =	vsub.f32 @p0 $1.500000000e+00, v16  }
0x277: {  	v17 =	vpsel p1, v17, v0;
	v21 =	vld.idx.msk @p1 [tilespmem:v20+s23+$0x0], $0xffff;
	v15 =	vpsel p1, v15, v0;
	v7 =	vmul.f32 v7, v19  }
0x278: {  	v18 =	vmax.f32 @p2 v18, $1.199999960e-19;
	v15 =	vmul.f32 @p1 v15, v17;
	v11 =	vmul.f32 @p0 v16, v11  }
0x279: {  	v14 =	vadd.f32 @p2 v18, v14;
	v7 =	vsub.f32 $1.500000000e+00, v7  }
0x27a: {  	v9 =	vpsel p0, v9, v0;
	v16 =	vld.idx.msk @p0 [tilespmem:v6+s23+$0x0], $0xffff;
	v15 =	vmul.f32 @p1 $1.000100020e+00, v15;
	v11 =	vpsel p0, v11, v0  }
0x27b: {  	v11 =	vmul.f32 @p0 v11, v9;
	v7 =	vmul.f32 v7, v19  }
0x27c: {  	v14 =	vmul.f32 @p2 v14, v14;
	v18 =	vpsel p1, v21, v0  }
0x27d: {  	v63 =	vld.idx.msk [tilespmem:v12+s23+$0x0], $0xffff;
	v15 =	vmax.f32 @p1 v15, $1.199999960e-19;
	v19 =	vmovc @p1 v20;
	v11 =	vmul.f32 @p0 $1.000100020e+00, v11;
	v7 =	vmul.f32 v7, v10  }
0x27e: {  	v14 =	vmul.f32 @p2 $1.000100020e+00, v14;
	v15 =	vadd.f32 @p1 v15, v18;
	v19 =	vpsel p1, v19, v0  }
0x27f: {  	v16 =	vpsel p0, v16, v0;
	v11 =	vmax.f32 @p0 v11, $1.199999960e-19;
	v7 =	vmul.f32 $1.000100020e+00, v7  }
0x280: {  	v6 =	vpsel p0, v6, v0;
	v15 =	vmul.f32 @p1 v15, v15;
	v11 =	vadd.f32 @p0 v11, v16  }
0x281: {  	[tilespmem:v13+s30+$0x0] =	vst.idx.msk @p2 $0xffff, v8;
	v7 =	vmax.f32 v7, $1.199999960e-19  }
0x282: {  	[tilespmem:v13+s31+$0x0] =	vst.idx.msk @p2 $0xffff, v14;
	v8 =	vmul.f32 @p1 $1.000100020e+00, v15;
	v11 =	vmul.f32 @p0 v11, v11;
	v7 =	vadd.f32 v7, v63  }
0x283: {  	[tilespmem:v19+s30+$0x0] =	vst.idx.msk @p1 $0xffff, v17  }
0x284: {  	[tilespmem:v19+s31+$0x0] =	vst.idx.msk @p1 $0xffff, v8;
	v8 =	vmul.f32 @p0 $1.000100020e+00, v11;
	v7 =	vmul.f32 v7, v7  }
0x285: {  	[tilespmem:v6+s30+$0x0] =	vst.idx.msk @p0 $0xffff, v9  }
0x286: {  	[tilespmem:v6+s31+$0x0] =	vst.idx.msk @p0 $0xffff, v8;
	v6 =	vmul.f32 $1.000100020e+00, v7  }
0x287: {  	[tilespmem:v12+s30+$0x0] =	vst.idx.msk $0xffff, v10  }
0x288: {  	[tilespmem:v12+s31+$0x0] =	vst.idx.msk $0xffff, v6  }
.LBB2_35:
0x289: {  	v6 =	vld [tilespmem:$0xA500]  }
0x28a: {  	v7 =	vld [tilespmem:$0xA510]  }
0x28b: {  	v8 =	vld [tilespmem:$0xA520]  }
0x28c: {  	v9 =	vld [tilespmem:$0xA530]  }
0x28d: {  	v10 =	vld [tilespmem:$0xA540]  }
0x28e: {  	v11 =	vld [tilespmem:$0xA550];
	v6 =	vmax.f32 v6, $-1.000000000e+00  }
0x28f: {  	v6 =	vmax.f32 v6, v7;
	v7 =	vld [tilespmem:$0xA560]  }
0x290: {  	v6 =	vmax.f32 v6, v8;
	v8 =	vld [tilespmem:$0xA570]  }
0x291: {  	v6 =	vmax.f32 v6, v9;
	v9 =	vld [tilespmem:$0xA580]  }
0x292: {  	v6 =	vmax.f32 v6, v10;
	v10 =	vld [tilespmem:$0xA590]  }
0x293: {  	v6 =	vmax.f32 v6, v11;
	v11 =	vld [tilespmem:$0xA5A0]  }
0x294: {  	v6 =	vmax.f32 v6, v7;
	v7 =	vld [tilespmem:$0xA5B0]  }
0x295: {  	v6 =	vmax.f32 v6, v8;
	v8 =	vld [tilespmem:$0xA5C0]  }
0x296: {  	v6 =	vmax.f32 v6, v9;
	v9 =	vld [tilespmem:$0xA5D0]  }
0x297: {  	v6 =	vmax.f32 v6, v10;
	v10 =	vld [tilespmem:$0xA5E0]  }
0x298: {  	v6 =	vmax.f32 v6, v11;
	v11 =	vld [tilespmem:$0xA5F0]  }
0x299: {  	v6 =	vmax.f32 v6, v7  }
0x29a: {  	v6 =	vmax.f32 v6, v8  }
0x29b: {  	v7 =	vmul.u32 $0xFFFFFFFF, v4;
	v6 =	vmax.f32 v6, v9  }
0x29c: {  	v6 =	vmax.f32 v6, v10  }
0x29d: {  	v8 =	vmax.f32 v6, v11;
	v6 =	vadd.s32 $0xF, v7  }
0x29e: {  	v7 =	vperm.xlane v8, v6  }
0x29f: {  	(xrf0) =	vmax.scan.msk.f32 $0xffff, v8  }
0x2a0: {  	(xrf0) =	vmax.scan.msk.f32 $0xffff, v7;
	_ =	sdelay $0x4  }
0x2a1: {  	v7, _, _ =	vpop (xrf0)  }
0x2a2: {  	v8, _, _ =	vpop (xrf0)  }
0x2a3: {  	v8 =	vperm.xlane v8, v6  }
0x2a4: {  	s5 =	simm.s32 $0xA500  }
0x2a5: {  	s3 =	simm.s32 $0x0;
	s6 =	simm.s32 $0x10;
	v9 =	vimm.s32 $0x0;
	v10 =	vld [tilespmem:s5+$0x0];
	v7 =	vmax.f32 v7, v8;
	v8 =	vimm.s32 $0x0  }
.LBB2_36:
0x2a6: {  	p0 =	sne.s32 s6, $0xF0;
	_ =	sdelay $0x3  }
0x2a7: {  	vm2 =	veq.f32 v10, v7  }
0x2a8: {  	v10 =	vsel vm2, $0x1, v3;
	v11 =	vmpcnt.ones.xlane vm2  }
0x2a9: {  	(xrf0) =	vadd.scan.msk.s32 $0xffff, v10  }
0x2aa: {  	v8 =	vadd.s32 v8, v11;
	_ =	sdelay $0x4  }
0x2ab: {  	v10, _, _ =	vpop (xrf0)  }
0x2ac: {  	v10 =	vadd.s32 v10, v9;
	v9 =	vmov v8  }
0x2ad: {  	v10 =	vadd.s32 $0xFFFFFFFF, v10;
	_ =	sdelay $0x1  }
.Ltmp21:
0x2ae: {  	(pc) =	sbr.rel @p0 .LBB2_36-.Ltmp21, $4  }
0x2af: {  	_ = 	snop  }
0x2b0: {  	v11 =	vor.u32 s3, v4;
	s3 =	smov.u32 s6  }
0x2b1: {  	s5 =	sadd.s32 $0x10, s5;
	[tilespmem:v10+s26+$0x0] =	vst.idx.msk vm2, v11  }
0x2b2: {  	s6 =	sadd.s32 $0x10, s6;
	v10 =	vld [tilespmem:s5+$0x0]  }
0x2b3: {  	_ =	sdelay $0x3  }
0x2b4: {  	vm2 =	veq.f32 v10, v7  }
0x2b5: {  	v10 =	vmpcnt.ones.xlane vm2;
	_ =	sdelay $0x1  }
0x2b6: {  	v11 =	vsel vm2, $0x1, v3;
	v8 =	vadd.s32 v8, v10  }
0x2b7: {  	(xrf0) =	vadd.scan.msk.s32 $0xffff, v11;
	v8 =	vxor.u32 $0x80000000, v8  }
0x2b8: {  	(xrf0) =	vmax.scan.msk.u32 $0xffff, v8;
	_ =	sdelay $0x4  }
0x2b9: {  	v8, _, _ =	vpop (xrf0)  }
0x2ba: {  	v10, _, _ =	vpop (xrf0)  }
0x2bb: {  	(v2sf) =	vpush v10, $0xF;
	_ =	sdelay $0xe  }
0x2bc: {  	s5 =	spop (v2sf)  }
0x2bd: {  	v8 =	vadd.s32 v8, v9;
	s20 =	sxor.u32 $0x80000000, s5  }
0x2be: {  	v8 =	vadd.s32 $0xFFFFFFFF, v8;
	p0 =	slt.s32 s20, $0x1  }
.Ltmp22:
0x2bf: {  	_ = 	snop;
	(pc) =	sbr.rel @p0 .LBB2_54-.Ltmp22, $3  }
0x2c0: {  	_ =	sdelay $0x1  }
0x2c1: {  	v9 =	vor.u32 s3, v4  }
0x2c2: {  	s21 =	simm.s32 $0x0;
	[tilespmem:v8+s26+$0x0] =	vst.idx.msk vm2, v9;
	v8 =	vimm.s32 $0x7FFFFFFF  }
0x2c3: {  	p6 =	sne.s32 s20, $0x1  }
.Ltmp23:
0x2c4: {  	_ = 	snop;
	(pc) =	sbr.rel @!p6 .LBB2_39-.Ltmp23, $4  }
0x2c5: {  	_ = 	snop  }
0x2c6: {  	s3 =	simm.s32 $0x1  }
0x2c7: {  	p0 =	por $0x0, $0x0;
	p1 =	por $0x0, $0x0;
	p2 =	por $0x0, $0x0  }
0x2c8: {  	p3 =	por $0x0, $0x0;
	p4 =	por $0x0, $0x0;
	p5 =	por $0x0, $0x0  }
0x2c9: {  	v9 =	vmov s21;
	_ =	sdelay $0x1  }
0x2ca: {  	p6 =	sne.s32 s20, $0x2  }
.Ltmp24:
0x2cb: {  	_ = 	snop;
	(pc) =	sbr.rel @!p6 .LBB2_41-.Ltmp24, $3  }
0x2cc: {  	_ = 	snop  }
0x2cd: {  	v15 =	vld.idx.msk [tilespmem:v9+s26+$0x0], $0xffff;
	_ =	sdelay $0x1  }
0x2ce: {  	s5 =	simm.s32 $0x2;
	p0 =	por $0x1, $0x1  }
0x2cf: {  	_ =	sdelay $0x1  }
0x2d0: {  	v9 =	vmov s3;
	v10 =	vshll.u32 v15, $0x5  }
0x2d1: {  	v16 =	vor.u32 v4, v10;
	_ =	sdelay $0x1  }
0x2d2: {  	v17 =	vor.u32 v5, v10  }
0x2d3: {  	p6 =	sne.s32 s20, $0x3  }
.Ltmp25:
0x2d4: {  	v15 =	vld.idx.msk [tilespmem:v9+s26+$0x0], $0xffff;
	(pc) =	sbr.rel @!p6 .LBB2_43-.Ltmp25, $4  }
0x2d5: {  	v19 =	vld.idx.msk [tilespmem:v16+s19+$0x0], $0xffff  }
0x2d6: {  	v28 =	vld.idx.msk [tilespmem:v16+s28+$0x0], $0xffff  }
0x2d7: {  	v37 =	vld.idx.msk [tilespmem:v17+s28+$0x0], $0xffff  }
0x2d8: {  	s3 =	simm.s32 $0x3;
	p1 =	por $0x1, $0x1;
	v39 =	vld.idx.msk [tilespmem:v17+s19+$0x0], $0xffff  }
0x2d9: {  	_ =	sdelay $0x2  }
0x2da: {  	v9 =	vmov s5;
	vm2 =	veq.f32 v28, v7;
	vm3 =	veq.f32 v37, v7  }
0x2db: {  	v11 =	vshll.u32 v15, $0x5;
	v13 =	vnsel vm2, $0x7FFFFFFF, v19;
	v14 =	vnsel vm3, $0x7FFFFFFF, v39  }
0x2dc: {  	v10 =	vor.u32 v4, v11;
	vm2 =	vlt.s32 v14, v13  }
0x2dd: {  	v23 =	vsel vm2, v14, v13  }
0x2de: {  	v12 =	vor.u32 v5, v11;
	v11 =	vsub.s32 $0x0, v23  }
0x2df: {  	p6 =	sne.s32 s20, $0x4;
	v15 =	vld.idx.msk [tilespmem:v9+s26+$0x0], $0xffff;
	v9 =	vperm.xlane v11, v6  }
.Ltmp26:
0x2e0: {  	_ = 	snop;
	(pc) =	sbr.rel @!p6 .LBB2_45-.Ltmp26, $4  }
0x2e1: {  	v19 =	vld.idx.msk [tilespmem:v10+s19+$0x0], $0xffff;
	v9 =	vxor.u32 $0x80000000, v9  }
0x2e2: {  	vm3 =	veq.s32 v13, $0x7FFFFFFF;
	v28 =	vld.idx.msk [tilespmem:v10+s28+$0x0], $0xffff;
	(xrf0) =	vmax.scan.msk.u32 $0xffff, v9  }
0x2e3: {  	v37 =	vld.idx.msk [tilespmem:v12+s28+$0x0], $0xffff;
	v11 =	vsel vm3, $0x7FFFFFFF, v16;
	v9 =	vsub.s32 $0x80000000, v23  }
0x2e4: {  	s21 =	simm.s32 $0x4;
	p2 =	por $0x1, $0x1;
	v39 =	vld.idx.msk [tilespmem:v12+s19+$0x0], $0xffff;
	v30 =	vsel vm2, v17, v11;
	(xrf0) =	vmax.scan.msk.u32 $0xffff, v9  }
0x2e5: {  	_ =	sdelay $0x1  }
0x2e6: {  	v9 =	vshll.u32 v15, $0x5  }
0x2e7: {  	v16 =	vor.u32 v4, v9;
	vm2 =	veq.f32 v28, v7;
	vm3 =	veq.f32 v37, v7;
	v13, _, _ =	vpop (xrf0)  }
0x2e8: {  	v14 =	vnsel vm2, $0x7FFFFFFF, v19;
	v15 =	vnsel vm3, $0x7FFFFFFF, v39;
	v13 =	vxor.u32 $0x80000000, v13  }
0x2e9: {  	v11 =	vmov s3;
	vm2 =	vlt.s32 v15, v14;
	v13 =	vperm.xlane v13, v6;
	v18, _, _ =	vpop (xrf0)  }
0x2ea: {  	v17 =	vor.u32 v5, v9;
	v9 =	vsel vm2, v15, v14;
	v15 =	vxor.u32 $0x80000000, v18  }
0x2eb: {  	v18 =	vsub.s32 $0x0, v9;
	vm3 =	vgt.s32 v15, v13  }
0x2ec: {  	p6 =	sne.s32 s20, $0x5;
	v13 =	vsel vm3, v15, v13;
	vm3 =	veq.s32 v14, $0x7FFFFFFF;
	v14 =	vperm.xlane v18, v6  }
.Ltmp27:
0x2ed: {  	v19 =	vld.idx.msk [tilespmem:v16+s19+$0x0], $0xffff;
	v10 =	vsel vm3, $0x7FFFFFFF, v10;
	(pc) =	sbr.rel @!p6 .LBB2_47-.Ltmp27, $4  }
0x2ee: {  	v15 =	vld.idx.msk [tilespmem:v11+s26+$0x0], $0xffff;
	v11 =	vsub.s32 $0x0, v13;
	v10 =	vsel vm2, v12, v10;
	v12 =	vxor.u32 $0x80000000, v14  }
0x2ef: {  	v28 =	vld.idx.msk [tilespmem:v16+s28+$0x0], $0xffff;
	vm2 =	veq.s32 v23, v11;
	(xrf0) =	vmax.scan.msk.u32 $0xffff, v12  }
0x2f0: {  	v37 =	vld.idx.msk [tilespmem:v17+s28+$0x0], $0xffff;
	v13 =	vsub.s32 $0x80000000, v9;
	vm3 =	vlt.s32 v11, v8;
	v14 =	vnsel vm2, $0x7FFFFFFF, v30  }
0x2f1: {  	s3 =	simm.s32 $0x5;
	p3 =	por $0x1, $0x1;
	v39 =	vld.idx.msk [tilespmem:v17+s19+$0x0], $0xffff;
	v12 =	vsel vm3, v11, v8;
	(xrf0) =	vmax.scan.msk.u32 $0xffff, v13;
	v13 =	vsub.s32 $0x0, v14;
	v14 =	vsub.s32 $0x80000000, v14  }
0x2f2: {  	_ =	sdelay $0x2  }
0x2f3: {  	v18 =	vperm.xlane v13, v6;
	vm2 =	veq.f32 v28, v7;
	vm3 =	veq.f32 v37, v7  }
0x2f4: {  	(xrf0) =	vmax.scan.msk.u32 $0xffff, v14;
	v15 =	vshll.u32 v15, $0x5;
	v19 =	vnsel vm2, $0x7FFFFFFF, v19;
	v23 =	vnsel vm3, $0x7FFFFFFF, v39  }
0x2f5: {  	v21 =	vmov s21;
	v20 =	vor.u32 v4, v15;
	v22, _, _ =	vpop (xrf0);
	vm3 =	vlt.s32 v23, v19  }
0x2f6: {  	v18 =	vxor.u32 $0x80000000, v18;
	v24 =	vxor.u32 $0x80000000, v22;
	v32 =	vsel vm3, v23, v19  }
0x2f7: {  	(xrf0) =	vmax.scan.msk.u32 $0xffff, v18;
	v22 =	vor.u32 v5, v15;
	v18 =	vperm.xlane v24, v6;
	v15, _, _ =	vpop (xrf0);
	v23 =	vsub.s32 $0x0, v32  }
0x2f8: {  	vm2 =	veq.s32 v19, $0x7FFFFFFF;
	v19 =	vxor.u32 $0x80000000, v15;
	v23 =	vperm.xlane v23, v6  }
0x2f9: {  	p6 =	sne.s32 s20, $0x6;
	v16 =	vsel vm2, $0x7FFFFFFF, v16;
	vm4 =	vgt.s32 v19, v18  }
.Ltmp28:
0x2fa: {  	v15 =	vld.idx.msk [tilespmem:v21+s26+$0x0], $0xffff;
	v21, _, _ =	vpop (xrf0);
	v36 =	vsel vm3, v17, v16;
	v18 =	vsel vm4, v19, v18;
	v16 =	vxor.u32 $0x80000000, v23;
	(pc) =	sbr.rel @!p6 .LBB2_49-.Ltmp28, $4  }
0x2fb: {  	vm2 =	vgt.s32 v8, v11;
	v26 =	vld.idx.msk [tilespmem:v20+s19+$0x0], $0xffff;
	v34 =	vxor.u32 $0x80000000, v21;
	v21 =	vsub.s32 $0x0, v18  }
0x2fc: {  	v24 =	vld.idx.msk [tilespmem:v20+s28+$0x0], $0xffff;
	vm3 =	veq.s32 v9, v21;
	vm15 =	vlt.s32 v21, v12;
	(xrf0) =	vmax.scan.msk.u32 $0xffff, v16  }
0x2fd: {  	v17 =	vsub.s32 $0x80000000, v32;
	v31 =	vld.idx.msk [tilespmem:v22+s28+$0x0], $0xffff;
	v18 =	vnsel vm3, $0x7FFFFFFF, v10;
	v29 =	vsel vm15, v21, v12;
	v16, _, _ =	vpop (xrf0)  }
0x2fe: {  	s21 =	simm.s32 $0x6;
	p4 =	por $0x1, $0x1;
	v35 =	vld.idx.msk [tilespmem:v22+s19+$0x0], $0xffff;
	(xrf0) =	vmax.scan.msk.u32 $0xffff, v17;
	v25 =	vsub.s32 $0x0, v18;
	v27 =	vsub.s32 $0x80000000, v18;
	v33 =	vxor.u32 $0x80000000, v16  }
0x2ff: {  	_ =	sdelay $0x1  }
0x300: {  	v17 =	vperm.xlane v25, v6  }
0x301: {  	vm4 =	vgt.s32 v12, v21;
	v18 =	vperm.xlane v33, v6;
	vm3 =	vmmov vm2;
	v28, _, _ =	vpop (xrf0)  }
0x302: {  	v19 =	vmov s3;
	v15 =	vshll.u32 v15, $0x5;
	v28 =	vxor.u32 $0x80000000, v28  }
0x303: {  	vm5 =	veq.f32 v24, v7;
	v37 =	vxor.u32 $0x80000000, v17;
	vm6 =	veq.f32 v31, v7  }
0x304: {  	(xrf0) =	vmax.scan.msk.u32 $0xffff, v27;
	v17 =	vor.u32 v5, v15;
	v23 =	vnsel vm5, $0x7FFFFFFF, v26;
	v30 =	vnsel vm6, $0x7FFFFFFF, v35  }
0x305: {  	v16 =	vor.u32 v4, v15;
	vm5 =	vlt.s32 v30, v23;
	v15 =	vperm.xlane v28, v6;
	v28, _, _ =	vpop (xrf0)  }
0x306: {  	vm6 =	veq.s32 v23, $0x7FFFFFFF;
	v23 =	vsel vm5, v30, v23;
	(xrf0) =	vmax.scan.msk.u32 $0xffff, v37;
	v28 =	vxor.u32 $0x80000000, v28  }
0x307: {  	v30 =	vsel vm6, $0x7FFFFFFF, v20;
	v61 =	vsub.s32 $0x0, v23;
	vm6 =	vgt.s32 v28, v15  }
0x308: {  	p6 =	sne.s32 s20, $0x7;
	v30 =	vsel vm5, v22, v30;
	v37 =	vperm.xlane v61, v6;
	v28 =	vsel vm6, v28, v15  }
.Ltmp29:
0x309: {  	vm5 =	vgt.s32 v34, v18;
	v45 =	vsub.s32 $0x80000000, v23;
	v39 =	vld.idx.msk [tilespmem:v17+s19+$0x0], $0xffff;
	v41 =	vsub.s32 $0x0, v28;
	(pc) =	sbr.rel @!p6 .LBB2_51-.Ltmp29, $4  }
0x30a: {  	v38, _, _ =	vpop (xrf0);
	v18 =	vsel vm5, v34, v18;
	v15 =	vld.idx.msk [tilespmem:v19+s26+$0x0], $0xffff;
	v62 =	vxor.u32 $0x80000000, v37;
	vm5 =	veq.s32 v32, v41  }
0x30b: {  	v40 =	vxor.u32 $0x80000000, v38;
	v37 =	vld.idx.msk [tilespmem:v17+s28+$0x0], $0xffff;
	(xrf0) =	vmax.scan.msk.u32 $0xffff, v62;
	vm6 =	vlt.s32 v41, v29;
	v42 =	vnsel vm5, $0x7FFFFFFF, v36  }
0x30c: {  	v44 =	vsub.s32 $0x0, v18;
	v28 =	vld.idx.msk [tilespmem:v16+s28+$0x0], $0xffff;
	v63, _, _ =	vpop (xrf0);
	v18 =	vsel vm6, v41, v29;
	v43 =	vsub.s32 $0x0, v42  }
0x30d: {  	s3 =	simm.s32 $0x7;
	p5 =	por $0x1, $0x1;
	v38 =	vmovc v29;
	v19 =	vld.idx.msk [tilespmem:v16+s19+$0x0], $0xffff;
	(xrf0) =	vmax.scan.msk.u32 $0xffff, v45;
	v45 =	vsub.s32 $0x80000000, v42;
	v46 =	vxor.u32 $0x80000000, v63;
	v42 =	vimm.s32 $0x7FFFFFFF  }
.LBB2_52:
0x30e: {  	v43 =	vperm.xlane v43, v6;
	(xrf0) =	vmax.scan.msk.u32 $0xffff, v45;
	v45 =	vperm.xlane v46, v6  }
0x30f: {  	vm5 =	vmmov vm3;
	vm3 =	vmmov vm4;
	vm4 =	vgt.s32 v38, v41;
	v38 =	vmovc v18;
	s5 =	smov.u32 s3;
	s3 =	sadd.s32 $0x1, s3  }
0x310: {  	v41 =	vmov s21;
	v15 =	vshll.u32 v15, $0x5;
	p6 =	sne.s32 s20, s3;
	v42 =	vsel vm5, v44, v42;
	s21 =	smov.u32 s5  }
0x311: {  	vm6 =	veq.f32 v37, v7;
	v44 =	vor.u32 v4, v15;
	vm5 =	veq.f32 v28, v7  }
0x312: {  	v28 =	vnsel vm6, $0x7FFFFFFF, v39;
	v47 =	vnsel vm5, $0x7FFFFFFF, v19;
	v39 =	vxor.u32 $0x80000000, v43;
	v37, _, _ =	vpop (xrf0)  }
0x313: {  	v43 =	vor.u32 v5, v15;
	vm5 =	vlt.s32 v28, v47;
	v15 =	vxor.u32 $0x80000000, v37;
	(xrf0) =	vmax.scan.msk.u32 $0xffff, v39  }
0x314: {  	vm6 =	veq.s32 v47, $0x7FFFFFFF;
	v46 =	vsel vm5, v28, v47;
	v37 =	vperm.xlane v15, v6;
	v19, _, _ =	vpop (xrf0)  }
0x315: {  	v49 =	vsel vm6, $0x7FFFFFFF, v16;
	v28 =	vsub.s32 $0x0, v46;
	v15 =	vld.idx.msk [tilespmem:v41+s26+$0x0], $0xffff;
	v39 =	vxor.u32 $0x80000000, v19;
	v41, _, _ =	vpop (xrf0)  }
0x316: {  	v47 =	vsel vm5, v17, v49;
	v49 =	vperm.xlane v28, v6;
	v19 =	vld.idx.msk [tilespmem:v44+s19+$0x0], $0xffff;
	vm5 =	vgt.s32 v39, v37  }
.Ltmp30:
0x317: {  	v16 =	vmovc v44;
	v50 =	vxor.u32 $0x80000000, v41;
	v28 =	vld.idx.msk [tilespmem:v44+s28+$0x0], $0xffff;
	v39 =	vsel vm5, v39, v37;
	vm5 =	vgt.s32 v40, v45;
	(pc) =	sbr.rel @p6 .LBB2_52-.Ltmp30, $4  }
0x318: {  	v17 =	vmovc v43;
	v44 =	vxor.u32 $0x80000000, v49;
	v37 =	vld.idx.msk [tilespmem:v43+s28+$0x0], $0xffff;
	v41 =	vsub.s32 $0x0, v39;
	v45 =	vsel vm5, v40, v45;
	v40 =	vmovc v50  }
0x319: {  	v39 =	vld.idx.msk [tilespmem:v43+s19+$0x0], $0xffff;
	(xrf0) =	vmax.scan.msk.u32 $0xffff, v44;
	vm5 =	veq.s32 v23, v41;
	vm6 =	vlt.s32 v41, v18;
	v48, _, _ =	vpop (xrf0);
	v44 =	vsub.s32 $0x0, v45  }
0x31a: {  	v43 =	vsub.s32 $0x80000000, v46;
	v23 =	vmovc v46;
	v45 =	vnsel vm5, $0x7FFFFFFF, v30;
	v18 =	vsel vm6, v41, v18;
	v30 =	vmovc v47  }
0x31b: {  	v46 =	vxor.u32 $0x80000000, v48;
	(xrf0) =	vmax.scan.msk.u32 $0xffff, v43;
	v43 =	vsub.s32 $0x0, v45;
	v45 =	vsub.s32 $0x80000000, v45  }
.Ltmp31:
0x31c: {  	_ = 	snop;
	(pc) =	sbr.rel .LBB2_53-.Ltmp31, $1  }
0x31d: {  	_ =	sdelay $0x3  }
.LBB2_10:
.Ltmp32:
0x31e: {  	(pc) =	sbr.rel .LBB2_25-.Ltmp32, $2  }
0x31f: {  	_ =	sdelay $0x2  }
0x320: {  	v9 =	vmov v10;
	v28 =	vmov v19  }
.LBB2_16:
.Ltmp33:
0x321: {  	_ = 	snop;
	(pc) =	sbr.rel .LBB2_34-.Ltmp33, $2  }
0x322: {  	_ =	sdelay $0x2  }
0x323: {  	v12 =	vmov v6  }
.LBB2_18:
.Ltmp34:
0x324: {  	(pc) =	sbr.rel .LBB2_25-.Ltmp34, $2  }
0x325: {  	_ =	sdelay $0x2  }
0x326: {  	v33 =	vmovc v13;
	v51 =	vmov v10;
	v15 =	vmov v11;
	v28 =	vmov v36  }
.LBB2_27:
.Ltmp35:
0x327: {  	(pc) =	sbr.rel .LBB2_34-.Ltmp35, $2  }
0x328: {  	_ =	sdelay $0x2  }
0x329: {  	v12 =	vmov v7;
	v7 =	vmov v6  }
.LBB2_41:
.Ltmp36:
0x32a: {  	(pc) =	sbr.rel .LBB2_53-.Ltmp36, $3  }
0x32b: {  	_ =	sdelay $0x1  }
0x32c: {  	v18 =	vimm.s32 $0x7FFFFFFF  }
0x32d: {  	s21 =	simm.s32 $0x1;
	v42 =	vimm.s32 $0x7FFFFFFF;
	v29 =	vimm.s32 $0x7FFFFFFF;
	v12 =	vimm.s32 $0x7FFFFFFF  }
.LBB2_20:
.Ltmp37:
0x32e: {  	_ = 	snop;
	(pc) =	sbr.rel .LBB2_25-.Ltmp37, $4  }
0x32f: {  	v33 =	vmovc v29;
	v51 =	vmovc v9;
	v28 =	vmov v19;
	v14 =	vmov v37;
	v32 =	vmov v16  }
0x330: {  	v54 =	vmovc v10;
	v9 =	vmovc v38;
	v45 =	vmov v18;
	v48 =	vmov v20;
	v24 =	vmov v44  }
0x331: {  	v19 =	vmovc v36;
	v55 =	vmovc v11;
	v52 =	vmov v26;
	v29 =	vmov v13;
	v44 =	vmov v23  }
0x332: {  	v36 =	vmovc v17;
	v49 =	vmovc v22;
	v37 =	vmov v21;
	v47 =	vmov v25;
	v50 =	vmov v27  }
.LBB2_29:
.Ltmp38:
0x333: {  	(pc) =	sbr.rel .LBB2_34-.Ltmp38, $2  }
0x334: {  	_ =	sdelay $0x2  }
0x335: {  	v24 =	vmovc v11;
	v17 =	vmov v9;
	v20 =	vmov v6;
	v12 =	vmov v15  }
.LBB2_43:
.Ltmp39:
0x336: {  	(pc) =	sbr.rel .LBB2_53-.Ltmp39, $3  }
0x337: {  	_ =	sdelay $0x1  }
0x338: {  	v18 =	vimm.s32 $0x7FFFFFFF  }
0x339: {  	s21 =	simm.s32 $0x2;
	v42 =	vimm.s32 $0x7FFFFFFF;
	v29 =	vimm.s32 $0x7FFFFFFF;
	v12 =	vimm.s32 $0x7FFFFFFF  }
.LBB2_22:
.Ltmp40:
0x33a: {  	(pc) =	sbr.rel .LBB2_25-.Ltmp40, $3  }
0x33b: {  	_ =	sdelay $0x1  }
0x33c: {  	v54 =	vmov v9  }
0x33d: {  	v55 =	vmovc v15;
	v39 =	vmovc v16;
	v51 =	vmov v38;
	v9 =	vmov v56;
	v15 =	vmov v43  }
.LBB2_31:
.Ltmp41:
0x33e: {  	(pc) =	sbr.rel .LBB2_34-.Ltmp41, $2  }
0x33f: {  	_ =	sdelay $0x2  }
0x340: {  	v20 =	vmov v7;
	v13 =	vmov v6;
	v7 =	vmov v15  }
.LBB2_45:
.Ltmp42:
0x341: {  	(pc) =	sbr.rel .LBB2_53-.Ltmp42, $3  }
0x342: {  	_ =	sdelay $0x1  }
0x343: {  	v18 =	vimm.s32 $0x7FFFFFFF  }
0x344: {  	s21 =	simm.s32 $0x3;
	v42 =	vimm.s32 $0x7FFFFFFF;
	v16 =	vmovc v10;
	v17 =	vmovc v12;
	v29 =	vimm.s32 $0x7FFFFFFF;
	v12 =	vimm.s32 $0x7FFFFFFF  }
.LBB2_47:
.Ltmp43:
0x345: {  	(pc) =	sbr.rel .LBB2_53-.Ltmp43, $3  }
0x346: {  	_ =	sdelay $0x1  }
0x347: {  	v43 =	vmovc v13;
	v38 =	vimm.s32 $0x7FFFFFFF;
	v41 =	vmov v11;
	v45 =	vmov v14  }
0x348: {  	v18 =	vmovc v12;
	v42 =	vimm.s32 $0x7FFFFFFF;
	v23 =	vmovc v9;
	v30 =	vmov v10;
	v29 =	vimm.s32 $0x7FFFFFFF  }
.LBB2_49:
.Ltmp44:
0x349: {  	_ = 	snop;
	(pc) =	sbr.rel .LBB2_53-.Ltmp44, $4  }
0x34a: {  	v43 =	vmov v25;
	v38 =	vmov v12  }
0x34b: {  	v41 =	vmovc v21;
	v45 =	vmovc v27;
	v46 =	vmov v33;
	v18 =	vmov v29;
	vm4 =	vmmov vm2  }
0x34c: {  	v42 =	vimm.s32 $0x7FFFFFFF;
	v16 =	vmovc v20;
	v17 =	vmovc v22;
	v40 =	vmov v34;
	v23 =	vmov v32  }
0x34d: {  	s21 =	simm.s32 $0x5;
	v30 =	vmovc v36;
	v19 =	vmovc v26;
	v28 =	vmov v24;
	v37 =	vmov v31;
	v39 =	vmov v35  }
.LBB2_51:
.Ltmp45:
0x34e: {  	(pc) =	sbr.rel .LBB2_53-.Ltmp45, $2  }
0x34f: {  	_ =	sdelay $0x2  }
0x350: {  	v38 =	vmov v29;
	s21 =	simm.s32 $0x6;
	v42 =	vimm.s32 $0x7FFFFFFF  }
.LBB2_56:
0x351: {  	_ =	sfence.sel $0x180000  }
0x352: {  	[bflag:$0x0] =	sbarrier.arrive $0xFFFF  }
0x353: {  	_ =	strace $0x9000004A  }
0x354: {  	s0 =	stileid.u32;
	[bflag:$0x2] =	sbarrier.arrive $0xFFFF  }
0x355: {  	p0 =	sne.s32 s0, $0x0;
	s0 =	rddreg [dreg:$0x2]  }
0x356: {  	s0 =	sadd.s32 @!p0 $0x100000, s0  }
0x357: {  	[sflag:s0] =	ssyncadd.tile.s32 @!p0 $0x1;
	_ =	shalt  }
.Lfunc_end2:
_tile_overlayer_lowered:
.L_overlay_start_2:
0x358: {  	(tag) =	ssettag $0x2  }
0x359: {  	s0 =	rddreg [dreg:$0x0];
	s2 =	stileid.u32  }
0x35a: {  	s1 =	rddreg [dreg:$0x1];
	p0 =	sne.s32 s2, $0x0  }
0x35b: {  	s3 =	rddreg [dreg:$0x2];
	[bflag:$0x3] =	sbarrier.arrive $0xFFFF;
	s2 =	simm.s32 @!p0 $0x1C01  }
0x35c: {  	[timem:s3], [sflag:s2] =	dma.local @!p0 [hbm:s0], s1  }
0x35d: {  	s0 =	simm.s32 @!p0 $0x1  }
0x35e: {  	_ =	swait.ge @!p0 [sflag:s0], s1  }
0x35f: {  	s1 =	ssub.s32 @!p0 $0x0, s1;
	[sflag:s0] =	ssyncset.done @!p0 $0x0  }
0x360: {  	[sflag:s0] =	ssyncadd.s32 @!p0 s1  }
0x361: {  	[bflag:$0x3] =	sbarrier.arrive $0xFFFF  }
0x362: {  	_ =	shalt  }

</sc_bundles>
